<compile_context>
chip_gen: v7x
topology: tpu7x:2x2x1
jax: 0.10.2.dev20260603
libtpu: 0.0.44.dev20260713+nightly
codegen_flags: <defaults>
</compile_context>

<pallas_src>
import jax
import jax.numpy as jnp
from jax import lax
from jax.experimental import pallas as pl
from jax.experimental.pallas import tpu as pltpu
from jax.experimental.pallas import tpu_sc as plsc

N = 10000
E = 320000
D_IN = 128
H = 64
NC, NS = 2, 16
NW = NC * NS
EPW = E // NW
CH = 125
NCH = EPW // CH
N_PAD = 10240
RPT = N_PAD // NS
D0 = H + 8
NBUF = 4
K_AHEAD = 2


def _make_edge_agg(d, with_deg):
    mesh = plsc.VectorSubcoreMesh(
        core_axis_name="c", subcore_axis_name="s", num_cores=NC, num_subcores=NS)
    K_AHEAD = 3 if d == 8 else 2

    def body(*refs):
        if with_deg:
            (p_hbm, src_hbm, dst_hbm, zero_hbm, zero1_hbm, ones_hbm,
             out_hbm, deg_hbm, srcv, dstv) = refs[:10]
            bufs = refs[10:10 + NBUF]
            onesv, accsh, degsh = refs[10 + NBUF:13 + NBUF]
            gsem = refs[13 + NBUF:13 + 2 * NBUF]
            ssem = refs[13 + 2 * NBUF:13 + 3 * NBUF]
            isem, zsem, dsem = refs[13 + 3 * NBUF:]
        else:
            (p_hbm, src_hbm, dst_hbm, zero_hbm, out_hbm,
             srcv, dstv) = refs[:7]
            bufs = refs[7:7 + NBUF]
            accsh = refs[7 + NBUF]
            gsem = refs[8 + NBUF:8 + 2 * NBUF]
            ssem = refs[8 + 2 * NBUF:8 + 3 * NBUF]
            isem, zsem = refs[8 + 3 * NBUF:]
        c = lax.axis_index("c")
        s = lax.axis_index("s")
        w = c * NS + s
        r0 = s * RPT
        zcp = pltpu.async_copy(
            zero_hbm.at[pl.ds(r0, RPT)], accsh.at[pl.ds(r0, RPT)], zsem)
        if with_deg:
            zcp1 = pltpu.async_copy(
                zero1_hbm.at[pl.ds(r0, RPT)], degsh.at[pl.ds(r0, RPT)], zsem)
            ocp = pltpu.async_copy(ones_hbm, onesv, isem)
        scp = pltpu.async_copy(src_hbm.at[w], srcv, isem)
        dcp = pltpu.async_copy(dst_hbm.at[w], dstv, isem)
        scp.wait()
        dcp.wait()
        if with_deg:
            ocp.wait()
        for b in range(K_AHEAD):
            pltpu.async_copy(p_hbm.at[srcv.at[b]], bufs[b], gsem[b])
        zcp.wait()
        if with_deg:
            zcp1.wait()
        plsc.subcore_barrier()

        def round_(tt, carry):
            for b in range(NBUF):
                j = tt * NBUF + b
                bn = (b + K_AHEAD) % NBUF

                @pl.when(jnp.logical_and(j + K_AHEAD < NCH, j >= NBUF - K_AHEAD))
                def _():
                    pltpu.make_async_copy(
                        bufs[bn], accsh.at[dstv.at[j]], ssem[bn]).wait()

                @pl.when(j + K_AHEAD < NCH)
                def _():
                    pltpu.async_copy(
                        p_hbm.at[srcv.at[j + K_AHEAD]], bufs[bn],
                        gsem[bn])

                pltpu.make_async_copy(
                    p_hbm.at[srcv.at[j]], bufs[b], gsem[b]).wait()
                pltpu.async_copy(
                    bufs[b], accsh.at[dstv.at[j]], ssem[b], add=True)
                if with_deg:
                    @pl.when(j >= NBUF)
                    def _():
                        pltpu.make_async_copy(
                            onesv, degsh.at[dstv.at[j]], dsem).wait()

                    pltpu.async_copy(
                        onesv, degsh.at[dstv.at[j]], dsem, add=True)
            return carry

        lax.fori_loop(0, NCH // NBUF, round_, 0)
        for b in range(NBUF):
            pltpu.make_async_copy(
                bufs[b], accsh.at[dstv.at[0]], ssem[b]).wait()
            if with_deg:
                pltpu.make_async_copy(
                    onesv, degsh.at[dstv.at[0]], dsem).wait()
        plsc.subcore_barrier()
        pltpu.sync_copy(accsh.at[pl.ds(r0, RPT)], out_hbm.at[c, pl.ds(r0, RPT)])
        if with_deg:
            pltpu.sync_copy(
                degsh.at[pl.ds(r0, RPT)], deg_hbm.at[c, pl.ds(r0, RPT)])

    out_type = [jax.ShapeDtypeStruct((NC, N_PAD, d), jnp.float32)]
    bufs_scratch = [pltpu.VMEM((CH, d), jnp.float32) for _ in range(NBUF)]
    sems_scratch = [pltpu.SemaphoreType.DMA for _ in range(2 * NBUF)]
    if with_deg:
        out_type.append(jax.ShapeDtypeStruct((NC, N_PAD, 1), jnp.float32))
        scratch = (
            [pltpu.VMEM((NCH, CH), jnp.int32)] * 2
            + bufs_scratch
            + [pltpu.VMEM((CH, 1), jnp.float32),
               pltpu.VMEM_SHARED((N_PAD, d), jnp.float32),
               pltpu.VMEM_SHARED((N_PAD, 1), jnp.float32)]
            + sems_scratch
            + [pltpu.SemaphoreType.DMA] * 3)
    else:
        scratch = (
            [pltpu.VMEM((NCH, CH), jnp.int32)] * 2
            + bufs_scratch
            + [pltpu.VMEM_SHARED((N_PAD, d), jnp.float32)]
            + sems_scratch
            + [pltpu.SemaphoreType.DMA] * 2)
    return pl.kernel(
        body,
        out_type=out_type,
        mesh=mesh,
        scratch_types=scratch,
        compiler_params=pltpu.CompilerParams(use_tc_tiling_on_sc=False),
    )


_agg_cache = {}


def _edge_agg(d):
    if d not in _agg_cache:
        _agg_cache[d] = _make_edge_agg(d, False)
    return _agg_cache[d]


BLK = 2000
NBLK = N // BLK


def _row_spec(*dims):
    if len(dims) == 1:
        return pl.BlockSpec((BLK, dims[0]), lambda i: (i, 0))
    return pl.BlockSpec((dims[0], BLK, dims[1]), lambda i: (0, i, 0))


def _full_spec(*shape):
    return pl.BlockSpec(shape, lambda i: tuple(0 for _ in shape))


def _mm0_body(x_ref, w_ref, b_ref, s_ref, p_ref):
    ps = jnp.dot(x_ref[...], w_ref[...], preferred_element_type=jnp.float32)
    s_ref[...] = ps[:, :H] + b_ref[...]
    p_ref[:, :H] = ps[:, H:]
    p_ref[:, H:] = jnp.ones((BLK, 8), jnp.float32)


def _cmb1_body(s_ref, acc_ref, w_ref, b_ref, s_out, p_out, inv_ref):
    agg = acc_ref[0, :, :H] + acc_ref[1, :, :H]
    deg = acc_ref[0, :, H:H + 1] + acc_ref[1, :, H:H + 1]
    inv = 1.0 / jnp.maximum(deg, 1.0)
    inv_ref[...] = inv
    h = jnp.maximum(s_ref[...] + agg * inv, 0.0)
    ps = jnp.dot(h, w_ref[...], preferred_element_type=jnp.float32)
    s_out[...] = ps[:, :H] + b_ref[...]
    p_out[...] = ps[:, H:]


def _cmb2_body(s_ref, acc_ref, inv_ref, w_ref, b_ref, s_out, p_out):
    agg = acc_ref[0, :, :] + acc_ref[1, :, :]
    h = jnp.maximum(s_ref[...] + agg * inv_ref[...], 0.0)
    ps = jnp.dot(h, w_ref[...], preferred_element_type=jnp.float32)
    s_out[...] = ps[:, :H] + b_ref[...]
    p_out[...] = ps[:, H:]


def _cmb3_body(s_ref, acc_ref, inv_ref, w_ref, b_ref, s_out, p_out):
    agg = acc_ref[0, :, :] + acc_ref[1, :, :]
    h = jnp.maximum(s_ref[...] + agg * inv_ref[...], 0.0)
    ps = jnp.dot(h, w_ref[...], preferred_element_type=jnp.float32)
    s_out[...] = ps[:, :8] + b_ref[...]
    p_out[...] = ps[:, 8:]


def _fin_body(s_ref, acc_ref, inv_ref, o_ref):
    agg = acc_ref[0, :, 0:1] + acc_ref[1, :, 0:1]
    o_ref[...] = s_ref[:, 0:1] + agg * inv_ref[...]


def _f32(*shape):
    return jax.ShapeDtypeStruct(shape, jnp.float32)


def kernel(x, edge_index, Ws, Wn, bs):
    src = edge_index[0].astype(jnp.int32).reshape(NW, NCH, CH)
    dst = edge_index[1].astype(jnp.int32).reshape(NW, NCH, CH)
    zH = jnp.zeros((N_PAD, H), jnp.float32)
    z0 = jnp.zeros((N_PAD, D0), jnp.float32)
    z8 = jnp.zeros((N_PAD, 8), jnp.float32)

    w0 = jnp.concatenate([Ws[0], Wn[0]], axis=1)
    w1 = jnp.concatenate([Ws[1], Wn[1]], axis=1)
    w2 = jnp.concatenate([Ws[2], Wn[2]], axis=1)
    pad7 = ((0, 0), (0, 7))
    w3 = jnp.concatenate([jnp.pad(Ws[3], pad7), jnp.pad(Wn[3], pad7)], axis=1)
    b3 = jnp.pad(bs[3], (0, 7))

    s0, p0 = pl.pallas_call(
        _mm0_body, grid=(NBLK,),
        in_specs=[_row_spec(D_IN), _full_spec(D_IN, 2 * H), _full_spec(1, H)],
        out_specs=[_row_spec(H), _row_spec(D0)],
        out_shape=[_f32(N, H), _f32(N, D0)])(x, w0, bs[0][None, :])
    acc0, = _edge_agg(D0)(p0, src, dst, z0)

    s1, p1, inv = pl.pallas_call(
        _cmb1_body, grid=(NBLK,),
        in_specs=[_row_spec(H), _row_spec(NC, D0), _full_spec(H, 2 * H),
                  _full_spec(1, H)],
        out_specs=[_row_spec(H), _row_spec(H), _row_spec(1)],
        out_shape=[_f32(N, H), _f32(N, H), _f32(N, 1)])(
            s0, acc0, w1, bs[1][None, :])
    acc1, = _edge_agg(H)(p1, src, dst, zH)

    s2, p2 = pl.pallas_call(
        _cmb2_body, grid=(NBLK,),
        in_specs=[_row_spec(H), _row_spec(NC, H), _row_spec(1),
                  _full_spec(H, 2 * H), _full_spec(1, H)],
        out_specs=[_row_spec(H), _row_spec(H)],
        out_shape=[_f32(N, H), _f32(N, H)])(
            s1, acc1, inv, w2, bs[2][None, :])
    acc2, = _edge_agg(H)(p2, src, dst, zH)

    s3, p3 = pl.pallas_call(
        _cmb3_body, grid=(NBLK,),
        in_specs=[_row_spec(H), _row_spec(NC, H), _row_spec(1),
                  _full_spec(H, 16), _full_spec(1, 8)],
        out_specs=[_row_spec(8), _row_spec(8)],
        out_shape=[_f32(N, 8), _f32(N, 8)])(
            s2, acc2, inv, w3, b3[None, :])
    acc3, = _edge_agg(8)(p3, src, dst, z8)

    out = pl.pallas_call(
        _fin_body, grid=(NBLK,),
        in_specs=[_row_spec(8), _row_spec(NC, 8), _row_spec(1)],
        out_specs=_row_spec(1),
        out_shape=_f32(N, 1))(s3, acc3, inv)
    return jnp.squeeze(out, axis=-1)

# --- scband reference (transcript-rebuilt; emitter-appended) ---
"""Pipeline reference for scband-puphaw-45698452029461 (READ-ONLY COPY).

The authoritative reference and input builder live on the scoring server;
editing this copy changes nothing except your own understanding.
"""

import jax, jax.numpy as jnp
import numpy as np

N = 10000
E = 320000
D = 128
H = 64
L = 4


def setup_inputs(seed: int = 0) -> dict:
    key = jax.random.key(seed)
    ks = jax.random.split(key, 1 + 3 * L)
    x = jax.random.normal(ks[0], (N, D), dtype=jnp.float32)
    rng = np.random.default_rng(0)
    edge_index = jnp.asarray(rng.integers(0, N, size=(2, E), dtype=np.int64))
    in_dims = [D, H, H, H]
    out_dims = [H, H, H, 1]
    Ws, Wn, bs = [], [], []
    for i in range(L):
        s = 1.0 / np.sqrt(in_dims[i])
        Ws.append(jax.random.normal(ks[1 + 3 * i], (in_dims[i], out_dims[i]), dtype=jnp.float32) * s)
        Wn.append(jax.random.normal(ks[2 + 3 * i], (in_dims[i], out_dims[i]), dtype=jnp.float32) * s)
        bs.append(jnp.zeros((out_dims[i],), dtype=jnp.float32))
    return {"x": x, "edge_index": edge_index, "Ws": tuple(Ws), "Wn": tuple(Wn), "bs": tuple(bs)}


def _sage_layer(h, edge_index, W_self, W_neigh, b):
    # GraphSAGE with mean aggregation: h' = h @ W_self + mean_{j in N(i)} h_j @ W_neigh + b
    src = edge_index[0]
    dst = edge_index[1]
    msg = jnp.take(h, src, axis=0)                                   # gather  [E, d]
    agg = jax.ops.segment_sum(msg, dst, num_segments=N)               # scatter-add [N, d]
    deg = jax.ops.segment_sum(jnp.ones((E,), dtype=h.dtype), dst, num_segments=N)
    agg = agg / jnp.maximum(deg, 1.0)[:, None]
    return h @ W_self + agg @ W_neigh + b


def reference(x, edge_index, Ws, Wn, bs):
    h = x
    for i in range(L):
        h = _sage_layer(h, edge_index, Ws[i], Wn[i], bs[i])
        if i < L - 1:
            h = jax.nn.relu(h)
    # final layer has out_dim 1; PUPHAW.forward does .squeeze() -> [N]
    return jnp.squeeze(h, axis=-1)

if __name__ == "__main__":
    import jax
    _d = setup_inputs()
    print(jax.jit(kernel)(*tuple(_d.values())))

</pallas_src>

<mosaic_0001>
#map = affine_map<(d0, d1) -> (0, 0)>
#map1 = affine_map<(d0, d1) -> (0, 0, 0)>
module attributes {stable_mosaic.version = 14 : i64} {
  func.func @body(%arg0: i32, %arg1: i32, %arg2: memref<10000x64xf32, #tpu.memory_space<hbm>>, %arg3: memref<32x80x125xi32, #tpu.memory_space<hbm>>, %arg4: memref<32x80x125xi32, #tpu.memory_space<hbm>>, %arg5: memref<10240x64xf32, #tpu.memory_space<hbm>>, %arg6: memref<2x10240x64xf32, #tpu.memory_space<hbm>>, %arg7: memref<80x125xi32, #tpu.memory_space<vmem>>, %arg8: memref<80x125xi32, #tpu.memory_space<vmem>>, %arg9: memref<125x64xf32, #tpu.memory_space<vmem>>, %arg10: memref<125x64xf32, #tpu.memory_space<vmem>>, %arg11: memref<125x64xf32, #tpu.memory_space<vmem>>, %arg12: memref<125x64xf32, #tpu.memory_space<vmem>>, %arg13: memref<10240x64xf32, #tpu.memory_space<vmem_shared>>, %arg14: memref<!tpu.dma_semaphore, #tpu.memory_space<semaphore_mem>>, %arg15: memref<!tpu.dma_semaphore, #tpu.memory_space<semaphore_mem>>, %arg16: memref<!tpu.dma_semaphore, #tpu.memory_space<semaphore_mem>>, %arg17: memref<!tpu.dma_semaphore, #tpu.memory_space<semaphore_mem>>, %arg18: memref<!tpu.dma_semaphore, #tpu.memory_space<semaphore_mem>>, %arg19: memref<!tpu.dma_semaphore, #tpu.memory_space<semaphore_mem>>, %arg20: memref<!tpu.dma_semaphore, #tpu.memory_space<semaphore_mem>>, %arg21: memref<!tpu.dma_semaphore, #tpu.memory_space<semaphore_mem>>, %arg22: memref<!tpu.dma_semaphore, #tpu.memory_space<semaphore_mem>>, %arg23: memref<!tpu.dma_semaphore, #tpu.memory_space<semaphore_mem>>) attributes {dimension_semantics = [#tpu.dimension_semantics<core_parallel>, #tpu.dimension_semantics<subcore_parallel>], iteration_bounds = array<i64: 2, 16>, scalar_prefetch = 0 : i64, scratch_operands = 17 : i64, tpu.core_type = #tpu.core_type<sc_vector_subcore>, window_params = [{transform_indices = #map}, {transform_indices = #map1}, {transform_indices = #map1}, {transform_indices = #map}, {transform_indices = #map1}]} {
    %mul3A = arith.constant 16 : i32
    %mul3A_0 = arith.muli %arg0, %mul3A : i32
    %add3A = arith.addi %mul3A_0, %arg1 : i32
    %mul3A_1 = arith.constant 640 : i32
    %mul3A_2 = arith.muli %arg1, %mul3A_1 : i32
    %dma_start3A = arith.constant 0 : i32
    %dma_start3A_3 = tpu.memref_slice %arg13[%mul3A_2, %dma_start3A] : memref<10240x64xf32, #tpu.memory_space<vmem_shared>> -> memref<640x64xf32, #tpu.memory_space<vmem_shared>>
    %dma_start3A_4 = arith.constant 0 : i32
    %dma_start3A_5 = tpu.memref_slice %arg5[%mul3A_2, %dma_start3A_4] : memref<10240x64xf32, #tpu.memory_space<hbm>> -> memref<640x64xf32, #tpu.memory_space<hbm>>
    tpu.enqueue_dma source(%dma_start3A_5 : memref<640x64xf32, #tpu.memory_space<hbm>>) target(%dma_start3A_3 : memref<640x64xf32, #tpu.memory_space<vmem_shared>>) target_semaphore(%arg23 : memref<!tpu.dma_semaphore, #tpu.memory_space<semaphore_mem>>)
    %dma_start3A_6 = arith.constant 0 : i32
    %dma_start3A_7 = arith.constant 0 : i32
    %dma_start3A_8 = tpu.memref_slice %arg3[%add3A, %dma_start3A_6, %dma_start3A_7] : memref<32x80x125xi32, #tpu.memory_space<hbm>> -> memref<1x80x125xi32, #tpu.memory_space<hbm>>
    %dma_start3A_9 = tpu.memref_squeeze %dma_start3A_8 : memref<1x80x125xi32, #tpu.memory_space<hbm>> -> memref<80x125xi32, #tpu.memory_space<hbm>>
    %dma_start3A_10 = arith.constant 0 : i32
    %dma_start3A_11 = arith.constant 0 : i32
    %dma_start3A_12 = tpu.memref_slice %arg3[%add3A, %dma_start3A_10, %dma_start3A_11] : memref<32x80x125xi32, #tpu.memory_space<hbm>> -> memref<1x80x125xi32, #tpu.memory_space<hbm>>
    %dma_start3A_13 = tpu.memref_squeeze %dma_start3A_12 : memref<1x80x125xi32, #tpu.memory_space<hbm>> -> memref<80x125xi32, #tpu.memory_space<hbm>>
    tpu.enqueue_dma source(%dma_start3A_13 : memref<80x125xi32, #tpu.memory_space<hbm>>) target(%arg7 : memref<80x125xi32, #tpu.memory_space<vmem>>) target_semaphore(%arg22 : memref<!tpu.dma_semaphore, #tpu.memory_space<semaphore_mem>>)
    %dma_start3A_14 = arith.constant 0 : i32
    %dma_start3A_15 = arith.constant 0 : i32
    %dma_start3A_16 = tpu.memref_slice %arg4[%add3A, %dma_start3A_14, %dma_start3A_15] : memref<32x80x125xi32, #tpu.memory_space<hbm>> -> memref<1x80x125xi32, #tpu.memory_space<hbm>>
    %dma_start3A_17 = tpu.memref_squeeze %dma_start3A_16 : memref<1x80x125xi32, #tpu.memory_space<hbm>> -> memref<80x125xi32, #tpu.memory_space<hbm>>
    %dma_start3A_18 = arith.constant 0 : i32
    %dma_start3A_19 = arith.constant 0 : i32
    %dma_start3A_20 = tpu.memref_slice %arg4[%add3A, %dma_start3A_18, %dma_start3A_19] : memref<32x80x125xi32, #tpu.memory_space<hbm>> -> memref<1x80x125xi32, #tpu.memory_space<hbm>>
    %dma_start3A_21 = tpu.memref_squeeze %dma_start3A_20 : memref<1x80x125xi32, #tpu.memory_space<hbm>> -> memref<80x125xi32, #tpu.memory_space<hbm>>
    tpu.enqueue_dma source(%dma_start3A_21 : memref<80x125xi32, #tpu.memory_space<hbm>>) target(%arg8 : memref<80x125xi32, #tpu.memory_space<vmem>>) target_semaphore(%arg22 : memref<!tpu.dma_semaphore, #tpu.memory_space<semaphore_mem>>)
    %dma_wait3A = arith.constant 0 : i32
    %dma_wait3A_22 = arith.constant 0 : i32
    %dma_wait3A_23 = tpu.memref_slice %arg3[%add3A, %dma_wait3A, %dma_wait3A_22] : memref<32x80x125xi32, #tpu.memory_space<hbm>> -> memref<1x80x125xi32, #tpu.memory_space<hbm>>
    %dma_wait3A_24 = tpu.memref_squeeze %dma_wait3A_23 : memref<1x80x125xi32, #tpu.memory_space<hbm>> -> memref<80x125xi32, #tpu.memory_space<hbm>>
    %dma_wait3A_25 = arith.constant 0 : i32
    %dma_wait3A_26 = arith.constant 0 : i32
    %dma_wait3A_27 = tpu.memref_slice %arg3[%add3A, %dma_wait3A_25, %dma_wait3A_26] : memref<32x80x125xi32, #tpu.memory_space<hbm>> -> memref<1x80x125xi32, #tpu.memory_space<hbm>>
    %dma_wait3A_28 = tpu.memref_squeeze %dma_wait3A_27 : memref<1x80x125xi32, #tpu.memory_space<hbm>> -> memref<80x125xi32, #tpu.memory_space<hbm>>
    tpu.wait_dma2 semaphore(%arg22 : memref<!tpu.dma_semaphore, #tpu.memory_space<semaphore_mem>>) src(%dma_wait3A_28 : memref<80x125xi32, #tpu.memory_space<hbm>>) dst(%arg7 : memref<80x125xi32, #tpu.memory_space<vmem>>)
    %dma_wait3A_29 = arith.constant 0 : i32
    %dma_wait3A_30 = arith.constant 0 : i32
    %dma_wait3A_31 = tpu.memref_slice %arg4[%add3A, %dma_wait3A_29, %dma_wait3A_30] : memref<32x80x125xi32, #tpu.memory_space<hbm>> -> memref<1x80x125xi32, #tpu.memory_space<hbm>>
    %dma_wait3A_32 = tpu.memref_squeeze %dma_wait3A_31 : memref<1x80x125xi32, #tpu.memory_space<hbm>> -> memref<80x125xi32, #tpu.memory_space<hbm>>
    %dma_wait3A_33 = arith.constant 0 : i32
    %dma_wait3A_34 = arith.constant 0 : i32
    %dma_wait3A_35 = tpu.memref_slice %arg4[%add3A, %dma_wait3A_33, %dma_wait3A_34] : memref<32x80x125xi32, #tpu.memory_space<hbm>> -> memref<1x80x125xi32, #tpu.memory_space<hbm>>
    %dma_wait3A_36 = tpu.memref_squeeze %dma_wait3A_35 : memref<1x80x125xi32, #tpu.memory_space<hbm>> -> memref<80x125xi32, #tpu.memory_space<hbm>>
    tpu.wait_dma2 semaphore(%arg22 : memref<!tpu.dma_semaphore, #tpu.memory_space<semaphore_mem>>) src(%dma_wait3A_36 : memref<80x125xi32, #tpu.memory_space<hbm>>) dst(%arg8 : memref<80x125xi32, #tpu.memory_space<vmem>>)
    %dma_start3A_37 = arith.constant 0 : i32
    %dma_start3A_38 = arith.constant 0 : i32
    %dma_start3A_39 = tpu.memref_slice %arg7[%dma_start3A_37, %dma_start3A_38] : memref<80x125xi32, #tpu.memory_space<vmem>> -> memref<1x125xi32, #tpu.memory_space<vmem>>
    %dma_start3A_40 = tpu.memref_squeeze %dma_start3A_39 : memref<1x125xi32, #tpu.memory_space<vmem>> -> memref<125xi32, #tpu.memory_space<vmem>>
    %dma_start3A_41 = arith.constant 0 : i32
    %dma_start3A_42 = arith.constant 0 : i32
    %dma_start3A_43 = tpu.memref_slice %arg2[%dma_start3A_41, %dma_start3A_42] : memref<10000x64xf32, #tpu.memory_space<hbm>> -> memref<10000x64xf32, #tpu.memory_space<hbm>>
    tpu.enqueue_indirect_dma source(%dma_start3A_43 : memref<10000x64xf32, #tpu.memory_space<hbm>>) target(%arg9 : memref<125x64xf32, #tpu.memory_space<vmem>>) offsets(%dma_start3A_40 : memref<125xi32, #tpu.memory_space<vmem>>) semaphore(%arg14 : memref<!tpu.dma_semaphore, #tpu.memory_space<semaphore_mem>>)
    %dma_start3A_44 = arith.constant 1 : i32
    %dma_start3A_45 = arith.constant 0 : i32
    %dma_start3A_46 = tpu.memref_slice %arg7[%dma_start3A_44, %dma_start3A_45] : memref<80x125xi32, #tpu.memory_space<vmem>> -> memref<1x125xi32, #tpu.memory_space<vmem>>
    %dma_start3A_47 = tpu.memref_squeeze %dma_start3A_46 : memref<1x125xi32, #tpu.memory_space<vmem>> -> memref<125xi32, #tpu.memory_space<vmem>>
    %dma_start3A_48 = arith.constant 0 : i32
    %dma_start3A_49 = arith.constant 0 : i32
    %dma_start3A_50 = tpu.memref_slice %arg2[%dma_start3A_48, %dma_start3A_49] : memref<10000x64xf32, #tpu.memory_space<hbm>> -> memref<10000x64xf32, #tpu.memory_space<hbm>>
    tpu.enqueue_indirect_dma source(%dma_start3A_50 : memref<10000x64xf32, #tpu.memory_space<hbm>>) target(%arg10 : memref<125x64xf32, #tpu.memory_space<vmem>>) offsets(%dma_start3A_47 : memref<125xi32, #tpu.memory_space<vmem>>) semaphore(%arg15 : memref<!tpu.dma_semaphore, #tpu.memory_space<semaphore_mem>>)
    %dma_wait3A_51 = arith.constant 0 : i32
    %dma_wait3A_52 = tpu.memref_slice %arg13[%mul3A_2, %dma_wait3A_51] : memref<10240x64xf32, #tpu.memory_space<vmem_shared>> -> memref<640x64xf32, #tpu.memory_space<vmem_shared>>
    %dma_wait3A_53 = arith.constant 0 : i32
    %dma_wait3A_54 = tpu.memref_slice %arg5[%mul3A_2, %dma_wait3A_53] : memref<10240x64xf32, #tpu.memory_space<hbm>> -> memref<640x64xf32, #tpu.memory_space<hbm>>
    tpu.wait_dma2 semaphore(%arg23 : memref<!tpu.dma_semaphore, #tpu.memory_space<semaphore_mem>>) src(%dma_wait3A_54 : memref<640x64xf32, #tpu.memory_space<hbm>>) dst(%dma_wait3A_52 : memref<640x64xf32, #tpu.memory_space<vmem_shared>>)
    %barrier3A = arith.constant 0 : index
    tpu.barrier barrier_id(%barrier3A)
    %scan3A = arith.constant 0 : i32
    %scan3A_55 = arith.constant 0 : i32
    %scan3A_56 = arith.constant 20 : i32
    %scan3A_57 = arith.addi %scan3A_55, %scan3A_56 : i32
    %scan3A_58 = arith.constant 1 : i32
    scf.for %scan3A_89 = %scan3A_55 to %scan3A_57 step %scan3A_58  : i32 {
      %mul3A_90 = arith.constant 4 : i32
      %mul3A_91 = arith.muli %scan3A_89, %mul3A_90 : i32
      %add3A_92 = arith.constant 0 : i32
      %add3A_93 = arith.addi %mul3A_91, %add3A_92 : i32
      %add3A_94 = arith.constant 2 : i32
      %add3A_95 = arith.addi %add3A_93, %add3A_94 : i32
      %lt3A = arith.constant 80 : i32
      %lt3A_96 = arith.cmpi slt, %add3A_95, %lt3A : i32
      %ge3A = arith.constant 2 : i32
      %ge3A_97 = arith.cmpi sge, %add3A_93, %ge3A : i32
      %and3A = arith.andi %lt3A_96, %ge3A_97 : i1
      %convert_element_type3A = arith.extui %and3A : i1 to i32
      %cond3A = arith.constant 0 : i32
      %cond3A_98 = arith.cmpi ne, %convert_element_type3A, %cond3A : i32
      scf.if %cond3A_98 {
        %dma_wait3A_217 = arith.constant 0 : i32
        %dma_wait3A_218 = tpu.memref_slice %arg8[%add3A_93, %dma_wait3A_217] : memref<80x125xi32, #tpu.memory_space<vmem>> -> memref<1x125xi32, #tpu.memory_space<vmem>>
        %dma_wait3A_219 = tpu.memref_squeeze %dma_wait3A_218 : memref<1x125xi32, #tpu.memory_space<vmem>> -> memref<125xi32, #tpu.memory_space<vmem>>
        %dma_wait3A_220 = arith.constant 0 : i32
        %dma_wait3A_221 = arith.constant 0 : i32
        %dma_wait3A_222 = tpu.memref_slice %arg13[%dma_wait3A_220, %dma_wait3A_221] : memref<10240x64xf32, #tpu.memory_space<vmem_shared>> -> memref<10240x64xf32, #tpu.memory_space<vmem_shared>>
        tpu.wait_indirect_dma semaphore(%arg20 : memref<!tpu.dma_semaphore, #tpu.memory_space<semaphore_mem>>) src(%arg11 : memref<125x64xf32, #tpu.memory_space<vmem>>) dst(%dma_wait3A_222 : memref<10240x64xf32, #tpu.memory_space<vmem_shared>>)
      } else {
      }
      %add3A_99 = arith.constant 2 : i32
      %add3A_100 = arith.addi %add3A_93, %add3A_99 : i32
      %lt3A_101 = arith.constant 80 : i32
      %lt3A_102 = arith.cmpi slt, %add3A_100, %lt3A_101 : i32
      %convert_element_type3A_103 = arith.extui %lt3A_102 : i1 to i32
      %cond3A_104 = arith.constant 0 : i32
      %cond3A_105 = arith.cmpi ne, %convert_element_type3A_103, %cond3A_104 : i32
      scf.if %cond3A_105 {
        %add3A_217 = arith.constant 2 : i32
        %add3A_218 = arith.addi %add3A_93, %add3A_217 : i32
        %dma_start3A_219 = arith.constant 0 : i32
        %dma_start3A_220 = tpu.memref_slice %arg7[%add3A_218, %dma_start3A_219] : memref<80x125xi32, #tpu.memory_space<vmem>> -> memref<1x125xi32, #tpu.memory_space<vmem>>
        %dma_start3A_221 = tpu.memref_squeeze %dma_start3A_220 : memref<1x125xi32, #tpu.memory_space<vmem>> -> memref<125xi32, #tpu.memory_space<vmem>>
        %dma_start3A_222 = arith.constant 0 : i32
        %dma_start3A_223 = arith.constant 0 : i32
        %dma_start3A_224 = tpu.memref_slice %arg2[%dma_start3A_222, %dma_start3A_223] : memref<10000x64xf32, #tpu.memory_space<hbm>> -> memref<10000x64xf32, #tpu.memory_space<hbm>>
        tpu.enqueue_indirect_dma source(%dma_start3A_224 : memref<10000x64xf32, #tpu.memory_space<hbm>>) target(%arg11 : memref<125x64xf32, #tpu.memory_space<vmem>>) offsets(%dma_start3A_221 : memref<125xi32, #tpu.memory_space<vmem>>) semaphore(%arg16 : memref<!tpu.dma_semaphore, #tpu.memory_space<semaphore_mem>>)
      } else {
      }
      %dma_wait3A_106 = arith.constant 0 : i32
      %dma_wait3A_107 = tpu.memref_slice %arg7[%add3A_93, %dma_wait3A_106] : memref<80x125xi32, #tpu.memory_space<vmem>> -> memref<1x125xi32, #tpu.memory_space<vmem>>
      %dma_wait3A_108 = tpu.memref_squeeze %dma_wait3A_107 : memref<1x125xi32, #tpu.memory_space<vmem>> -> memref<125xi32, #tpu.memory_space<vmem>>
      %dma_wait3A_109 = arith.constant 0 : i32
      %dma_wait3A_110 = arith.constant 0 : i32
      %dma_wait3A_111 = tpu.memref_slice %arg2[%dma_wait3A_109, %dma_wait3A_110] : memref<10000x64xf32, #tpu.memory_space<hbm>> -> memref<10000x64xf32, #tpu.memory_space<hbm>>
      tpu.wait_indirect_dma semaphore(%arg14 : memref<!tpu.dma_semaphore, #tpu.memory_space<semaphore_mem>>) src(%dma_wait3A_111 : memref<10000x64xf32, #tpu.memory_space<hbm>>) dst(%arg9 : memref<125x64xf32, #tpu.memory_space<vmem>>)
      %dma_start3A_112 = arith.constant 0 : i32
      %dma_start3A_113 = tpu.memref_slice %arg8[%add3A_93, %dma_start3A_112] : memref<80x125xi32, #tpu.memory_space<vmem>> -> memref<1x125xi32, #tpu.memory_space<vmem>>
      %dma_start3A_114 = tpu.memref_squeeze %dma_start3A_113 : memref<1x125xi32, #tpu.memory_space<vmem>> -> memref<125xi32, #tpu.memory_space<vmem>>
      %dma_start3A_115 = arith.constant 0 : i32
      %dma_start3A_116 = arith.constant 0 : i32
      %dma_start3A_117 = tpu.memref_slice %arg13[%dma_start3A_115, %dma_start3A_116] : memref<10240x64xf32, #tpu.memory_space<vmem_shared>> -> memref<10240x64xf32, #tpu.memory_space<vmem_shared>>
      tpu.enqueue_indirect_dma source(%arg9 : memref<125x64xf32, #tpu.memory_space<vmem>>) target(%dma_start3A_117 : memref<10240x64xf32, #tpu.memory_space<vmem_shared>>) offsets(%dma_start3A_114 : memref<125xi32, #tpu.memory_space<vmem>>) semaphore(%arg18 : memref<!tpu.dma_semaphore, #tpu.memory_space<semaphore_mem>>) {add = true}
      %mul3A_118 = arith.constant 4 : i32
      %mul3A_119 = arith.muli %scan3A_89, %mul3A_118 : i32
      %add3A_120 = arith.constant 1 : i32
      %add3A_121 = arith.addi %mul3A_119, %add3A_120 : i32
      %add3A_122 = arith.constant 2 : i32
      %add3A_123 = arith.addi %add3A_121, %add3A_122 : i32
      %lt3A_124 = arith.constant 80 : i32
      %lt3A_125 = arith.cmpi slt, %add3A_123, %lt3A_124 : i32
      %ge3A_126 = arith.constant 2 : i32
      %ge3A_127 = arith.cmpi sge, %add3A_121, %ge3A_126 : i32
      %and3A_128 = arith.andi %lt3A_125, %ge3A_127 : i1
      %convert_element_type3A_129 = arith.extui %and3A_128 : i1 to i32
      %cond3A_130 = arith.constant 0 : i32
      %cond3A_131 = arith.cmpi ne, %convert_element_type3A_129, %cond3A_130 : i32
      scf.if %cond3A_131 {
        %dma_wait3A_217 = arith.constant 0 : i32
        %dma_wait3A_218 = tpu.memref_slice %arg8[%add3A_121, %dma_wait3A_217] : memref<80x125xi32, #tpu.memory_space<vmem>> -> memref<1x125xi32, #tpu.memory_space<vmem>>
        %dma_wait3A_219 = tpu.memref_squeeze %dma_wait3A_218 : memref<1x125xi32, #tpu.memory_space<vmem>> -> memref<125xi32, #tpu.memory_space<vmem>>
        %dma_wait3A_220 = arith.constant 0 : i32
        %dma_wait3A_221 = arith.constant 0 : i32
        %dma_wait3A_222 = tpu.memref_slice %arg13[%dma_wait3A_220, %dma_wait3A_221] : memref<10240x64xf32, #tpu.memory_space<vmem_shared>> -> memref<10240x64xf32, #tpu.memory_space<vmem_shared>>
        tpu.wait_indirect_dma semaphore(%arg21 : memref<!tpu.dma_semaphore, #tpu.memory_space<semaphore_mem>>) src(%arg12 : memref<125x64xf32, #tpu.memory_space<vmem>>) dst(%dma_wait3A_222 : memref<10240x64xf32, #tpu.memory_space<vmem_shared>>)
      } else {
      }
      %add3A_132 = arith.constant 2 : i32
      %add3A_133 = arith.addi %add3A_121, %add3A_132 : i32
      %lt3A_134 = arith.constant 80 : i32
      %lt3A_135 = arith.cmpi slt, %add3A_133, %lt3A_134 : i32
      %convert_element_type3A_136 = arith.extui %lt3A_135 : i1 to i32
      %cond3A_137 = arith.constant 0 : i32
      %cond3A_138 = arith.cmpi ne, %convert_element_type3A_136, %cond3A_137 : i32
      scf.if %cond3A_138 {
        %add3A_217 = arith.constant 2 : i32
        %add3A_218 = arith.addi %add3A_121, %add3A_217 : i32
        %dma_start3A_219 = arith.constant 0 : i32
        %dma_start3A_220 = tpu.memref_slice %arg7[%add3A_218, %dma_start3A_219] : memref<80x125xi32, #tpu.memory_space<vmem>> -> memref<1x125xi32, #tpu.memory_space<vmem>>
        %dma_start3A_221 = tpu.memref_squeeze %dma_start3A_220 : memref<1x125xi32, #tpu.memory_space<vmem>> -> memref<125xi32, #tpu.memory_space<vmem>>
        %dma_start3A_222 = arith.constant 0 : i32
        %dma_start3A_223 = arith.constant 0 : i32
        %dma_start3A_224 = tpu.memref_slice %arg2[%dma_start3A_222, %dma_start3A_223] : memref<10000x64xf32, #tpu.memory_space<hbm>> -> memref<10000x64xf32, #tpu.memory_space<hbm>>
        tpu.enqueue_indirect_dma source(%dma_start3A_224 : memref<10000x64xf32, #tpu.memory_space<hbm>>) target(%arg12 : memref<125x64xf32, #tpu.memory_space<vmem>>) offsets(%dma_start3A_221 : memref<125xi32, #tpu.memory_space<vmem>>) semaphore(%arg17 : memref<!tpu.dma_semaphore, #tpu.memory_space<semaphore_mem>>)
      } else {
      }
      %dma_wait3A_139 = arith.constant 0 : i32
      %dma_wait3A_140 = tpu.memref_slice %arg7[%add3A_121, %dma_wait3A_139] : memref<80x125xi32, #tpu.memory_space<vmem>> -> memref<1x125xi32, #tpu.memory_space<vmem>>
      %dma_wait3A_141 = tpu.memref_squeeze %dma_wait3A_140 : memref<1x125xi32, #tpu.memory_space<vmem>> -> memref<125xi32, #tpu.memory_space<vmem>>
      %dma_wait3A_142 = arith.constant 0 : i32
      %dma_wait3A_143 = arith.constant 0 : i32
      %dma_wait3A_144 = tpu.memref_slice %arg2[%dma_wait3A_142, %dma_wait3A_143] : memref<10000x64xf32, #tpu.memory_space<hbm>> -> memref<10000x64xf32, #tpu.memory_space<hbm>>
      tpu.wait_indirect_dma semaphore(%arg15 : memref<!tpu.dma_semaphore, #tpu.memory_space<semaphore_mem>>) src(%dma_wait3A_144 : memref<10000x64xf32, #tpu.memory_space<hbm>>) dst(%arg10 : memref<125x64xf32, #tpu.memory_space<vmem>>)
      %dma_start3A_145 = arith.constant 0 : i32
      %dma_start3A_146 = tpu.memref_slice %arg8[%add3A_121, %dma_start3A_145] : memref<80x125xi32, #tpu.memory_space<vmem>> -> memref<1x125xi32, #tpu.memory_space<vmem>>
      %dma_start3A_147 = tpu.memref_squeeze %dma_start3A_146 : memref<1x125xi32, #tpu.memory_space<vmem>> -> memref<125xi32, #tpu.memory_space<vmem>>
      %dma_start3A_148 = arith.constant 0 : i32
      %dma_start3A_149 = arith.constant 0 : i32
      %dma_start3A_150 = tpu.memref_slice %arg13[%dma_start3A_148, %dma_start3A_149] : memref<10240x64xf32, #tpu.memory_space<vmem_shared>> -> memref<10240x64xf32, #tpu.memory_space<vmem_shared>>
      tpu.enqueue_indirect_dma source(%arg10 : memref<125x64xf32, #tpu.memory_space<vmem>>) target(%dma_start3A_150 : memref<10240x64xf32, #tpu.memory_space<vmem_shared>>) offsets(%dma_start3A_147 : memref<125xi32, #tpu.memory_space<vmem>>) semaphore(%arg19 : memref<!tpu.dma_semaphore, #tpu.memory_space<semaphore_mem>>) {add = true}
      %mul3A_151 = arith.constant 4 : i32
      %mul3A_152 = arith.muli %scan3A_89, %mul3A_151 : i32
      %add3A_153 = arith.constant 2 : i32
      %add3A_154 = arith.addi %mul3A_152, %add3A_153 : i32
      %add3A_155 = arith.constant 2 : i32
      %add3A_156 = arith.addi %add3A_154, %add3A_155 : i32
      %lt3A_157 = arith.constant 80 : i32
      %lt3A_158 = arith.cmpi slt, %add3A_156, %lt3A_157 : i32
      %ge3A_159 = arith.constant 2 : i32
      %ge3A_160 = arith.cmpi sge, %add3A_154, %ge3A_159 : i32
      %and3A_161 = arith.andi %lt3A_158, %ge3A_160 : i1
      %convert_element_type3A_162 = arith.extui %and3A_161 : i1 to i32
      %cond3A_163 = arith.constant 0 : i32
      %cond3A_164 = arith.cmpi ne, %convert_element_type3A_162, %cond3A_163 : i32
      scf.if %cond3A_164 {
        %dma_wait3A_217 = arith.constant 0 : i32
        %dma_wait3A_218 = tpu.memref_slice %arg8[%add3A_154, %dma_wait3A_217] : memref<80x125xi32, #tpu.memory_space<vmem>> -> memref<1x125xi32, #tpu.memory_space<vmem>>
        %dma_wait3A_219 = tpu.memref_squeeze %dma_wait3A_218 : memref<1x125xi32, #tpu.memory_space<vmem>> -> memref<125xi32, #tpu.memory_space<vmem>>
        %dma_wait3A_220 = arith.constant 0 : i32
        %dma_wait3A_221 = arith.constant 0 : i32
        %dma_wait3A_222 = tpu.memref_slice %arg13[%dma_wait3A_220, %dma_wait3A_221] : memref<10240x64xf32, #tpu.memory_space<vmem_shared>> -> memref<10240x64xf32, #tpu.memory_space<vmem_shared>>
        tpu.wait_indirect_dma semaphore(%arg18 : memref<!tpu.dma_semaphore, #tpu.memory_space<semaphore_mem>>) src(%arg9 : memref<125x64xf32, #tpu.memory_space<vmem>>) dst(%dma_wait3A_222 : memref<10240x64xf32, #tpu.memory_space<vmem_shared>>)
      } else {
      }
      %add3A_165 = arith.constant 2 : i32
      %add3A_166 = arith.addi %add3A_154, %add3A_165 : i32
      %lt3A_167 = arith.constant 80 : i32
      %lt3A_168 = arith.cmpi slt, %add3A_166, %lt3A_167 : i32
      %convert_element_type3A_169 = arith.extui %lt3A_168 : i1 to i32
      %cond3A_170 = arith.constant 0 : i32
      %cond3A_171 = arith.cmpi ne, %convert_element_type3A_169, %cond3A_170 : i32
      scf.if %cond3A_171 {
        %add3A_217 = arith.constant 2 : i32
        %add3A_218 = arith.addi %add3A_154, %add3A_217 : i32
        %dma_start3A_219 = arith.constant 0 : i32
        %dma_start3A_220 = tpu.memref_slice %arg7[%add3A_218, %dma_start3A_219] : memref<80x125xi32, #tpu.memory_space<vmem>> -> memref<1x125xi32, #tpu.memory_space<vmem>>
        %dma_start3A_221 = tpu.memref_squeeze %dma_start3A_220 : memref<1x125xi32, #tpu.memory_space<vmem>> -> memref<125xi32, #tpu.memory_space<vmem>>
        %dma_start3A_222 = arith.constant 0 : i32
        %dma_start3A_223 = arith.constant 0 : i32
        %dma_start3A_224 = tpu.memref_slice %arg2[%dma_start3A_222, %dma_start3A_223] : memref<10000x64xf32, #tpu.memory_space<hbm>> -> memref<10000x64xf32, #tpu.memory_space<hbm>>
        tpu.enqueue_indirect_dma source(%dma_start3A_224 : memref<10000x64xf32, #tpu.memory_space<hbm>>) target(%arg9 : memref<125x64xf32, #tpu.memory_space<vmem>>) offsets(%dma_start3A_221 : memref<125xi32, #tpu.memory_space<vmem>>) semaphore(%arg14 : memref<!tpu.dma_semaphore, #tpu.memory_space<semaphore_mem>>)
      } else {
      }
      %dma_wait3A_172 = arith.constant 0 : i32
      %dma_wait3A_173 = tpu.memref_slice %arg7[%add3A_154, %dma_wait3A_172] : memref<80x125xi32, #tpu.memory_space<vmem>> -> memref<1x125xi32, #tpu.memory_space<vmem>>
      %dma_wait3A_174 = tpu.memref_squeeze %dma_wait3A_173 : memref<1x125xi32, #tpu.memory_space<vmem>> -> memref<125xi32, #tpu.memory_space<vmem>>
      %dma_wait3A_175 = arith.constant 0 : i32
      %dma_wait3A_176 = arith.constant 0 : i32
      %dma_wait3A_177 = tpu.memref_slice %arg2[%dma_wait3A_175, %dma_wait3A_176] : memref<10000x64xf32, #tpu.memory_space<hbm>> -> memref<10000x64xf32, #tpu.memory_space<hbm>>
      tpu.wait_indirect_dma semaphore(%arg16 : memref<!tpu.dma_semaphore, #tpu.memory_space<semaphore_mem>>) src(%dma_wait3A_177 : memref<10000x64xf32, #tpu.memory_space<hbm>>) dst(%arg11 : memref<125x64xf32, #tpu.memory_space<vmem>>)
      %dma_start3A_178 = arith.constant 0 : i32
      %dma_start3A_179 = tpu.memref_slice %arg8[%add3A_154, %dma_start3A_178] : memref<80x125xi32, #tpu.memory_space<vmem>> -> memref<1x125xi32, #tpu.memory_space<vmem>>
      %dma_start3A_180 = tpu.memref_squeeze %dma_start3A_179 : memref<1x125xi32, #tpu.memory_space<vmem>> -> memref<125xi32, #tpu.memory_space<vmem>>
      %dma_start3A_181 = arith.constant 0 : i32
      %dma_start3A_182 = arith.constant 0 : i32
      %dma_start3A_183 = tpu.memref_slice %arg13[%dma_start3A_181, %dma_start3A_182] : memref<10240x64xf32, #tpu.memory_space<vmem_shared>> -> memref<10240x64xf32, #tpu.memory_space<vmem_shared>>
      tpu.enqueue_indirect_dma source(%arg11 : memref<125x64xf32, #tpu.memory_space<vmem>>) target(%dma_start3A_183 : memref<10240x64xf32, #tpu.memory_space<vmem_shared>>) offsets(%dma_start3A_180 : memref<125xi32, #tpu.memory_space<vmem>>) semaphore(%arg20 : memref<!tpu.dma_semaphore, #tpu.memory_space<semaphore_mem>>) {add = true}
      %mul3A_184 = arith.constant 4 : i32
      %mul3A_185 = arith.muli %scan3A_89, %mul3A_184 : i32
      %add3A_186 = arith.constant 3 : i32
      %add3A_187 = arith.addi %mul3A_185, %add3A_186 : i32
      %add3A_188 = arith.constant 2 : i32
      %add3A_189 = arith.addi %add3A_187, %add3A_188 : i32
      %lt3A_190 = arith.constant 80 : i32
      %lt3A_191 = arith.cmpi slt, %add3A_189, %lt3A_190 : i32
      %ge3A_192 = arith.constant 2 : i32
      %ge3A_193 = arith.cmpi sge, %add3A_187, %ge3A_192 : i32
      %and3A_194 = arith.andi %lt3A_191, %ge3A_193 : i1
      %convert_element_type3A_195 = arith.extui %and3A_194 : i1 to i32
      %cond3A_196 = arith.constant 0 : i32
      %cond3A_197 = arith.cmpi ne, %convert_element_type3A_195, %cond3A_196 : i32
      scf.if %cond3A_197 {
        %dma_wait3A_217 = arith.constant 0 : i32
        %dma_wait3A_218 = tpu.memref_slice %arg8[%add3A_187, %dma_wait3A_217] : memref<80x125xi32, #tpu.memory_space<vmem>> -> memref<1x125xi32, #tpu.memory_space<vmem>>
        %dma_wait3A_219 = tpu.memref_squeeze %dma_wait3A_218 : memref<1x125xi32, #tpu.memory_space<vmem>> -> memref<125xi32, #tpu.memory_space<vmem>>
        %dma_wait3A_220 = arith.constant 0 : i32
        %dma_wait3A_221 = arith.constant 0 : i32
        %dma_wait3A_222 = tpu.memref_slice %arg13[%dma_wait3A_220, %dma_wait3A_221] : memref<10240x64xf32, #tpu.memory_space<vmem_shared>> -> memref<10240x64xf32, #tpu.memory_space<vmem_shared>>
        tpu.wait_indirect_dma semaphore(%arg19 : memref<!tpu.dma_semaphore, #tpu.memory_space<semaphore_mem>>) src(%arg10 : memref<125x64xf32, #tpu.memory_space<vmem>>) dst(%dma_wait3A_222 : memref<10240x64xf32, #tpu.memory_space<vmem_shared>>)
      } else {
      }
      %add3A_198 = arith.constant 2 : i32
      %add3A_199 = arith.addi %add3A_187, %add3A_198 : i32
      %lt3A_200 = arith.constant 80 : i32
      %lt3A_201 = arith.cmpi slt, %add3A_199, %lt3A_200 : i32
      %convert_element_type3A_202 = arith.extui %lt3A_201 : i1 to i32
      %cond3A_203 = arith.constant 0 : i32
      %cond3A_204 = arith.cmpi ne, %convert_element_type3A_202, %cond3A_203 : i32
      scf.if %cond3A_204 {
        %add3A_217 = arith.constant 2 : i32
        %add3A_218 = arith.addi %add3A_187, %add3A_217 : i32
        %dma_start3A_219 = arith.constant 0 : i32
        %dma_start3A_220 = tpu.memref_slice %arg7[%add3A_218, %dma_start3A_219] : memref<80x125xi32, #tpu.memory_space<vmem>> -> memref<1x125xi32, #tpu.memory_space<vmem>>
        %dma_start3A_221 = tpu.memref_squeeze %dma_start3A_220 : memref<1x125xi32, #tpu.memory_space<vmem>> -> memref<125xi32, #tpu.memory_space<vmem>>
        %dma_start3A_222 = arith.constant 0 : i32
        %dma_start3A_223 = arith.constant 0 : i32
        %dma_start3A_224 = tpu.memref_slice %arg2[%dma_start3A_222, %dma_start3A_223] : memref<10000x64xf32, #tpu.memory_space<hbm>> -> memref<10000x64xf32, #tpu.memory_space<hbm>>
        tpu.enqueue_indirect_dma source(%dma_start3A_224 : memref<10000x64xf32, #tpu.memory_space<hbm>>) target(%arg10 : memref<125x64xf32, #tpu.memory_space<vmem>>) offsets(%dma_start3A_221 : memref<125xi32, #tpu.memory_space<vmem>>) semaphore(%arg15 : memref<!tpu.dma_semaphore, #tpu.memory_space<semaphore_mem>>)
      } else {
      }
      %dma_wait3A_205 = arith.constant 0 : i32
      %dma_wait3A_206 = tpu.memref_slice %arg7[%add3A_187, %dma_wait3A_205] : memref<80x125xi32, #tpu.memory_space<vmem>> -> memref<1x125xi32, #tpu.memory_space<vmem>>
      %dma_wait3A_207 = tpu.memref_squeeze %dma_wait3A_206 : memref<1x125xi32, #tpu.memory_space<vmem>> -> memref<125xi32, #tpu.memory_space<vmem>>
      %dma_wait3A_208 = arith.constant 0 : i32
      %dma_wait3A_209 = arith.constant 0 : i32
      %dma_wait3A_210 = tpu.memref_slice %arg2[%dma_wait3A_208, %dma_wait3A_209] : memref<10000x64xf32, #tpu.memory_space<hbm>> -> memref<10000x64xf32, #tpu.memory_space<hbm>>
      tpu.wait_indirect_dma semaphore(%arg17 : memref<!tpu.dma_semaphore, #tpu.memory_space<semaphore_mem>>) src(%dma_wait3A_210 : memref<10000x64xf32, #tpu.memory_space<hbm>>) dst(%arg12 : memref<125x64xf32, #tpu.memory_space<vmem>>)
      %dma_start3A_211 = arith.constant 0 : i32
      %dma_start3A_212 = tpu.memref_slice %arg8[%add3A_187, %dma_start3A_211] : memref<80x125xi32, #tpu.memory_space<vmem>> -> memref<1x125xi32, #tpu.memory_space<vmem>>
      %dma_start3A_213 = tpu.memref_squeeze %dma_start3A_212 : memref<1x125xi32, #tpu.memory_space<vmem>> -> memref<125xi32, #tpu.memory_space<vmem>>
      %dma_start3A_214 = arith.constant 0 : i32
      %dma_start3A_215 = arith.constant 0 : i32
      %dma_start3A_216 = tpu.memref_slice %arg13[%dma_start3A_214, %dma_start3A_215] : memref<10240x64xf32, #tpu.memory_space<vmem_shared>> -> memref<10240x64xf32, #tpu.memory_space<vmem_shared>>
      tpu.enqueue_indirect_dma source(%arg12 : memref<125x64xf32, #tpu.memory_space<vmem>>) target(%dma_start3A_216 : memref<10240x64xf32, #tpu.memory_space<vmem_shared>>) offsets(%dma_start3A_213 : memref<125xi32, #tpu.memory_space<vmem>>) semaphore(%arg21 : memref<!tpu.dma_semaphore, #tpu.memory_space<semaphore_mem>>) {add = true}
    }
    %scan3A_59 = arith.constant 20 : i32
    %dma_wait3A_60 = arith.constant 0 : i32
    %dma_wait3A_61 = arith.constant 0 : i32
    %dma_wait3A_62 = tpu.memref_slice %arg8[%dma_wait3A_60, %dma_wait3A_61] : memref<80x125xi32, #tpu.memory_space<vmem>> -> memref<1x125xi32, #tpu.memory_space<vmem>>
    %dma_wait3A_63 = tpu.memref_squeeze %dma_wait3A_62 : memref<1x125xi32, #tpu.memory_space<vmem>> -> memref<125xi32, #tpu.memory_space<vmem>>
    %dma_wait3A_64 = arith.constant 0 : i32
    %dma_wait3A_65 = arith.constant 0 : i32
    %dma_wait3A_66 = tpu.memref_slice %arg13[%dma_wait3A_64, %dma_wait3A_65] : memref<10240x64xf32, #tpu.memory_space<vmem_shared>> -> memref<10240x64xf32, #tpu.memory_space<vmem_shared>>
    tpu.wait_indirect_dma semaphore(%arg18 : memref<!tpu.dma_semaphore, #tpu.memory_space<semaphore_mem>>) src(%arg9 : memref<125x64xf32, #tpu.memory_space<vmem>>) dst(%dma_wait3A_66 : memref<10240x64xf32, #tpu.memory_space<vmem_shared>>)
    %dma_wait3A_67 = arith.constant 0 : i32
    %dma_wait3A_68 = arith.constant 0 : i32
    %dma_wait3A_69 = tpu.memref_slice %arg8[%dma_wait3A_67, %dma_wait3A_68] : memref<80x125xi32, #tpu.memory_space<vmem>> -> memref<1x125xi32, #tpu.memory_space<vmem>>
    %dma_wait3A_70 = tpu.memref_squeeze %dma_wait3A_69 : memref<1x125xi32, #tpu.memory_space<vmem>> -> memref<125xi32, #tpu.memory_space<vmem>>
    %dma_wait3A_71 = arith.constant 0 : i32
    %dma_wait3A_72 = arith.constant 0 : i32
    %dma_wait3A_73 = tpu.memref_slice %arg13[%dma_wait3A_71, %dma_wait3A_72] : memref<10240x64xf32, #tpu.memory_space<vmem_shared>> -> memref<10240x64xf32, #tpu.memory_space<vmem_shared>>
    tpu.wait_indirect_dma semaphore(%arg19 : memref<!tpu.dma_semaphore, #tpu.memory_space<semaphore_mem>>) src(%arg10 : memref<125x64xf32, #tpu.memory_space<vmem>>) dst(%dma_wait3A_73 : memref<10240x64xf32, #tpu.memory_space<vmem_shared>>)
    %dma_wait3A_74 = arith.constant 0 : i32
    %dma_wait3A_75 = arith.constant 0 : i32
    %dma_wait3A_76 = tpu.memref_slice %arg8[%dma_wait3A_74, %dma_wait3A_75] : memref<80x125xi32, #tpu.memory_space<vmem>> -> memref<1x125xi32, #tpu.memory_space<vmem>>
    %dma_wait3A_77 = tpu.memref_squeeze %dma_wait3A_76 : memref<1x125xi32, #tpu.memory_space<vmem>> -> memref<125xi32, #tpu.memory_space<vmem>>
    %dma_wait3A_78 = arith.constant 0 : i32
    %dma_wait3A_79 = arith.constant 0 : i32
    %dma_wait3A_80 = tpu.memref_slice %arg13[%dma_wait3A_78, %dma_wait3A_79] : memref<10240x64xf32, #tpu.memory_space<vmem_shared>> -> memref<10240x64xf32, #tpu.memory_space<vmem_shared>>
    tpu.wait_indirect_dma semaphore(%arg20 : memref<!tpu.dma_semaphore, #tpu.memory_space<semaphore_mem>>) src(%arg11 : memref<125x64xf32, #tpu.memory_space<vmem>>) dst(%dma_wait3A_80 : memref<10240x64xf32, #tpu.memory_space<vmem_shared>>)
    %dma_wait3A_81 = arith.constant 0 : i32
    %dma_wait3A_82 = arith.constant 0 : i32
    %dma_wait3A_83 = tpu.memref_slice %arg8[%dma_wait3A_81, %dma_wait3A_82] : memref<80x125xi32, #tpu.memory_space<vmem>> -> memref<1x125xi32, #tpu.memory_space<vmem>>
    %dma_wait3A_84 = tpu.memref_squeeze %dma_wait3A_83 : memref<1x125xi32, #tpu.memory_space<vmem>> -> memref<125xi32, #tpu.memory_space<vmem>>
    %dma_wait3A_85 = arith.constant 0 : i32
    %dma_wait3A_86 = arith.constant 0 : i32
    %dma_wait3A_87 = tpu.memref_slice %arg13[%dma_wait3A_85, %dma_wait3A_86] : memref<10240x64xf32, #tpu.memory_space<vmem_shared>> -> memref<10240x64xf32, #tpu.memory_space<vmem_shared>>
    tpu.wait_indirect_dma semaphore(%arg21 : memref<!tpu.dma_semaphore, #tpu.memory_space<semaphore_mem>>) src(%arg12 : memref<125x64xf32, #tpu.memory_space<vmem>>) dst(%dma_wait3A_87 : memref<10240x64xf32, #tpu.memory_space<vmem_shared>>)
    %barrier3A_88 = arith.constant 0 : index
    tpu.barrier barrier_id(%barrier3A_88)
    "tpu.region"() ({
      %run_scoped3A = tpu.sem_alloc : memref<!tpu.dma_semaphore, #tpu.memory_space<semaphore_mem>>
      %dma_start3A_89 = arith.constant 0 : i32
      %dma_start3A_90 = tpu.memref_slice %arg6[%arg0, %mul3A_2, %dma_start3A_89] : memref<2x10240x64xf32, #tpu.memory_space<hbm>> -> memref<1x640x64xf32, #tpu.memory_space<hbm>>
      %dma_start3A_91 = tpu.memref_squeeze %dma_start3A_90 : memref<1x640x64xf32, #tpu.memory_space<hbm>> -> memref<640x64xf32, #tpu.memory_space<hbm>>
      %dma_start3A_92 = arith.constant 0 : i32
      %dma_start3A_93 = tpu.memref_slice %arg13[%mul3A_2, %dma_start3A_92] : memref<10240x64xf32, #tpu.memory_space<vmem_shared>> -> memref<640x64xf32, #tpu.memory_space<vmem_shared>>
      tpu.enqueue_dma source(%dma_start3A_93 : memref<640x64xf32, #tpu.memory_space<vmem_shared>>) target(%dma_start3A_91 : memref<640x64xf32, #tpu.memory_space<hbm>>) target_semaphore(%run_scoped3A : memref<!tpu.dma_semaphore, #tpu.memory_space<semaphore_mem>>)
      %dma_wait3A_94 = arith.constant 0 : i32
      %dma_wait3A_95 = tpu.memref_slice %arg6[%arg0, %mul3A_2, %dma_wait3A_94] : memref<2x10240x64xf32, #tpu.memory_space<hbm>> -> memref<1x640x64xf32, #tpu.memory_space<hbm>>
      %dma_wait3A_96 = tpu.memref_squeeze %dma_wait3A_95 : memref<1x640x64xf32, #tpu.memory_space<hbm>> -> memref<640x64xf32, #tpu.memory_space<hbm>>
      %dma_wait3A_97 = arith.constant 0 : i32
      %dma_wait3A_98 = tpu.memref_slice %arg13[%mul3A_2, %dma_wait3A_97] : memref<10240x64xf32, #tpu.memory_space<vmem_shared>> -> memref<640x64xf32, #tpu.memory_space<vmem_shared>>
      tpu.wait_dma2 semaphore(%run_scoped3A : memref<!tpu.dma_semaphore, #tpu.memory_space<semaphore_mem>>) src(%dma_wait3A_98 : memref<640x64xf32, #tpu.memory_space<vmem_shared>>) dst(%dma_wait3A_96 : memref<640x64xf32, #tpu.memory_space<hbm>>)
      tpu.yield
    }) : () -> ()
    return
  }
}

#map = affine_map<(d0, d1) -> (0, 0)>
#map1 = affine_map<(d0, d1) -> (0, 0, 0)>
module attributes {stable_mosaic.version = 14 : i64} {
  func.func @body(%arg0: i32, %arg1: i32, %arg2: memref<10000x8xf32, #tpu.memory_space<hbm>>, %arg3: memref<32x80x125xi32, #tpu.memory_space<hbm>>, %arg4: memref<32x80x125xi32, #tpu.memory_space<hbm>>, %arg5: memref<10240x8xf32, #tpu.memory_space<hbm>>, %arg6: memref<2x10240x8xf32, #tpu.memory_space<hbm>>, %arg7: memref<80x125xi32, #tpu.memory_space<vmem>>, %arg8: memref<80x125xi32, #tpu.memory_space<vmem>>, %arg9: memref<125x8xf32, #tpu.memory_space<vmem>>, %arg10: memref<125x8xf32, #tpu.memory_space<vmem>>, %arg11: memref<125x8xf32, #tpu.memory_space<vmem>>, %arg12: memref<125x8xf32, #tpu.memory_space<vmem>>, %arg13: memref<10240x8xf32, #tpu.memory_space<vmem_shared>>, %arg14: memref<!tpu.dma_semaphore, #tpu.memory_space<semaphore_mem>>, %arg15: memref<!tpu.dma_semaphore, #tpu.memory_space<semaphore_mem>>, %arg16: memref<!tpu.dma_semaphore, #tpu.memory_space<semaphore_mem>>, %arg17: memref<!tpu.dma_semaphore, #tpu.memory_space<semaphore_mem>>, %arg18: memref<!tpu.dma_semaphore, #tpu.memory_space<semaphore_mem>>, %arg19: memref<!tpu.dma_semaphore, #tpu.memory_space<semaphore_mem>>, %arg20: memref<!tpu.dma_semaphore, #tpu.memory_space<semaphore_mem>>, %arg21: memref<!tpu.dma_semaphore, #tpu.memory_space<semaphore_mem>>, %arg22: memref<!tpu.dma_semaphore, #tpu.memory_space<semaphore_mem>>, %arg23: memref<!tpu.dma_semaphore, #tpu.memory_space<semaphore_mem>>) attributes {dimension_semantics = [#tpu.dimension_semantics<core_parallel>, #tpu.dimension_semantics<subcore_parallel>], iteration_bounds = array<i64: 2, 16>, scalar_prefetch = 0 : i64, scratch_operands = 17 : i64, tpu.core_type = #tpu.core_type<sc_vector_subcore>, window_params = [{transform_indices = #map}, {transform_indices = #map1}, {transform_indices = #map1}, {transform_indices = #map}, {transform_indices = #map1}]} {
    %mul3A = arith.constant 16 : i32
    %mul3A_0 = arith.muli %arg0, %mul3A : i32
    %add3A = arith.addi %mul3A_0, %arg1 : i32
    %mul3A_1 = arith.constant 640 : i32
    %mul3A_2 = arith.muli %arg1, %mul3A_1 : i32
    %dma_start3A = arith.constant 0 : i32
    %dma_start3A_3 = tpu.memref_slice %arg13[%mul3A_2, %dma_start3A] : memref<10240x8xf32, #tpu.memory_space<vmem_shared>> -> memref<640x8xf32, #tpu.memory_space<vmem_shared>>
    %dma_start3A_4 = arith.constant 0 : i32
    %dma_start3A_5 = tpu.memref_slice %arg5[%mul3A_2, %dma_start3A_4] : memref<10240x8xf32, #tpu.memory_space<hbm>> -> memref<640x8xf32, #tpu.memory_space<hbm>>
    tpu.enqueue_dma source(%dma_start3A_5 : memref<640x8xf32, #tpu.memory_space<hbm>>) target(%dma_start3A_3 : memref<640x8xf32, #tpu.memory_space<vmem_shared>>) target_semaphore(%arg23 : memref<!tpu.dma_semaphore, #tpu.memory_space<semaphore_mem>>)
    %dma_start3A_6 = arith.constant 0 : i32
    %dma_start3A_7 = arith.constant 0 : i32
    %dma_start3A_8 = tpu.memref_slice %arg3[%add3A, %dma_start3A_6, %dma_start3A_7] : memref<32x80x125xi32, #tpu.memory_space<hbm>> -> memref<1x80x125xi32, #tpu.memory_space<hbm>>
    %dma_start3A_9 = tpu.memref_squeeze %dma_start3A_8 : memref<1x80x125xi32, #tpu.memory_space<hbm>> -> memref<80x125xi32, #tpu.memory_space<hbm>>
    %dma_start3A_10 = arith.constant 0 : i32
    %dma_start3A_11 = arith.constant 0 : i32
    %dma_start3A_12 = tpu.memref_slice %arg3[%add3A, %dma_start3A_10, %dma_start3A_11] : memref<32x80x125xi32, #tpu.memory_space<hbm>> -> memref<1x80x125xi32, #tpu.memory_space<hbm>>
    %dma_start3A_13 = tpu.memref_squeeze %dma_start3A_12 : memref<1x80x125xi32, #tpu.memory_space<hbm>> -> memref<80x125xi32, #tpu.memory_space<hbm>>
    tpu.enqueue_dma source(%dma_start3A_13 : memref<80x125xi32, #tpu.memory_space<hbm>>) target(%arg7 : memref<80x125xi32, #tpu.memory_space<vmem>>) target_semaphore(%arg22 : memref<!tpu.dma_semaphore, #tpu.memory_space<semaphore_mem>>)
    %dma_start3A_14 = arith.constant 0 : i32
    %dma_start3A_15 = arith.constant 0 : i32
    %dma_start3A_16 = tpu.memref_slice %arg4[%add3A, %dma_start3A_14, %dma_start3A_15] : memref<32x80x125xi32, #tpu.memory_space<hbm>> -> memref<1x80x125xi32, #tpu.memory_space<hbm>>
    %dma_start3A_17 = tpu.memref_squeeze %dma_start3A_16 : memref<1x80x125xi32, #tpu.memory_space<hbm>> -> memref<80x125xi32, #tpu.memory_space<hbm>>
    %dma_start3A_18 = arith.constant 0 : i32
    %dma_start3A_19 = arith.constant 0 : i32
    %dma_start3A_20 = tpu.memref_slice %arg4[%add3A, %dma_start3A_18, %dma_start3A_19] : memref<32x80x125xi32, #tpu.memory_space<hbm>> -> memref<1x80x125xi32, #tpu.memory_space<hbm>>
    %dma_start3A_21 = tpu.memref_squeeze %dma_start3A_20 : memref<1x80x125xi32, #tpu.memory_space<hbm>> -> memref<80x125xi32, #tpu.memory_space<hbm>>
    tpu.enqueue_dma source(%dma_start3A_21 : memref<80x125xi32, #tpu.memory_space<hbm>>) target(%arg8 : memref<80x125xi32, #tpu.memory_space<vmem>>) target_semaphore(%arg22 : memref<!tpu.dma_semaphore, #tpu.memory_space<semaphore_mem>>)
    %dma_wait3A = arith.constant 0 : i32
    %dma_wait3A_22 = arith.constant 0 : i32
    %dma_wait3A_23 = tpu.memref_slice %arg3[%add3A, %dma_wait3A, %dma_wait3A_22] : memref<32x80x125xi32, #tpu.memory_space<hbm>> -> memref<1x80x125xi32, #tpu.memory_space<hbm>>
    %dma_wait3A_24 = tpu.memref_squeeze %dma_wait3A_23 : memref<1x80x125xi32, #tpu.memory_space<hbm>> -> memref<80x125xi32, #tpu.memory_space<hbm>>
    %dma_wait3A_25 = arith.constant 0 : i32
    %dma_wait3A_26 = arith.constant 0 : i32
    %dma_wait3A_27 = tpu.memref_slice %arg3[%add3A, %dma_wait3A_25, %dma_wait3A_26] : memref<32x80x125xi32, #tpu.memory_space<hbm>> -> memref<1x80x125xi32, #tpu.memory_space<hbm>>
    %dma_wait3A_28 = tpu.memref_squeeze %dma_wait3A_27 : memref<1x80x125xi32, #tpu.memory_space<hbm>> -> memref<80x125xi32, #tpu.memory_space<hbm>>
    tpu.wait_dma2 semaphore(%arg22 : memref<!tpu.dma_semaphore, #tpu.memory_space<semaphore_mem>>) src(%dma_wait3A_28 : memref<80x125xi32, #tpu.memory_space<hbm>>) dst(%arg7 : memref<80x125xi32, #tpu.memory_space<vmem>>)
    %dma_wait3A_29 = arith.constant 0 : i32
    %dma_wait3A_30 = arith.constant 0 : i32
    %dma_wait3A_31 = tpu.memref_slice %arg4[%add3A, %dma_wait3A_29, %dma_wait3A_30] : memref<32x80x125xi32, #tpu.memory_space<hbm>> -> memref<1x80x125xi32, #tpu.memory_space<hbm>>
    %dma_wait3A_32 = tpu.memref_squeeze %dma_wait3A_31 : memref<1x80x125xi32, #tpu.memory_space<hbm>> -> memref<80x125xi32, #tpu.memory_space<hbm>>
    %dma_wait3A_33 = arith.constant 0 : i32
    %dma_wait3A_34 = arith.constant 0 : i32
    %dma_wait3A_35 = tpu.memref_slice %arg4[%add3A, %dma_wait3A_33, %dma_wait3A_34] : memref<32x80x125xi32, #tpu.memory_space<hbm>> -> memref<1x80x125xi32, #tpu.memory_space<hbm>>
    %dma_wait3A_36 = tpu.memref_squeeze %dma_wait3A_35 : memref<1x80x125xi32, #tpu.memory_space<hbm>> -> memref<80x125xi32, #tpu.memory_space<hbm>>
    tpu.wait_dma2 semaphore(%arg22 : memref<!tpu.dma_semaphore, #tpu.memory_space<semaphore_mem>>) src(%dma_wait3A_36 : memref<80x125xi32, #tpu.memory_space<hbm>>) dst(%arg8 : memref<80x125xi32, #tpu.memory_space<vmem>>)
    %dma_start3A_37 = arith.constant 0 : i32
    %dma_start3A_38 = arith.constant 0 : i32
    %dma_start3A_39 = tpu.memref_slice %arg7[%dma_start3A_37, %dma_start3A_38] : memref<80x125xi32, #tpu.memory_space<vmem>> -> memref<1x125xi32, #tpu.memory_space<vmem>>
    %dma_start3A_40 = tpu.memref_squeeze %dma_start3A_39 : memref<1x125xi32, #tpu.memory_space<vmem>> -> memref<125xi32, #tpu.memory_space<vmem>>
    %dma_start3A_41 = arith.constant 0 : i32
    %dma_start3A_42 = arith.constant 0 : i32
    %dma_start3A_43 = tpu.memref_slice %arg2[%dma_start3A_41, %dma_start3A_42] : memref<10000x8xf32, #tpu.memory_space<hbm>> -> memref<10000x8xf32, #tpu.memory_space<hbm>>
    tpu.enqueue_indirect_dma source(%dma_start3A_43 : memref<10000x8xf32, #tpu.memory_space<hbm>>) target(%arg9 : memref<125x8xf32, #tpu.memory_space<vmem>>) offsets(%dma_start3A_40 : memref<125xi32, #tpu.memory_space<vmem>>) semaphore(%arg14 : memref<!tpu.dma_semaphore, #tpu.memory_space<semaphore_mem>>)
    %dma_start3A_44 = arith.constant 1 : i32
    %dma_start3A_45 = arith.constant 0 : i32
    %dma_start3A_46 = tpu.memref_slice %arg7[%dma_start3A_44, %dma_start3A_45] : memref<80x125xi32, #tpu.memory_space<vmem>> -> memref<1x125xi32, #tpu.memory_space<vmem>>
    %dma_start3A_47 = tpu.memref_squeeze %dma_start3A_46 : memref<1x125xi32, #tpu.memory_space<vmem>> -> memref<125xi32, #tpu.memory_space<vmem>>
    %dma_start3A_48 = arith.constant 0 : i32
    %dma_start3A_49 = arith.constant 0 : i32
    %dma_start3A_50 = tpu.memref_slice %arg2[%dma_start3A_48, %dma_start3A_49] : memref<10000x8xf32, #tpu.memory_space<hbm>> -> memref<10000x8xf32, #tpu.memory_space<hbm>>
    tpu.enqueue_indirect_dma source(%dma_start3A_50 : memref<10000x8xf32, #tpu.memory_space<hbm>>) target(%arg10 : memref<125x8xf32, #tpu.memory_space<vmem>>) offsets(%dma_start3A_47 : memref<125xi32, #tpu.memory_space<vmem>>) semaphore(%arg15 : memref<!tpu.dma_semaphore, #tpu.memory_space<semaphore_mem>>)
    %dma_start3A_51 = arith.constant 2 : i32
    %dma_start3A_52 = arith.constant 0 : i32
    %dma_start3A_53 = tpu.memref_slice %arg7[%dma_start3A_51, %dma_start3A_52] : memref<80x125xi32, #tpu.memory_space<vmem>> -> memref<1x125xi32, #tpu.memory_space<vmem>>
    %dma_start3A_54 = tpu.memref_squeeze %dma_start3A_53 : memref<1x125xi32, #tpu.memory_space<vmem>> -> memref<125xi32, #tpu.memory_space<vmem>>
    %dma_start3A_55 = arith.constant 0 : i32
    %dma_start3A_56 = arith.constant 0 : i32
    %dma_start3A_57 = tpu.memref_slice %arg2[%dma_start3A_55, %dma_start3A_56] : memref<10000x8xf32, #tpu.memory_space<hbm>> -> memref<10000x8xf32, #tpu.memory_space<hbm>>
    tpu.enqueue_indirect_dma source(%dma_start3A_57 : memref<10000x8xf32, #tpu.memory_space<hbm>>) target(%arg11 : memref<125x8xf32, #tpu.memory_space<vmem>>) offsets(%dma_start3A_54 : memref<125xi32, #tpu.memory_space<vmem>>) semaphore(%arg16 : memref<!tpu.dma_semaphore, #tpu.memory_space<semaphore_mem>>)
    %dma_wait3A_58 = arith.constant 0 : i32
    %dma_wait3A_59 = tpu.memref_slice %arg13[%mul3A_2, %dma_wait3A_58] : memref<10240x8xf32, #tpu.memory_space<vmem_shared>> -> memref<640x8xf32, #tpu.memory_space<vmem_shared>>
    %dma_wait3A_60 = arith.constant 0 : i32
    %dma_wait3A_61 = tpu.memref_slice %arg5[%mul3A_2, %dma_wait3A_60] : memref<10240x8xf32, #tpu.memory_space<hbm>> -> memref<640x8xf32, #tpu.memory_space<hbm>>
    tpu.wait_dma2 semaphore(%arg23 : memref<!tpu.dma_semaphore, #tpu.memory_space<semaphore_mem>>) src(%dma_wait3A_61 : memref<640x8xf32, #tpu.memory_space<hbm>>) dst(%dma_wait3A_59 : memref<640x8xf32, #tpu.memory_space<vmem_shared>>)
    %barrier3A = arith.constant 0 : index
    tpu.barrier barrier_id(%barrier3A)
    %scan3A = arith.constant 0 : i32
    %scan3A_62 = arith.constant 0 : i32
    %scan3A_63 = arith.constant 20 : i32
    %scan3A_64 = arith.addi %scan3A_62, %scan3A_63 : i32
    %scan3A_65 = arith.constant 1 : i32
    scf.for %scan3A_96 = %scan3A_62 to %scan3A_64 step %scan3A_65  : i32 {
      %mul3A_97 = arith.constant 4 : i32
      %mul3A_98 = arith.muli %scan3A_96, %mul3A_97 : i32
      %add3A_99 = arith.constant 0 : i32
      %add3A_100 = arith.addi %mul3A_98, %add3A_99 : i32
      %add3A_101 = arith.constant 3 : i32
      %add3A_102 = arith.addi %add3A_100, %add3A_101 : i32
      %lt3A = arith.constant 80 : i32
      %lt3A_103 = arith.cmpi slt, %add3A_102, %lt3A : i32
      %ge3A = arith.constant 1 : i32
      %ge3A_104 = arith.cmpi sge, %add3A_100, %ge3A : i32
      %and3A = arith.andi %lt3A_103, %ge3A_104 : i1
      %convert_element_type3A = arith.extui %and3A : i1 to i32
      %cond3A = arith.constant 0 : i32
      %cond3A_105 = arith.cmpi ne, %convert_element_type3A, %cond3A : i32
      scf.if %cond3A_105 {
        %dma_wait3A_224 = arith.constant 0 : i32
        %dma_wait3A_225 = tpu.memref_slice %arg8[%add3A_100, %dma_wait3A_224] : memref<80x125xi32, #tpu.memory_space<vmem>> -> memref<1x125xi32, #tpu.memory_space<vmem>>
        %dma_wait3A_226 = tpu.memref_squeeze %dma_wait3A_225 : memref<1x125xi32, #tpu.memory_space<vmem>> -> memref<125xi32, #tpu.memory_space<vmem>>
        %dma_wait3A_227 = arith.constant 0 : i32
        %dma_wait3A_228 = arith.constant 0 : i32
        %dma_wait3A_229 = tpu.memref_slice %arg13[%dma_wait3A_227, %dma_wait3A_228] : memref<10240x8xf32, #tpu.memory_space<vmem_shared>> -> memref<10240x8xf32, #tpu.memory_space<vmem_shared>>
        tpu.wait_indirect_dma semaphore(%arg21 : memref<!tpu.dma_semaphore, #tpu.memory_space<semaphore_mem>>) src(%arg12 : memref<125x8xf32, #tpu.memory_space<vmem>>) dst(%dma_wait3A_229 : memref<10240x8xf32, #tpu.memory_space<vmem_shared>>)
      } else {
      }
      %add3A_106 = arith.constant 3 : i32
      %add3A_107 = arith.addi %add3A_100, %add3A_106 : i32
      %lt3A_108 = arith.constant 80 : i32
      %lt3A_109 = arith.cmpi slt, %add3A_107, %lt3A_108 : i32
      %convert_element_type3A_110 = arith.extui %lt3A_109 : i1 to i32
      %cond3A_111 = arith.constant 0 : i32
      %cond3A_112 = arith.cmpi ne, %convert_element_type3A_110, %cond3A_111 : i32
      scf.if %cond3A_112 {
        %add3A_224 = arith.constant 3 : i32
        %add3A_225 = arith.addi %add3A_100, %add3A_224 : i32
        %dma_start3A_226 = arith.constant 0 : i32
        %dma_start3A_227 = tpu.memref_slice %arg7[%add3A_225, %dma_start3A_226] : memref<80x125xi32, #tpu.memory_space<vmem>> -> memref<1x125xi32, #tpu.memory_space<vmem>>
        %dma_start3A_228 = tpu.memref_squeeze %dma_start3A_227 : memref<1x125xi32, #tpu.memory_space<vmem>> -> memref<125xi32, #tpu.memory_space<vmem>>
        %dma_start3A_229 = arith.constant 0 : i32
        %dma_start3A_230 = arith.constant 0 : i32
        %dma_start3A_231 = tpu.memref_slice %arg2[%dma_start3A_229, %dma_start3A_230] : memref<10000x8xf32, #tpu.memory_space<hbm>> -> memref<10000x8xf32, #tpu.memory_space<hbm>>
        tpu.enqueue_indirect_dma source(%dma_start3A_231 : memref<10000x8xf32, #tpu.memory_space<hbm>>) target(%arg12 : memref<125x8xf32, #tpu.memory_space<vmem>>) offsets(%dma_start3A_228 : memref<125xi32, #tpu.memory_space<vmem>>) semaphore(%arg17 : memref<!tpu.dma_semaphore, #tpu.memory_space<semaphore_mem>>)
      } else {
      }
      %dma_wait3A_113 = arith.constant 0 : i32
      %dma_wait3A_114 = tpu.memref_slice %arg7[%add3A_100, %dma_wait3A_113] : memref<80x125xi32, #tpu.memory_space<vmem>> -> memref<1x125xi32, #tpu.memory_space<vmem>>
      %dma_wait3A_115 = tpu.memref_squeeze %dma_wait3A_114 : memref<1x125xi32, #tpu.memory_space<vmem>> -> memref<125xi32, #tpu.memory_space<vmem>>
      %dma_wait3A_116 = arith.constant 0 : i32
      %dma_wait3A_117 = arith.constant 0 : i32
      %dma_wait3A_118 = tpu.memref_slice %arg2[%dma_wait3A_116, %dma_wait3A_117] : memref<10000x8xf32, #tpu.memory_space<hbm>> -> memref<10000x8xf32, #tpu.memory_space<hbm>>
      tpu.wait_indirect_dma semaphore(%arg14 : memref<!tpu.dma_semaphore, #tpu.memory_space<semaphore_mem>>) src(%dma_wait3A_118 : memref<10000x8xf32, #tpu.memory_space<hbm>>) dst(%arg9 : memref<125x8xf32, #tpu.memory_space<vmem>>)
      %dma_start3A_119 = arith.constant 0 : i32
      %dma_start3A_120 = tpu.memref_slice %arg8[%add3A_100, %dma_start3A_119] : memref<80x125xi32, #tpu.memory_space<vmem>> -> memref<1x125xi32, #tpu.memory_space<vmem>>
      %dma_start3A_121 = tpu.memref_squeeze %dma_start3A_120 : memref<1x125xi32, #tpu.memory_space<vmem>> -> memref<125xi32, #tpu.memory_space<vmem>>
      %dma_start3A_122 = arith.constant 0 : i32
      %dma_start3A_123 = arith.constant 0 : i32
      %dma_start3A_124 = tpu.memref_slice %arg13[%dma_start3A_122, %dma_start3A_123] : memref<10240x8xf32, #tpu.memory_space<vmem_shared>> -> memref<10240x8xf32, #tpu.memory_space<vmem_shared>>
      tpu.enqueue_indirect_dma source(%arg9 : memref<125x8xf32, #tpu.memory_space<vmem>>) target(%dma_start3A_124 : memref<10240x8xf32, #tpu.memory_space<vmem_shared>>) offsets(%dma_start3A_121 : memref<125xi32, #tpu.memory_space<vmem>>) semaphore(%arg18 : memref<!tpu.dma_semaphore, #tpu.memory_space<semaphore_mem>>) {add = true}
      %mul3A_125 = arith.constant 4 : i32
      %mul3A_126 = arith.muli %scan3A_96, %mul3A_125 : i32
      %add3A_127 = arith.constant 1 : i32
      %add3A_128 = arith.addi %mul3A_126, %add3A_127 : i32
      %add3A_129 = arith.constant 3 : i32
      %add3A_130 = arith.addi %add3A_128, %add3A_129 : i32
      %lt3A_131 = arith.constant 80 : i32
      %lt3A_132 = arith.cmpi slt, %add3A_130, %lt3A_131 : i32
      %ge3A_133 = arith.constant 1 : i32
      %ge3A_134 = arith.cmpi sge, %add3A_128, %ge3A_133 : i32
      %and3A_135 = arith.andi %lt3A_132, %ge3A_134 : i1
      %convert_element_type3A_136 = arith.extui %and3A_135 : i1 to i32
      %cond3A_137 = arith.constant 0 : i32
      %cond3A_138 = arith.cmpi ne, %convert_element_type3A_136, %cond3A_137 : i32
      scf.if %cond3A_138 {
        %dma_wait3A_224 = arith.constant 0 : i32
        %dma_wait3A_225 = tpu.memref_slice %arg8[%add3A_128, %dma_wait3A_224] : memref<80x125xi32, #tpu.memory_space<vmem>> -> memref<1x125xi32, #tpu.memory_space<vmem>>
        %dma_wait3A_226 = tpu.memref_squeeze %dma_wait3A_225 : memref<1x125xi32, #tpu.memory_space<vmem>> -> memref<125xi32, #tpu.memory_space<vmem>>
        %dma_wait3A_227 = arith.constant 0 : i32
        %dma_wait3A_228 = arith.constant 0 : i32
        %dma_wait3A_229 = tpu.memref_slice %arg13[%dma_wait3A_227, %dma_wait3A_228] : memref<10240x8xf32, #tpu.memory_space<vmem_shared>> -> memref<10240x8xf32, #tpu.memory_space<vmem_shared>>
        tpu.wait_indirect_dma semaphore(%arg18 : memref<!tpu.dma_semaphore, #tpu.memory_space<semaphore_mem>>) src(%arg9 : memref<125x8xf32, #tpu.memory_space<vmem>>) dst(%dma_wait3A_229 : memref<10240x8xf32, #tpu.memory_space<vmem_shared>>)
      } else {
      }
      %add3A_139 = arith.constant 3 : i32
      %add3A_140 = arith.addi %add3A_128, %add3A_139 : i32
      %lt3A_141 = arith.constant 80 : i32
      %lt3A_142 = arith.cmpi slt, %add3A_140, %lt3A_141 : i32
      %convert_element_type3A_143 = arith.extui %lt3A_142 : i1 to i32
      %cond3A_144 = arith.constant 0 : i32
      %cond3A_145 = arith.cmpi ne, %convert_element_type3A_143, %cond3A_144 : i32
      scf.if %cond3A_145 {
        %add3A_224 = arith.constant 3 : i32
        %add3A_225 = arith.addi %add3A_128, %add3A_224 : i32
        %dma_start3A_226 = arith.constant 0 : i32
        %dma_start3A_227 = tpu.memref_slice %arg7[%add3A_225, %dma_start3A_226] : memref<80x125xi32, #tpu.memory_space<vmem>> -> memref<1x125xi32, #tpu.memory_space<vmem>>
        %dma_start3A_228 = tpu.memref_squeeze %dma_start3A_227 : memref<1x125xi32, #tpu.memory_space<vmem>> -> memref<125xi32, #tpu.memory_space<vmem>>
        %dma_start3A_229 = arith.constant 0 : i32
        %dma_start3A_230 = arith.constant 0 : i32
        %dma_start3A_231 = tpu.memref_slice %arg2[%dma_start3A_229, %dma_start3A_230] : memref<10000x8xf32, #tpu.memory_space<hbm>> -> memref<10000x8xf32, #tpu.memory_space<hbm>>
        tpu.enqueue_indirect_dma source(%dma_start3A_231 : memref<10000x8xf32, #tpu.memory_space<hbm>>) target(%arg9 : memref<125x8xf32, #tpu.memory_space<vmem>>) offsets(%dma_start3A_228 : memref<125xi32, #tpu.memory_space<vmem>>) semaphore(%arg14 : memref<!tpu.dma_semaphore, #tpu.memory_space<semaphore_mem>>)
      } else {
      }
      %dma_wait3A_146 = arith.constant 0 : i32
      %dma_wait3A_147 = tpu.memref_slice %arg7[%add3A_128, %dma_wait3A_146] : memref<80x125xi32, #tpu.memory_space<vmem>> -> memref<1x125xi32, #tpu.memory_space<vmem>>
      %dma_wait3A_148 = tpu.memref_squeeze %dma_wait3A_147 : memref<1x125xi32, #tpu.memory_space<vmem>> -> memref<125xi32, #tpu.memory_space<vmem>>
      %dma_wait3A_149 = arith.constant 0 : i32
      %dma_wait3A_150 = arith.constant 0 : i32
      %dma_wait3A_151 = tpu.memref_slice %arg2[%dma_wait3A_149, %dma_wait3A_150] : memref<10000x8xf32, #tpu.memory_space<hbm>> -> memref<10000x8xf32, #tpu.memory_space<hbm>>
      tpu.wait_indirect_dma semaphore(%arg15 : memref<!tpu.dma_semaphore, #tpu.memory_space<semaphore_mem>>) src(%dma_wait3A_151 : memref<10000x8xf32, #tpu.memory_space<hbm>>) dst(%arg10 : memref<125x8xf32, #tpu.memory_space<vmem>>)
      %dma_start3A_152 = arith.constant 0 : i32
      %dma_start3A_153 = tpu.memref_slice %arg8[%add3A_128, %dma_start3A_152] : memref<80x125xi32, #tpu.memory_space<vmem>> -> memref<1x125xi32, #tpu.memory_space<vmem>>
      %dma_start3A_154 = tpu.memref_squeeze %dma_start3A_153 : memref<1x125xi32, #tpu.memory_space<vmem>> -> memref<125xi32, #tpu.memory_space<vmem>>
      %dma_start3A_155 = arith.constant 0 : i32
      %dma_start3A_156 = arith.constant 0 : i32
      %dma_start3A_157 = tpu.memref_slice %arg13[%dma_start3A_155, %dma_start3A_156] : memref<10240x8xf32, #tpu.memory_space<vmem_shared>> -> memref<10240x8xf32, #tpu.memory_space<vmem_shared>>
      tpu.enqueue_indirect_dma source(%arg10 : memref<125x8xf32, #tpu.memory_space<vmem>>) target(%dma_start3A_157 : memref<10240x8xf32, #tpu.memory_space<vmem_shared>>) offsets(%dma_start3A_154 : memref<125xi32, #tpu.memory_space<vmem>>) semaphore(%arg19 : memref<!tpu.dma_semaphore, #tpu.memory_space<semaphore_mem>>) {add = true}
      %mul3A_158 = arith.constant 4 : i32
      %mul3A_159 = arith.muli %scan3A_96, %mul3A_158 : i32
      %add3A_160 = arith.constant 2 : i32
      %add3A_161 = arith.addi %mul3A_159, %add3A_160 : i32
      %add3A_162 = arith.constant 3 : i32
      %add3A_163 = arith.addi %add3A_161, %add3A_162 : i32
      %lt3A_164 = arith.constant 80 : i32
      %lt3A_165 = arith.cmpi slt, %add3A_163, %lt3A_164 : i32
      %ge3A_166 = arith.constant 1 : i32
      %ge3A_167 = arith.cmpi sge, %add3A_161, %ge3A_166 : i32
      %and3A_168 = arith.andi %lt3A_165, %ge3A_167 : i1
      %convert_element_type3A_169 = arith.extui %and3A_168 : i1 to i32
      %cond3A_170 = arith.constant 0 : i32
      %cond3A_171 = arith.cmpi ne, %convert_element_type3A_169, %cond3A_170 : i32
      scf.if %cond3A_171 {
        %dma_wait3A_224 = arith.constant 0 : i32
        %dma_wait3A_225 = tpu.memref_slice %arg8[%add3A_161, %dma_wait3A_224] : memref<80x125xi32, #tpu.memory_space<vmem>> -> memref<1x125xi32, #tpu.memory_space<vmem>>
        %dma_wait3A_226 = tpu.memref_squeeze %dma_wait3A_225 : memref<1x125xi32, #tpu.memory_space<vmem>> -> memref<125xi32, #tpu.memory_space<vmem>>
        %dma_wait3A_227 = arith.constant 0 : i32
        %dma_wait3A_228 = arith.constant 0 : i32
        %dma_wait3A_229 = tpu.memref_slice %arg13[%dma_wait3A_227, %dma_wait3A_228] : memref<10240x8xf32, #tpu.memory_space<vmem_shared>> -> memref<10240x8xf32, #tpu.memory_space<vmem_shared>>
        tpu.wait_indirect_dma semaphore(%arg19 : memref<!tpu.dma_semaphore, #tpu.memory_space<semaphore_mem>>) src(%arg10 : memref<125x8xf32, #tpu.memory_space<vmem>>) dst(%dma_wait3A_229 : memref<10240x8xf32, #tpu.memory_space<vmem_shared>>)
      } else {
      }
      %add3A_172 = arith.constant 3 : i32
      %add3A_173 = arith.addi %add3A_161, %add3A_172 : i32
      %lt3A_174 = arith.constant 80 : i32
      %lt3A_175 = arith.cmpi slt, %add3A_173, %lt3A_174 : i32
      %convert_element_type3A_176 = arith.extui %lt3A_175 : i1 to i32
      %cond3A_177 = arith.constant 0 : i32
      %cond3A_178 = arith.cmpi ne, %convert_element_type3A_176, %cond3A_177 : i32
      scf.if %cond3A_178 {
        %add3A_224 = arith.constant 3 : i32
        %add3A_225 = arith.addi %add3A_161, %add3A_224 : i32
        %dma_start3A_226 = arith.constant 0 : i32
        %dma_start3A_227 = tpu.memref_slice %arg7[%add3A_225, %dma_start3A_226] : memref<80x125xi32, #tpu.memory_space<vmem>> -> memref<1x125xi32, #tpu.memory_space<vmem>>
        %dma_start3A_228 = tpu.memref_squeeze %dma_start3A_227 : memref<1x125xi32, #tpu.memory_space<vmem>> -> memref<125xi32, #tpu.memory_space<vmem>>
        %dma_start3A_229 = arith.constant 0 : i32
        %dma_start3A_230 = arith.constant 0 : i32
        %dma_start3A_231 = tpu.memref_slice %arg2[%dma_start3A_229, %dma_start3A_230] : memref<10000x8xf32, #tpu.memory_space<hbm>> -> memref<10000x8xf32, #tpu.memory_space<hbm>>
        tpu.enqueue_indirect_dma source(%dma_start3A_231 : memref<10000x8xf32, #tpu.memory_space<hbm>>) target(%arg10 : memref<125x8xf32, #tpu.memory_space<vmem>>) offsets(%dma_start3A_228 : memref<125xi32, #tpu.memory_space<vmem>>) semaphore(%arg15 : memref<!tpu.dma_semaphore, #tpu.memory_space<semaphore_mem>>)
      } else {
      }
      %dma_wait3A_179 = arith.constant 0 : i32
      %dma_wait3A_180 = tpu.memref_slice %arg7[%add3A_161, %dma_wait3A_179] : memref<80x125xi32, #tpu.memory_space<vmem>> -> memref<1x125xi32, #tpu.memory_space<vmem>>
      %dma_wait3A_181 = tpu.memref_squeeze %dma_wait3A_180 : memref<1x125xi32, #tpu.memory_space<vmem>> -> memref<125xi32, #tpu.memory_space<vmem>>
      %dma_wait3A_182 = arith.constant 0 : i32
      %dma_wait3A_183 = arith.constant 0 : i32
      %dma_wait3A_184 = tpu.memref_slice %arg2[%dma_wait3A_182, %dma_wait3A_183] : memref<10000x8xf32, #tpu.memory_space<hbm>> -> memref<10000x8xf32, #tpu.memory_space<hbm>>
      tpu.wait_indirect_dma semaphore(%arg16 : memref<!tpu.dma_semaphore, #tpu.memory_space<semaphore_mem>>) src(%dma_wait3A_184 : memref<10000x8xf32, #tpu.memory_space<hbm>>) dst(%arg11 : memref<125x8xf32, #tpu.memory_space<vmem>>)
      %dma_start3A_185 = arith.constant 0 : i32
      %dma_start3A_186 = tpu.memref_slice %arg8[%add3A_161, %dma_start3A_185] : memref<80x125xi32, #tpu.memory_space<vmem>> -> memref<1x125xi32, #tpu.memory_space<vmem>>
      %dma_start3A_187 = tpu.memref_squeeze %dma_start3A_186 : memref<1x125xi32, #tpu.memory_space<vmem>> -> memref<125xi32, #tpu.memory_space<vmem>>
      %dma_start3A_188 = arith.constant 0 : i32
      %dma_start3A_189 = arith.constant 0 : i32
      %dma_start3A_190 = tpu.memref_slice %arg13[%dma_start3A_188, %dma_start3A_189] : memref<10240x8xf32, #tpu.memory_space<vmem_shared>> -> memref<10240x8xf32, #tpu.memory_space<vmem_shared>>
      tpu.enqueue_indirect_dma source(%arg11 : memref<125x8xf32, #tpu.memory_space<vmem>>) target(%dma_start3A_190 : memref<10240x8xf32, #tpu.memory_space<vmem_shared>>) offsets(%dma_start3A_187 : memref<125xi32, #tpu.memory_space<vmem>>) semaphore(%arg20 : memref<!tpu.dma_semaphore, #tpu.memory_space<semaphore_mem>>) {add = true}
      %mul3A_191 = arith.constant 4 : i32
      %mul3A_192 = arith.muli %scan3A_96, %mul3A_191 : i32
      %add3A_193 = arith.constant 3 : i32
      %add3A_194 = arith.addi %mul3A_192, %add3A_193 : i32
      %add3A_195 = arith.constant 3 : i32
      %add3A_196 = arith.addi %add3A_194, %add3A_195 : i32
      %lt3A_197 = arith.constant 80 : i32
      %lt3A_198 = arith.cmpi slt, %add3A_196, %lt3A_197 : i32
      %ge3A_199 = arith.constant 1 : i32
      %ge3A_200 = arith.cmpi sge, %add3A_194, %ge3A_199 : i32
      %and3A_201 = arith.andi %lt3A_198, %ge3A_200 : i1
      %convert_element_type3A_202 = arith.extui %and3A_201 : i1 to i32
      %cond3A_203 = arith.constant 0 : i32
      %cond3A_204 = arith.cmpi ne, %convert_element_type3A_202, %cond3A_203 : i32
      scf.if %cond3A_204 {
        %dma_wait3A_224 = arith.constant 0 : i32
        %dma_wait3A_225 = tpu.memref_slice %arg8[%add3A_194, %dma_wait3A_224] : memref<80x125xi32, #tpu.memory_space<vmem>> -> memref<1x125xi32, #tpu.memory_space<vmem>>
        %dma_wait3A_226 = tpu.memref_squeeze %dma_wait3A_225 : memref<1x125xi32, #tpu.memory_space<vmem>> -> memref<125xi32, #tpu.memory_space<vmem>>
        %dma_wait3A_227 = arith.constant 0 : i32
        %dma_wait3A_228 = arith.constant 0 : i32
        %dma_wait3A_229 = tpu.memref_slice %arg13[%dma_wait3A_227, %dma_wait3A_228] : memref<10240x8xf32, #tpu.memory_space<vmem_shared>> -> memref<10240x8xf32, #tpu.memory_space<vmem_shared>>
        tpu.wait_indirect_dma semaphore(%arg20 : memref<!tpu.dma_semaphore, #tpu.memory_space<semaphore_mem>>) src(%arg11 : memref<125x8xf32, #tpu.memory_space<vmem>>) dst(%dma_wait3A_229 : memref<10240x8xf32, #tpu.memory_space<vmem_shared>>)
      } else {
      }
      %add3A_205 = arith.constant 3 : i32
      %add3A_206 = arith.addi %add3A_194, %add3A_205 : i32
      %lt3A_207 = arith.constant 80 : i32
      %lt3A_208 = arith.cmpi slt, %add3A_206, %lt3A_207 : i32
      %convert_element_type3A_209 = arith.extui %lt3A_208 : i1 to i32
      %cond3A_210 = arith.constant 0 : i32
      %cond3A_211 = arith.cmpi ne, %convert_element_type3A_209, %cond3A_210 : i32
      scf.if %cond3A_211 {
        %add3A_224 = arith.constant 3 : i32
        %add3A_225 = arith.addi %add3A_194, %add3A_224 : i32
        %dma_start3A_226 = arith.constant 0 : i32
        %dma_start3A_227 = tpu.memref_slice %arg7[%add3A_225, %dma_start3A_226] : memref<80x125xi32, #tpu.memory_space<vmem>> -> memref<1x125xi32, #tpu.memory_space<vmem>>
        %dma_start3A_228 = tpu.memref_squeeze %dma_start3A_227 : memref<1x125xi32, #tpu.memory_space<vmem>> -> memref<125xi32, #tpu.memory_space<vmem>>
        %dma_start3A_229 = arith.constant 0 : i32
        %dma_start3A_230 = arith.constant 0 : i32
        %dma_start3A_231 = tpu.memref_slice %arg2[%dma_start3A_229, %dma_start3A_230] : memref<10000x8xf32, #tpu.memory_space<hbm>> -> memref<10000x8xf32, #tpu.memory_space<hbm>>
        tpu.enqueue_indirect_dma source(%dma_start3A_231 : memref<10000x8xf32, #tpu.memory_space<hbm>>) target(%arg11 : memref<125x8xf32, #tpu.memory_space<vmem>>) offsets(%dma_start3A_228 : memref<125xi32, #tpu.memory_space<vmem>>) semaphore(%arg16 : memref<!tpu.dma_semaphore, #tpu.memory_space<semaphore_mem>>)
      } else {
      }
      %dma_wait3A_212 = arith.constant 0 : i32
      %dma_wait3A_213 = tpu.memref_slice %arg7[%add3A_194, %dma_wait3A_212] : memref<80x125xi32, #tpu.memory_space<vmem>> -> memref<1x125xi32, #tpu.memory_space<vmem>>
      %dma_wait3A_214 = tpu.memref_squeeze %dma_wait3A_213 : memref<1x125xi32, #tpu.memory_space<vmem>> -> memref<125xi32, #tpu.memory_space<vmem>>
      %dma_wait3A_215 = arith.constant 0 : i32
      %dma_wait3A_216 = arith.constant 0 : i32
      %dma_wait3A_217 = tpu.memref_slice %arg2[%dma_wait3A_215, %dma_wait3A_216] : memref<10000x8xf32, #tpu.memory_space<hbm>> -> memref<10000x8xf32, #tpu.memory_space<hbm>>
      tpu.wait_indirect_dma semaphore(%arg17 : memref<!tpu.dma_semaphore, #tpu.memory_space<semaphore_mem>>) src(%dma_wait3A_217 : memref<10000x8xf32, #tpu.memory_space<hbm>>) dst(%arg12 : memref<125x8xf32, #tpu.memory_space<vmem>>)
      %dma_start3A_218 = arith.constant 0 : i32
      %dma_start3A_219 = tpu.memref_slice %arg8[%add3A_194, %dma_start3A_218] : memref<80x125xi32, #tpu.memory_space<vmem>> -> memref<1x125xi32, #tpu.memory_space<vmem>>
      %dma_start3A_220 = tpu.memref_squeeze %dma_start3A_219 : memref<1x125xi32, #tpu.memory_space<vmem>> -> memref<125xi32, #tpu.memory_space<vmem>>
      %dma_start3A_221 = arith.constant 0 : i32
      %dma_start3A_222 = arith.constant 0 : i32
      %dma_start3A_223 = tpu.memref_slice %arg13[%dma_start3A_221, %dma_start3A_222] : memref<10240x8xf32, #tpu.memory_space<vmem_shared>> -> memref<10240x8xf32, #tpu.memory_space<vmem_shared>>
      tpu.enqueue_indirect_dma source(%arg12 : memref<125x8xf32, #tpu.memory_space<vmem>>) target(%dma_start3A_223 : memref<10240x8xf32, #tpu.memory_space<vmem_shared>>) offsets(%dma_start3A_220 : memref<125xi32, #tpu.memory_space<vmem>>) semaphore(%arg21 : memref<!tpu.dma_semaphore, #tpu.memory_space<semaphore_mem>>) {add = true}
    }
    %scan3A_66 = arith.constant 20 : i32
    %dma_wait3A_67 = arith.constant 0 : i32
    %dma_wait3A_68 = arith.constant 0 : i32
    %dma_wait3A_69 = tpu.memref_slice %arg8[%dma_wait3A_67, %dma_wait3A_68] : memref<80x125xi32, #tpu.memory_space<vmem>> -> memref<1x125xi32, #tpu.memory_space<vmem>>
    %dma_wait3A_70 = tpu.memref_squeeze %dma_wait3A_69 : memref<1x125xi32, #tpu.memory_space<vmem>> -> memref<125xi32, #tpu.memory_space<vmem>>
    %dma_wait3A_71 = arith.constant 0 : i32
    %dma_wait3A_72 = arith.constant 0 : i32
    %dma_wait3A_73 = tpu.memref_slice %arg13[%dma_wait3A_71, %dma_wait3A_72] : memref<10240x8xf32, #tpu.memory_space<vmem_shared>> -> memref<10240x8xf32, #tpu.memory_space<vmem_shared>>
    tpu.wait_indirect_dma semaphore(%arg18 : memref<!tpu.dma_semaphore, #tpu.memory_space<semaphore_mem>>) src(%arg9 : memref<125x8xf32, #tpu.memory_space<vmem>>) dst(%dma_wait3A_73 : memref<10240x8xf32, #tpu.memory_space<vmem_shared>>)
    %dma_wait3A_74 = arith.constant 0 : i32
    %dma_wait3A_75 = arith.constant 0 : i32
    %dma_wait3A_76 = tpu.memref_slice %arg8[%dma_wait3A_74, %dma_wait3A_75] : memref<80x125xi32, #tpu.memory_space<vmem>> -> memref<1x125xi32, #tpu.memory_space<vmem>>
    %dma_wait3A_77 = tpu.memref_squeeze %dma_wait3A_76 : memref<1x125xi32, #tpu.memory_space<vmem>> -> memref<125xi32, #tpu.memory_space<vmem>>
    %dma_wait3A_78 = arith.constant 0 : i32
    %dma_wait3A_79 = arith.constant 0 : i32
    %dma_wait3A_80 = tpu.memref_slice %arg13[%dma_wait3A_78, %dma_wait3A_79] : memref<10240x8xf32, #tpu.memory_space<vmem_shared>> -> memref<10240x8xf32, #tpu.memory_space<vmem_shared>>
    tpu.wait_indirect_dma semaphore(%arg19 : memref<!tpu.dma_semaphore, #tpu.memory_space<semaphore_mem>>) src(%arg10 : memref<125x8xf32, #tpu.memory_space<vmem>>) dst(%dma_wait3A_80 : memref<10240x8xf32, #tpu.memory_space<vmem_shared>>)
    %dma_wait3A_81 = arith.constant 0 : i32
    %dma_wait3A_82 = arith.constant 0 : i32
    %dma_wait3A_83 = tpu.memref_slice %arg8[%dma_wait3A_81, %dma_wait3A_82] : memref<80x125xi32, #tpu.memory_space<vmem>> -> memref<1x125xi32, #tpu.memory_space<vmem>>
    %dma_wait3A_84 = tpu.memref_squeeze %dma_wait3A_83 : memref<1x125xi32, #tpu.memory_space<vmem>> -> memref<125xi32, #tpu.memory_space<vmem>>
    %dma_wait3A_85 = arith.constant 0 : i32
    %dma_wait3A_86 = arith.constant 0 : i32
    %dma_wait3A_87 = tpu.memref_slice %arg13[%dma_wait3A_85, %dma_wait3A_86] : memref<10240x8xf32, #tpu.memory_space<vmem_shared>> -> memref<10240x8xf32, #tpu.memory_space<vmem_shared>>
    tpu.wait_indirect_dma semaphore(%arg20 : memref<!tpu.dma_semaphore, #tpu.memory_space<semaphore_mem>>) src(%arg11 : memref<125x8xf32, #tpu.memory_space<vmem>>) dst(%dma_wait3A_87 : memref<10240x8xf32, #tpu.memory_space<vmem_shared>>)
    %dma_wait3A_88 = arith.constant 0 : i32
    %dma_wait3A_89 = arith.constant 0 : i32
    %dma_wait3A_90 = tpu.memref_slice %arg8[%dma_wait3A_88, %dma_wait3A_89] : memref<80x125xi32, #tpu.memory_space<vmem>> -> memref<1x125xi32, #tpu.memory_space<vmem>>
    %dma_wait3A_91 = tpu.memref_squeeze %dma_wait3A_90 : memref<1x125xi32, #tpu.memory_space<vmem>> -> memref<125xi32, #tpu.memory_space<vmem>>
    %dma_wait3A_92 = arith.constant 0 : i32
    %dma_wait3A_93 = arith.constant 0 : i32
    %dma_wait3A_94 = tpu.memref_slice %arg13[%dma_wait3A_92, %dma_wait3A_93] : memref<10240x8xf32, #tpu.memory_space<vmem_shared>> -> memref<10240x8xf32, #tpu.memory_space<vmem_shared>>
    tpu.wait_indirect_dma semaphore(%arg21 : memref<!tpu.dma_semaphore, #tpu.memory_space<semaphore_mem>>) src(%arg12 : memref<125x8xf32, #tpu.memory_space<vmem>>) dst(%dma_wait3A_94 : memref<10240x8xf32, #tpu.memory_space<vmem_shared>>)
    %barrier3A_95 = arith.constant 0 : index
    tpu.barrier barrier_id(%barrier3A_95)
    "tpu.region"() ({
      %run_scoped3A = tpu.sem_alloc : memref<!tpu.dma_semaphore, #tpu.memory_space<semaphore_mem>>
      %dma_start3A_96 = arith.constant 0 : i32
      %dma_start3A_97 = tpu.memref_slice %arg6[%arg0, %mul3A_2, %dma_start3A_96] : memref<2x10240x8xf32, #tpu.memory_space<hbm>> -> memref<1x640x8xf32, #tpu.memory_space<hbm>>
      %dma_start3A_98 = tpu.memref_squeeze %dma_start3A_97 : memref<1x640x8xf32, #tpu.memory_space<hbm>> -> memref<640x8xf32, #tpu.memory_space<hbm>>
      %dma_start3A_99 = arith.constant 0 : i32
      %dma_start3A_100 = tpu.memref_slice %arg13[%mul3A_2, %dma_start3A_99] : memref<10240x8xf32, #tpu.memory_space<vmem_shared>> -> memref<640x8xf32, #tpu.memory_space<vmem_shared>>
      tpu.enqueue_dma source(%dma_start3A_100 : memref<640x8xf32, #tpu.memory_space<vmem_shared>>) target(%dma_start3A_98 : memref<640x8xf32, #tpu.memory_space<hbm>>) target_semaphore(%run_scoped3A : memref<!tpu.dma_semaphore, #tpu.memory_space<semaphore_mem>>)
      %dma_wait3A_101 = arith.constant 0 : i32
      %dma_wait3A_102 = tpu.memref_slice %arg6[%arg0, %mul3A_2, %dma_wait3A_101] : memref<2x10240x8xf32, #tpu.memory_space<hbm>> -> memref<1x640x8xf32, #tpu.memory_space<hbm>>
      %dma_wait3A_103 = tpu.memref_squeeze %dma_wait3A_102 : memref<1x640x8xf32, #tpu.memory_space<hbm>> -> memref<640x8xf32, #tpu.memory_space<hbm>>
      %dma_wait3A_104 = arith.constant 0 : i32
      %dma_wait3A_105 = tpu.memref_slice %arg13[%mul3A_2, %dma_wait3A_104] : memref<10240x8xf32, #tpu.memory_space<vmem_shared>> -> memref<640x8xf32, #tpu.memory_space<vmem_shared>>
      tpu.wait_dma2 semaphore(%run_scoped3A : memref<!tpu.dma_semaphore, #tpu.memory_space<semaphore_mem>>) src(%dma_wait3A_105 : memref<640x8xf32, #tpu.memory_space<vmem_shared>>) dst(%dma_wait3A_103 : memref<640x8xf32, #tpu.memory_space<hbm>>)
      tpu.yield
    }) : () -> ()
    return
  }
}

#map = affine_map<(d0, d1) -> (0, 0)>
#map1 = affine_map<(d0, d1) -> (0, 0, 0)>
module attributes {stable_mosaic.version = 14 : i64} {
  func.func @body(%arg0: i32, %arg1: i32, %arg2: memref<10000x72xf32, #tpu.memory_space<hbm>>, %arg3: memref<32x80x125xi32, #tpu.memory_space<hbm>>, %arg4: memref<32x80x125xi32, #tpu.memory_space<hbm>>, %arg5: memref<10240x72xf32, #tpu.memory_space<hbm>>, %arg6: memref<2x10240x72xf32, #tpu.memory_space<hbm>>, %arg7: memref<80x125xi32, #tpu.memory_space<vmem>>, %arg8: memref<80x125xi32, #tpu.memory_space<vmem>>, %arg9: memref<125x72xf32, #tpu.memory_space<vmem>>, %arg10: memref<125x72xf32, #tpu.memory_space<vmem>>, %arg11: memref<125x72xf32, #tpu.memory_space<vmem>>, %arg12: memref<125x72xf32, #tpu.memory_space<vmem>>, %arg13: memref<10240x72xf32, #tpu.memory_space<vmem_shared>>, %arg14: memref<!tpu.dma_semaphore, #tpu.memory_space<semaphore_mem>>, %arg15: memref<!tpu.dma_semaphore, #tpu.memory_space<semaphore_mem>>, %arg16: memref<!tpu.dma_semaphore, #tpu.memory_space<semaphore_mem>>, %arg17: memref<!tpu.dma_semaphore, #tpu.memory_space<semaphore_mem>>, %arg18: memref<!tpu.dma_semaphore, #tpu.memory_space<semaphore_mem>>, %arg19: memref<!tpu.dma_semaphore, #tpu.memory_space<semaphore_mem>>, %arg20: memref<!tpu.dma_semaphore, #tpu.memory_space<semaphore_mem>>, %arg21: memref<!tpu.dma_semaphore, #tpu.memory_space<semaphore_mem>>, %arg22: memref<!tpu.dma_semaphore, #tpu.memory_space<semaphore_mem>>, %arg23: memref<!tpu.dma_semaphore, #tpu.memory_space<semaphore_mem>>) attributes {dimension_semantics = [#tpu.dimension_semantics<core_parallel>, #tpu.dimension_semantics<subcore_parallel>], iteration_bounds = array<i64: 2, 16>, scalar_prefetch = 0 : i64, scratch_operands = 17 : i64, tpu.core_type = #tpu.core_type<sc_vector_subcore>, window_params = [{transform_indices = #map}, {transform_indices = #map1}, {transform_indices = #map1}, {transform_indices = #map}, {transform_indices = #map1}]} {
    %mul3A = arith.constant 16 : i32
    %mul3A_0 = arith.muli %arg0, %mul3A : i32
    %add3A = arith.addi %mul3A_0, %arg1 : i32
    %mul3A_1 = arith.constant 640 : i32
    %mul3A_2 = arith.muli %arg1, %mul3A_1 : i32
    %dma_start3A = arith.constant 0 : i32
    %dma_start3A_3 = tpu.memref_slice %arg13[%mul3A_2, %dma_start3A] : memref<10240x72xf32, #tpu.memory_space<vmem_shared>> -> memref<640x72xf32, #tpu.memory_space<vmem_shared>>
    %dma_start3A_4 = arith.constant 0 : i32
    %dma_start3A_5 = tpu.memref_slice %arg5[%mul3A_2, %dma_start3A_4] : memref<10240x72xf32, #tpu.memory_space<hbm>> -> memref<640x72xf32, #tpu.memory_space<hbm>>
    tpu.enqueue_dma source(%dma_start3A_5 : memref<640x72xf32, #tpu.memory_space<hbm>>) target(%dma_start3A_3 : memref<640x72xf32, #tpu.memory_space<vmem_shared>>) target_semaphore(%arg23 : memref<!tpu.dma_semaphore, #tpu.memory_space<semaphore_mem>>)
    %dma_start3A_6 = arith.constant 0 : i32
    %dma_start3A_7 = arith.constant 0 : i32
    %dma_start3A_8 = tpu.memref_slice %arg3[%add3A, %dma_start3A_6, %dma_start3A_7] : memref<32x80x125xi32, #tpu.memory_space<hbm>> -> memref<1x80x125xi32, #tpu.memory_space<hbm>>
    %dma_start3A_9 = tpu.memref_squeeze %dma_start3A_8 : memref<1x80x125xi32, #tpu.memory_space<hbm>> -> memref<80x125xi32, #tpu.memory_space<hbm>>
    %dma_start3A_10 = arith.constant 0 : i32
    %dma_start3A_11 = arith.constant 0 : i32
    %dma_start3A_12 = tpu.memref_slice %arg3[%add3A, %dma_start3A_10, %dma_start3A_11] : memref<32x80x125xi32, #tpu.memory_space<hbm>> -> memref<1x80x125xi32, #tpu.memory_space<hbm>>
    %dma_start3A_13 = tpu.memref_squeeze %dma_start3A_12 : memref<1x80x125xi32, #tpu.memory_space<hbm>> -> memref<80x125xi32, #tpu.memory_space<hbm>>
    tpu.enqueue_dma source(%dma_start3A_13 : memref<80x125xi32, #tpu.memory_space<hbm>>) target(%arg7 : memref<80x125xi32, #tpu.memory_space<vmem>>) target_semaphore(%arg22 : memref<!tpu.dma_semaphore, #tpu.memory_space<semaphore_mem>>)
    %dma_start3A_14 = arith.constant 0 : i32
    %dma_start3A_15 = arith.constant 0 : i32
    %dma_start3A_16 = tpu.memref_slice %arg4[%add3A, %dma_start3A_14, %dma_start3A_15] : memref<32x80x125xi32, #tpu.memory_space<hbm>> -> memref<1x80x125xi32, #tpu.memory_space<hbm>>
    %dma_start3A_17 = tpu.memref_squeeze %dma_start3A_16 : memref<1x80x125xi32, #tpu.memory_space<hbm>> -> memref<80x125xi32, #tpu.memory_space<hbm>>
    %dma_start3A_18 = arith.constant 0 : i32
    %dma_start3A_19 = arith.constant 0 : i32
    %dma_start3A_20 = tpu.memref_slice %arg4[%add3A, %dma_start3A_18, %dma_start3A_19] : memref<32x80x125xi32, #tpu.memory_space<hbm>> -> memref<1x80x125xi32, #tpu.memory_space<hbm>>
    %dma_start3A_21 = tpu.memref_squeeze %dma_start3A_20 : memref<1x80x125xi32, #tpu.memory_space<hbm>> -> memref<80x125xi32, #tpu.memory_space<hbm>>
    tpu.enqueue_dma source(%dma_start3A_21 : memref<80x125xi32, #tpu.memory_space<hbm>>) target(%arg8 : memref<80x125xi32, #tpu.memory_space<vmem>>) target_semaphore(%arg22 : memref<!tpu.dma_semaphore, #tpu.memory_space<semaphore_mem>>)
    %dma_wait3A = arith.constant 0 : i32
    %dma_wait3A_22 = arith.constant 0 : i32
    %dma_wait3A_23 = tpu.memref_slice %arg3[%add3A, %dma_wait3A, %dma_wait3A_22] : memref<32x80x125xi32, #tpu.memory_space<hbm>> -> memref<1x80x125xi32, #tpu.memory_space<hbm>>
    %dma_wait3A_24 = tpu.memref_squeeze %dma_wait3A_23 : memref<1x80x125xi32, #tpu.memory_space<hbm>> -> memref<80x125xi32, #tpu.memory_space<hbm>>
    %dma_wait3A_25 = arith.constant 0 : i32
    %dma_wait3A_26 = arith.constant 0 : i32
    %dma_wait3A_27 = tpu.memref_slice %arg3[%add3A, %dma_wait3A_25, %dma_wait3A_26] : memref<32x80x125xi32, #tpu.memory_space<hbm>> -> memref<1x80x125xi32, #tpu.memory_space<hbm>>
    %dma_wait3A_28 = tpu.memref_squeeze %dma_wait3A_27 : memref<1x80x125xi32, #tpu.memory_space<hbm>> -> memref<80x125xi32, #tpu.memory_space<hbm>>
    tpu.wait_dma2 semaphore(%arg22 : memref<!tpu.dma_semaphore, #tpu.memory_space<semaphore_mem>>) src(%dma_wait3A_28 : memref<80x125xi32, #tpu.memory_space<hbm>>) dst(%arg7 : memref<80x125xi32, #tpu.memory_space<vmem>>)
    %dma_wait3A_29 = arith.constant 0 : i32
    %dma_wait3A_30 = arith.constant 0 : i32
    %dma_wait3A_31 = tpu.memref_slice %arg4[%add3A, %dma_wait3A_29, %dma_wait3A_30] : memref<32x80x125xi32, #tpu.memory_space<hbm>> -> memref<1x80x125xi32, #tpu.memory_space<hbm>>
    %dma_wait3A_32 = tpu.memref_squeeze %dma_wait3A_31 : memref<1x80x125xi32, #tpu.memory_space<hbm>> -> memref<80x125xi32, #tpu.memory_space<hbm>>
    %dma_wait3A_33 = arith.constant 0 : i32
    %dma_wait3A_34 = arith.constant 0 : i32
    %dma_wait3A_35 = tpu.memref_slice %arg4[%add3A, %dma_wait3A_33, %dma_wait3A_34] : memref<32x80x125xi32, #tpu.memory_space<hbm>> -> memref<1x80x125xi32, #tpu.memory_space<hbm>>
    %dma_wait3A_36 = tpu.memref_squeeze %dma_wait3A_35 : memref<1x80x125xi32, #tpu.memory_space<hbm>> -> memref<80x125xi32, #tpu.memory_space<hbm>>
    tpu.wait_dma2 semaphore(%arg22 : memref<!tpu.dma_semaphore, #tpu.memory_space<semaphore_mem>>) src(%dma_wait3A_36 : memref<80x125xi32, #tpu.memory_space<hbm>>) dst(%arg8 : memref<80x125xi32, #tpu.memory_space<vmem>>)
    %dma_start3A_37 = arith.constant 0 : i32
    %dma_start3A_38 = arith.constant 0 : i32
    %dma_start3A_39 = tpu.memref_slice %arg7[%dma_start3A_37, %dma_start3A_38] : memref<80x125xi32, #tpu.memory_space<vmem>> -> memref<1x125xi32, #tpu.memory_space<vmem>>
    %dma_start3A_40 = tpu.memref_squeeze %dma_start3A_39 : memref<1x125xi32, #tpu.memory_space<vmem>> -> memref<125xi32, #tpu.memory_space<vmem>>
    %dma_start3A_41 = arith.constant 0 : i32
    %dma_start3A_42 = arith.constant 0 : i32
    %dma_start3A_43 = tpu.memref_slice %arg2[%dma_start3A_41, %dma_start3A_42] : memref<10000x72xf32, #tpu.memory_space<hbm>> -> memref<10000x72xf32, #tpu.memory_space<hbm>>
    tpu.enqueue_indirect_dma source(%dma_start3A_43 : memref<10000x72xf32, #tpu.memory_space<hbm>>) target(%arg9 : memref<125x72xf32, #tpu.memory_space<vmem>>) offsets(%dma_start3A_40 : memref<125xi32, #tpu.memory_space<vmem>>) semaphore(%arg14 : memref<!tpu.dma_semaphore, #tpu.memory_space<semaphore_mem>>)
    %dma_start3A_44 = arith.constant 1 : i32
    %dma_start3A_45 = arith.constant 0 : i32
    %dma_start3A_46 = tpu.memref_slice %arg7[%dma_start3A_44, %dma_start3A_45] : memref<80x125xi32, #tpu.memory_space<vmem>> -> memref<1x125xi32, #tpu.memory_space<vmem>>
    %dma_start3A_47 = tpu.memref_squeeze %dma_start3A_46 : memref<1x125xi32, #tpu.memory_space<vmem>> -> memref<125xi32, #tpu.memory_space<vmem>>
    %dma_start3A_48 = arith.constant 0 : i32
    %dma_start3A_49 = arith.constant 0 : i32
    %dma_start3A_50 = tpu.memref_slice %arg2[%dma_start3A_48, %dma_start3A_49] : memref<10000x72xf32, #tpu.memory_space<hbm>> -> memref<10000x72xf32, #tpu.memory_space<hbm>>
    tpu.enqueue_indirect_dma source(%dma_start3A_50 : memref<10000x72xf32, #tpu.memory_space<hbm>>) target(%arg10 : memref<125x72xf32, #tpu.memory_space<vmem>>) offsets(%dma_start3A_47 : memref<125xi32, #tpu.memory_space<vmem>>) semaphore(%arg15 : memref<!tpu.dma_semaphore, #tpu.memory_space<semaphore_mem>>)
    %dma_wait3A_51 = arith.constant 0 : i32
    %dma_wait3A_52 = tpu.memref_slice %arg13[%mul3A_2, %dma_wait3A_51] : memref<10240x72xf32, #tpu.memory_space<vmem_shared>> -> memref<640x72xf32, #tpu.memory_space<vmem_shared>>
    %dma_wait3A_53 = arith.constant 0 : i32
    %dma_wait3A_54 = tpu.memref_slice %arg5[%mul3A_2, %dma_wait3A_53] : memref<10240x72xf32, #tpu.memory_space<hbm>> -> memref<640x72xf32, #tpu.memory_space<hbm>>
    tpu.wait_dma2 semaphore(%arg23 : memref<!tpu.dma_semaphore, #tpu.memory_space<semaphore_mem>>) src(%dma_wait3A_54 : memref<640x72xf32, #tpu.memory_space<hbm>>) dst(%dma_wait3A_52 : memref<640x72xf32, #tpu.memory_space<vmem_shared>>)
    %barrier3A = arith.constant 0 : index
    tpu.barrier barrier_id(%barrier3A)
    %scan3A = arith.constant 0 : i32
    %scan3A_55 = arith.constant 0 : i32
    %scan3A_56 = arith.constant 20 : i32
    %scan3A_57 = arith.addi %scan3A_55, %scan3A_56 : i32
    %scan3A_58 = arith.constant 1 : i32
    scf.for %scan3A_89 = %scan3A_55 to %scan3A_57 step %scan3A_58  : i32 {
      %mul3A_90 = arith.constant 4 : i32
      %mul3A_91 = arith.muli %scan3A_89, %mul3A_90 : i32
      %add3A_92 = arith.constant 0 : i32
      %add3A_93 = arith.addi %mul3A_91, %add3A_92 : i32
      %add3A_94 = arith.constant 2 : i32
      %add3A_95 = arith.addi %add3A_93, %add3A_94 : i32
      %lt3A = arith.constant 80 : i32
      %lt3A_96 = arith.cmpi slt, %add3A_95, %lt3A : i32
      %ge3A = arith.constant 2 : i32
      %ge3A_97 = arith.cmpi sge, %add3A_93, %ge3A : i32
      %and3A = arith.andi %lt3A_96, %ge3A_97 : i1
      %convert_element_type3A = arith.extui %and3A : i1 to i32
      %cond3A = arith.constant 0 : i32
      %cond3A_98 = arith.cmpi ne, %convert_element_type3A, %cond3A : i32
      scf.if %cond3A_98 {
        %dma_wait3A_217 = arith.constant 0 : i32
        %dma_wait3A_218 = tpu.memref_slice %arg8[%add3A_93, %dma_wait3A_217] : memref<80x125xi32, #tpu.memory_space<vmem>> -> memref<1x125xi32, #tpu.memory_space<vmem>>
        %dma_wait3A_219 = tpu.memref_squeeze %dma_wait3A_218 : memref<1x125xi32, #tpu.memory_space<vmem>> -> memref<125xi32, #tpu.memory_space<vmem>>
        %dma_wait3A_220 = arith.constant 0 : i32
        %dma_wait3A_221 = arith.constant 0 : i32
        %dma_wait3A_222 = tpu.memref_slice %arg13[%dma_wait3A_220, %dma_wait3A_221] : memref<10240x72xf32, #tpu.memory_space<vmem_shared>> -> memref<10240x72xf32, #tpu.memory_space<vmem_shared>>
        tpu.wait_indirect_dma semaphore(%arg20 : memref<!tpu.dma_semaphore, #tpu.memory_space<semaphore_mem>>) src(%arg11 : memref<125x72xf32, #tpu.memory_space<vmem>>) dst(%dma_wait3A_222 : memref<10240x72xf32, #tpu.memory_space<vmem_shared>>)
      } else {
      }
      %add3A_99 = arith.constant 2 : i32
      %add3A_100 = arith.addi %add3A_93, %add3A_99 : i32
      %lt3A_101 = arith.constant 80 : i32
      %lt3A_102 = arith.cmpi slt, %add3A_100, %lt3A_101 : i32
      %convert_element_type3A_103 = arith.extui %lt3A_102 : i1 to i32
      %cond3A_104 = arith.constant 0 : i32
      %cond3A_105 = arith.cmpi ne, %convert_element_type3A_103, %cond3A_104 : i32
      scf.if %cond3A_105 {
        %add3A_217 = arith.constant 2 : i32
        %add3A_218 = arith.addi %add3A_93, %add3A_217 : i32
        %dma_start3A_219 = arith.constant 0 : i32
        %dma_start3A_220 = tpu.memref_slice %arg7[%add3A_218, %dma_start3A_219] : memref<80x125xi32, #tpu.memory_space<vmem>> -> memref<1x125xi32, #tpu.memory_space<vmem>>
        %dma_start3A_221 = tpu.memref_squeeze %dma_start3A_220 : memref<1x125xi32, #tpu.memory_space<vmem>> -> memref<125xi32, #tpu.memory_space<vmem>>
        %dma_start3A_222 = arith.constant 0 : i32
        %dma_start3A_223 = arith.constant 0 : i32
        %dma_start3A_224 = tpu.memref_slice %arg2[%dma_start3A_222, %dma_start3A_223] : memref<10000x72xf32, #tpu.memory_space<hbm>> -> memref<10000x72xf32, #tpu.memory_space<hbm>>
        tpu.enqueue_indirect_dma source(%dma_start3A_224 : memref<10000x72xf32, #tpu.memory_space<hbm>>) target(%arg11 : memref<125x72xf32, #tpu.memory_space<vmem>>) offsets(%dma_start3A_221 : memref<125xi32, #tpu.memory_space<vmem>>) semaphore(%arg16 : memref<!tpu.dma_semaphore, #tpu.memory_space<semaphore_mem>>)
      } else {
      }
      %dma_wait3A_106 = arith.constant 0 : i32
      %dma_wait3A_107 = tpu.memref_slice %arg7[%add3A_93, %dma_wait3A_106] : memref<80x125xi32, #tpu.memory_space<vmem>> -> memref<1x125xi32, #tpu.memory_space<vmem>>
      %dma_wait3A_108 = tpu.memref_squeeze %dma_wait3A_107 : memref<1x125xi32, #tpu.memory_space<vmem>> -> memref<125xi32, #tpu.memory_space<vmem>>
      %dma_wait3A_109 = arith.constant 0 : i32
      %dma_wait3A_110 = arith.constant 0 : i32
      %dma_wait3A_111 = tpu.memref_slice %arg2[%dma_wait3A_109, %dma_wait3A_110] : memref<10000x72xf32, #tpu.memory_space<hbm>> -> memref<10000x72xf32, #tpu.memory_space<hbm>>
      tpu.wait_indirect_dma semaphore(%arg14 : memref<!tpu.dma_semaphore, #tpu.memory_space<semaphore_mem>>) src(%dma_wait3A_111 : memref<10000x72xf32, #tpu.memory_space<hbm>>) dst(%arg9 : memref<125x72xf32, #tpu.memory_space<vmem>>)
      %dma_start3A_112 = arith.constant 0 : i32
      %dma_start3A_113 = tpu.memref_slice %arg8[%add3A_93, %dma_start3A_112] : memref<80x125xi32, #tpu.memory_space<vmem>> -> memref<1x125xi32, #tpu.memory_space<vmem>>
      %dma_start3A_114 = tpu.memref_squeeze %dma_start3A_113 : memref<1x125xi32, #tpu.memory_space<vmem>> -> memref<125xi32, #tpu.memory_space<vmem>>
      %dma_start3A_115 = arith.constant 0 : i32
      %dma_start3A_116 = arith.constant 0 : i32
      %dma_start3A_117 = tpu.memref_slice %arg13[%dma_start3A_115, %dma_start3A_116] : memref<10240x72xf32, #tpu.memory_space<vmem_shared>> -> memref<10240x72xf32, #tpu.memory_space<vmem_shared>>
      tpu.enqueue_indirect_dma source(%arg9 : memref<125x72xf32, #tpu.memory_space<vmem>>) target(%dma_start3A_117 : memref<10240x72xf32, #tpu.memory_space<vmem_shared>>) offsets(%dma_start3A_114 : memref<125xi32, #tpu.memory_space<vmem>>) semaphore(%arg18 : memref<!tpu.dma_semaphore, #tpu.memory_space<semaphore_mem>>) {add = true}
      %mul3A_118 = arith.constant 4 : i32
      %mul3A_119 = arith.muli %scan3A_89, %mul3A_118 : i32
      %add3A_120 = arith.constant 1 : i32
      %add3A_121 = arith.addi %mul3A_119, %add3A_120 : i32
      %add3A_122 = arith.constant 2 : i32
      %add3A_123 = arith.addi %add3A_121, %add3A_122 : i32
      %lt3A_124 = arith.constant 80 : i32
      %lt3A_125 = arith.cmpi slt, %add3A_123, %lt3A_124 : i32
      %ge3A_126 = arith.constant 2 : i32
      %ge3A_127 = arith.cmpi sge, %add3A_121, %ge3A_126 : i32
      %and3A_128 = arith.andi %lt3A_125, %ge3A_127 : i1
      %convert_element_type3A_129 = arith.extui %and3A_128 : i1 to i32
      %cond3A_130 = arith.constant 0 : i32
      %cond3A_131 = arith.cmpi ne, %convert_element_type3A_129, %cond3A_130 : i32
      scf.if %cond3A_131 {
        %dma_wait3A_217 = arith.constant 0 : i32
        %dma_wait3A_218 = tpu.memref_slice %arg8[%add3A_121, %dma_wait3A_217] : memref<80x125xi32, #tpu.memory_space<vmem>> -> memref<1x125xi32, #tpu.memory_space<vmem>>
        %dma_wait3A_219 = tpu.memref_squeeze %dma_wait3A_218 : memref<1x125xi32, #tpu.memory_space<vmem>> -> memref<125xi32, #tpu.memory_space<vmem>>
        %dma_wait3A_220 = arith.constant 0 : i32
        %dma_wait3A_221 = arith.constant 0 : i32
        %dma_wait3A_222 = tpu.memref_slice %arg13[%dma_wait3A_220, %dma_wait3A_221] : memref<10240x72xf32, #tpu.memory_space<vmem_shared>> -> memref<10240x72xf32, #tpu.memory_space<vmem_shared>>
        tpu.wait_indirect_dma semaphore(%arg21 : memref<!tpu.dma_semaphore, #tpu.memory_space<semaphore_mem>>) src(%arg12 : memref<125x72xf32, #tpu.memory_space<vmem>>) dst(%dma_wait3A_222 : memref<10240x72xf32, #tpu.memory_space<vmem_shared>>)
      } else {
      }
      %add3A_132 = arith.constant 2 : i32
      %add3A_133 = arith.addi %add3A_121, %add3A_132 : i32
      %lt3A_134 = arith.constant 80 : i32
      %lt3A_135 = arith.cmpi slt, %add3A_133, %lt3A_134 : i32
      %convert_element_type3A_136 = arith.extui %lt3A_135 : i1 to i32
      %cond3A_137 = arith.constant 0 : i32
      %cond3A_138 = arith.cmpi ne, %convert_element_type3A_136, %cond3A_137 : i32
      scf.if %cond3A_138 {
        %add3A_217 = arith.constant 2 : i32
        %add3A_218 = arith.addi %add3A_121, %add3A_217 : i32
        %dma_start3A_219 = arith.constant 0 : i32
        %dma_start3A_220 = tpu.memref_slice %arg7[%add3A_218, %dma_start3A_219] : memref<80x125xi32, #tpu.memory_space<vmem>> -> memref<1x125xi32, #tpu.memory_space<vmem>>
        %dma_start3A_221 = tpu.memref_squeeze %dma_start3A_220 : memref<1x125xi32, #tpu.memory_space<vmem>> -> memref<125xi32, #tpu.memory_space<vmem>>
        %dma_start3A_222 = arith.constant 0 : i32
        %dma_start3A_223 = arith.constant 0 : i32
        %dma_start3A_224 = tpu.memref_slice %arg2[%dma_start3A_222, %dma_start3A_223] : memref<10000x72xf32, #tpu.memory_space<hbm>> -> memref<10000x72xf32, #tpu.memory_space<hbm>>
        tpu.enqueue_indirect_dma source(%dma_start3A_224 : memref<10000x72xf32, #tpu.memory_space<hbm>>) target(%arg12 : memref<125x72xf32, #tpu.memory_space<vmem>>) offsets(%dma_start3A_221 : memref<125xi32, #tpu.memory_space<vmem>>) semaphore(%arg17 : memref<!tpu.dma_semaphore, #tpu.memory_space<semaphore_mem>>)
      } else {
      }
      %dma_wait3A_139 = arith.constant 0 : i32
      %dma_wait3A_140 = tpu.memref_slice %arg7[%add3A_121, %dma_wait3A_139] : memref<80x125xi32, #tpu.memory_space<vmem>> -> memref<1x125xi32, #tpu.memory_space<vmem>>
      %dma_wait3A_141 = tpu.memref_squeeze %dma_wait3A_140 : memref<1x125xi32, #tpu.memory_space<vmem>> -> memref<125xi32, #tpu.memory_space<vmem>>
      %dma_wait3A_142 = arith.constant 0 : i32
      %dma_wait3A_143 = arith.constant 0 : i32
      %dma_wait3A_144 = tpu.memref_slice %arg2[%dma_wait3A_142, %dma_wait3A_143] : memref<10000x72xf32, #tpu.memory_space<hbm>> -> memref<10000x72xf32, #tpu.memory_space<hbm>>
      tpu.wait_indirect_dma semaphore(%arg15 : memref<!tpu.dma_semaphore, #tpu.memory_space<semaphore_mem>>) src(%dma_wait3A_144 : memref<10000x72xf32, #tpu.memory_space<hbm>>) dst(%arg10 : memref<125x72xf32, #tpu.memory_space<vmem>>)
      %dma_start3A_145 = arith.constant 0 : i32
      %dma_start3A_146 = tpu.memref_slice %arg8[%add3A_121, %dma_start3A_145] : memref<80x125xi32, #tpu.memory_space<vmem>> -> memref<1x125xi32, #tpu.memory_space<vmem>>
      %dma_start3A_147 = tpu.memref_squeeze %dma_start3A_146 : memref<1x125xi32, #tpu.memory_space<vmem>> -> memref<125xi32, #tpu.memory_space<vmem>>
      %dma_start3A_148 = arith.constant 0 : i32
      %dma_start3A_149 = arith.constant 0 : i32
      %dma_start3A_150 = tpu.memref_slice %arg13[%dma_start3A_148, %dma_start3A_149] : memref<10240x72xf32, #tpu.memory_space<vmem_shared>> -> memref<10240x72xf32, #tpu.memory_space<vmem_shared>>
      tpu.enqueue_indirect_dma source(%arg10 : memref<125x72xf32, #tpu.memory_space<vmem>>) target(%dma_start3A_150 : memref<10240x72xf32, #tpu.memory_space<vmem_shared>>) offsets(%dma_start3A_147 : memref<125xi32, #tpu.memory_space<vmem>>) semaphore(%arg19 : memref<!tpu.dma_semaphore, #tpu.memory_space<semaphore_mem>>) {add = true}
      %mul3A_151 = arith.constant 4 : i32
      %mul3A_152 = arith.muli %scan3A_89, %mul3A_151 : i32
      %add3A_153 = arith.constant 2 : i32
      %add3A_154 = arith.addi %mul3A_152, %add3A_153 : i32
      %add3A_155 = arith.constant 2 : i32
      %add3A_156 = arith.addi %add3A_154, %add3A_155 : i32
      %lt3A_157 = arith.constant 80 : i32
      %lt3A_158 = arith.cmpi slt, %add3A_156, %lt3A_157 : i32
      %ge3A_159 = arith.constant 2 : i32
      %ge3A_160 = arith.cmpi sge, %add3A_154, %ge3A_159 : i32
      %and3A_161 = arith.andi %lt3A_158, %ge3A_160 : i1
      %convert_element_type3A_162 = arith.extui %and3A_161 : i1 to i32
      %cond3A_163 = arith.constant 0 : i32
      %cond3A_164 = arith.cmpi ne, %convert_element_type3A_162, %cond3A_163 : i32
      scf.if %cond3A_164 {
        %dma_wait3A_217 = arith.constant 0 : i32
        %dma_wait3A_218 = tpu.memref_slice %arg8[%add3A_154, %dma_wait3A_217] : memref<80x125xi32, #tpu.memory_space<vmem>> -> memref<1x125xi32, #tpu.memory_space<vmem>>
        %dma_wait3A_219 = tpu.memref_squeeze %dma_wait3A_218 : memref<1x125xi32, #tpu.memory_space<vmem>> -> memref<125xi32, #tpu.memory_space<vmem>>
        %dma_wait3A_220 = arith.constant 0 : i32
        %dma_wait3A_221 = arith.constant 0 : i32
        %dma_wait3A_222 = tpu.memref_slice %arg13[%dma_wait3A_220, %dma_wait3A_221] : memref<10240x72xf32, #tpu.memory_space<vmem_shared>> -> memref<10240x72xf32, #tpu.memory_space<vmem_shared>>
        tpu.wait_indirect_dma semaphore(%arg18 : memref<!tpu.dma_semaphore, #tpu.memory_space<semaphore_mem>>) src(%arg9 : memref<125x72xf32, #tpu.memory_space<vmem>>) dst(%dma_wait3A_222 : memref<10240x72xf32, #tpu.memory_space<vmem_shared>>)
      } else {
      }
      %add3A_165 = arith.constant 2 : i32
      %add3A_166 = arith.addi %add3A_154, %add3A_165 : i32
      %lt3A_167 = arith.constant 80 : i32
      %lt3A_168 = arith.cmpi slt, %add3A_166, %lt3A_167 : i32
      %convert_element_type3A_169 = arith.extui %lt3A_168 : i1 to i32
      %cond3A_170 = arith.constant 0 : i32
      %cond3A_171 = arith.cmpi ne, %convert_element_type3A_169, %cond3A_170 : i32
      scf.if %cond3A_171 {
        %add3A_217 = arith.constant 2 : i32
        %add3A_218 = arith.addi %add3A_154, %add3A_217 : i32
        %dma_start3A_219 = arith.constant 0 : i32
        %dma_start3A_220 = tpu.memref_slice %arg7[%add3A_218, %dma_start3A_219] : memref<80x125xi32, #tpu.memory_space<vmem>> -> memref<1x125xi32, #tpu.memory_space<vmem>>
        %dma_start3A_221 = tpu.memref_squeeze %dma_start3A_220 : memref<1x125xi32, #tpu.memory_space<vmem>> -> memref<125xi32, #tpu.memory_space<vmem>>
        %dma_start3A_222 = arith.constant 0 : i32
        %dma_start3A_223 = arith.constant 0 : i32
        %dma_start3A_224 = tpu.memref_slice %arg2[%dma_start3A_222, %dma_start3A_223] : memref<10000x72xf32, #tpu.memory_space<hbm>> -> memref<10000x72xf32, #tpu.memory_space<hbm>>
        tpu.enqueue_indirect_dma source(%dma_start3A_224 : memref<10000x72xf32, #tpu.memory_space<hbm>>) target(%arg9 : memref<125x72xf32, #tpu.memory_space<vmem>>) offsets(%dma_start3A_221 : memref<125xi32, #tpu.memory_space<vmem>>) semaphore(%arg14 : memref<!tpu.dma_semaphore, #tpu.memory_space<semaphore_mem>>)
      } else {
      }
      %dma_wait3A_172 = arith.constant 0 : i32
      %dma_wait3A_173 = tpu.memref_slice %arg7[%add3A_154, %dma_wait3A_172] : memref<80x125xi32, #tpu.memory_space<vmem>> -> memref<1x125xi32, #tpu.memory_space<vmem>>
      %dma_wait3A_174 = tpu.memref_squeeze %dma_wait3A_173 : memref<1x125xi32, #tpu.memory_space<vmem>> -> memref<125xi32, #tpu.memory_space<vmem>>
      %dma_wait3A_175 = arith.constant 0 : i32
      %dma_wait3A_176 = arith.constant 0 : i32
      %dma_wait3A_177 = tpu.memref_slice %arg2[%dma_wait3A_175, %dma_wait3A_176] : memref<10000x72xf32, #tpu.memory_space<hbm>> -> memref<10000x72xf32, #tpu.memory_space<hbm>>
      tpu.wait_indirect_dma semaphore(%arg16 : memref<!tpu.dma_semaphore, #tpu.memory_space<semaphore_mem>>) src(%dma_wait3A_177 : memref<10000x72xf32, #tpu.memory_space<hbm>>) dst(%arg11 : memref<125x72xf32, #tpu.memory_space<vmem>>)
      %dma_start3A_178 = arith.constant 0 : i32
      %dma_start3A_179 = tpu.memref_slice %arg8[%add3A_154, %dma_start3A_178] : memref<80x125xi32, #tpu.memory_space<vmem>> -> memref<1x125xi32, #tpu.memory_space<vmem>>
      %dma_start3A_180 = tpu.memref_squeeze %dma_start3A_179 : memref<1x125xi32, #tpu.memory_space<vmem>> -> memref<125xi32, #tpu.memory_space<vmem>>
      %dma_start3A_181 = arith.constant 0 : i32
      %dma_start3A_182 = arith.constant 0 : i32
      %dma_start3A_183 = tpu.memref_slice %arg13[%dma_start3A_181, %dma_start3A_182] : memref<10240x72xf32, #tpu.memory_space<vmem_shared>> -> memref<10240x72xf32, #tpu.memory_space<vmem_shared>>
      tpu.enqueue_indirect_dma source(%arg11 : memref<125x72xf32, #tpu.memory_space<vmem>>) target(%dma_start3A_183 : memref<10240x72xf32, #tpu.memory_space<vmem_shared>>) offsets(%dma_start3A_180 : memref<125xi32, #tpu.memory_space<vmem>>) semaphore(%arg20 : memref<!tpu.dma_semaphore, #tpu.memory_space<semaphore_mem>>) {add = true}
      %mul3A_184 = arith.constant 4 : i32
      %mul3A_185 = arith.muli %scan3A_89, %mul3A_184 : i32
      %add3A_186 = arith.constant 3 : i32
      %add3A_187 = arith.addi %mul3A_185, %add3A_186 : i32
      %add3A_188 = arith.constant 2 : i32
      %add3A_189 = arith.addi %add3A_187, %add3A_188 : i32
      %lt3A_190 = arith.constant 80 : i32
      %lt3A_191 = arith.cmpi slt, %add3A_189, %lt3A_190 : i32
      %ge3A_192 = arith.constant 2 : i32
      %ge3A_193 = arith.cmpi sge, %add3A_187, %ge3A_192 : i32
      %and3A_194 = arith.andi %lt3A_191, %ge3A_193 : i1
      %convert_element_type3A_195 = arith.extui %and3A_194 : i1 to i32
      %cond3A_196 = arith.constant 0 : i32
      %cond3A_197 = arith.cmpi ne, %convert_element_type3A_195, %cond3A_196 : i32
      scf.if %cond3A_197 {
        %dma_wait3A_217 = arith.constant 0 : i32
        %dma_wait3A_218 = tpu.memref_slice %arg8[%add3A_187, %dma_wait3A_217] : memref<80x125xi32, #tpu.memory_space<vmem>> -> memref<1x125xi32, #tpu.memory_space<vmem>>
        %dma_wait3A_219 = tpu.memref_squeeze %dma_wait3A_218 : memref<1x125xi32, #tpu.memory_space<vmem>> -> memref<125xi32, #tpu.memory_space<vmem>>
        %dma_wait3A_220 = arith.constant 0 : i32
        %dma_wait3A_221 = arith.constant 0 : i32
        %dma_wait3A_222 = tpu.memref_slice %arg13[%dma_wait3A_220, %dma_wait3A_221] : memref<10240x72xf32, #tpu.memory_space<vmem_shared>> -> memref<10240x72xf32, #tpu.memory_space<vmem_shared>>
        tpu.wait_indirect_dma semaphore(%arg19 : memref<!tpu.dma_semaphore, #tpu.memory_space<semaphore_mem>>) src(%arg10 : memref<125x72xf32, #tpu.memory_space<vmem>>) dst(%dma_wait3A_222 : memref<10240x72xf32, #tpu.memory_space<vmem_shared>>)
      } else {
      }
      %add3A_198 = arith.constant 2 : i32
      %add3A_199 = arith.addi %add3A_187, %add3A_198 : i32
      %lt3A_200 = arith.constant 80 : i32
      %lt3A_201 = arith.cmpi slt, %add3A_199, %lt3A_200 : i32
      %convert_element_type3A_202 = arith.extui %lt3A_201 : i1 to i32
      %cond3A_203 = arith.constant 0 : i32
      %cond3A_204 = arith.cmpi ne, %convert_element_type3A_202, %cond3A_203 : i32
      scf.if %cond3A_204 {
        %add3A_217 = arith.constant 2 : i32
        %add3A_218 = arith.addi %add3A_187, %add3A_217 : i32
        %dma_start3A_219 = arith.constant 0 : i32
        %dma_start3A_220 = tpu.memref_slice %arg7[%add3A_218, %dma_start3A_219] : memref<80x125xi32, #tpu.memory_space<vmem>> -> memref<1x125xi32, #tpu.memory_space<vmem>>
        %dma_start3A_221 = tpu.memref_squeeze %dma_start3A_220 : memref<1x125xi32, #tpu.memory_space<vmem>> -> memref<125xi32, #tpu.memory_space<vmem>>
        %dma_start3A_222 = arith.constant 0 : i32
        %dma_start3A_223 = arith.constant 0 : i32
        %dma_start3A_224 = tpu.memref_slice %arg2[%dma_start3A_222, %dma_start3A_223] : memref<10000x72xf32, #tpu.memory_space<hbm>> -> memref<10000x72xf32, #tpu.memory_space<hbm>>
        tpu.enqueue_indirect_dma source(%dma_start3A_224 : memref<10000x72xf32, #tpu.memory_space<hbm>>) target(%arg10 : memref<125x72xf32, #tpu.memory_space<vmem>>) offsets(%dma_start3A_221 : memref<125xi32, #tpu.memory_space<vmem>>) semaphore(%arg15 : memref<!tpu.dma_semaphore, #tpu.memory_space<semaphore_mem>>)
      } else {
      }
      %dma_wait3A_205 = arith.constant 0 : i32
      %dma_wait3A_206 = tpu.memref_slice %arg7[%add3A_187, %dma_wait3A_205] : memref<80x125xi32, #tpu.memory_space<vmem>> -> memref<1x125xi32, #tpu.memory_space<vmem>>
      %dma_wait3A_207 = tpu.memref_squeeze %dma_wait3A_206 : memref<1x125xi32, #tpu.memory_space<vmem>> -> memref<125xi32, #tpu.memory_space<vmem>>
      %dma_wait3A_208 = arith.constant 0 : i32
      %dma_wait3A_209 = arith.constant 0 : i32
      %dma_wait3A_210 = tpu.memref_slice %arg2[%dma_wait3A_208, %dma_wait3A_209] : memref<10000x72xf32, #tpu.memory_space<hbm>> -> memref<10000x72xf32, #tpu.memory_space<hbm>>
      tpu.wait_indirect_dma semaphore(%arg17 : memref<!tpu.dma_semaphore, #tpu.memory_space<semaphore_mem>>) src(%dma_wait3A_210 : memref<10000x72xf32, #tpu.memory_space<hbm>>) dst(%arg12 : memref<125x72xf32, #tpu.memory_space<vmem>>)
      %dma_start3A_211 = arith.constant 0 : i32
      %dma_start3A_212 = tpu.memref_slice %arg8[%add3A_187, %dma_start3A_211] : memref<80x125xi32, #tpu.memory_space<vmem>> -> memref<1x125xi32, #tpu.memory_space<vmem>>
      %dma_start3A_213 = tpu.memref_squeeze %dma_start3A_212 : memref<1x125xi32, #tpu.memory_space<vmem>> -> memref<125xi32, #tpu.memory_space<vmem>>
      %dma_start3A_214 = arith.constant 0 : i32
      %dma_start3A_215 = arith.constant 0 : i32
      %dma_start3A_216 = tpu.memref_slice %arg13[%dma_start3A_214, %dma_start3A_215] : memref<10240x72xf32, #tpu.memory_space<vmem_shared>> -> memref<10240x72xf32, #tpu.memory_space<vmem_shared>>
      tpu.enqueue_indirect_dma source(%arg12 : memref<125x72xf32, #tpu.memory_space<vmem>>) target(%dma_start3A_216 : memref<10240x72xf32, #tpu.memory_space<vmem_shared>>) offsets(%dma_start3A_213 : memref<125xi32, #tpu.memory_space<vmem>>) semaphore(%arg21 : memref<!tpu.dma_semaphore, #tpu.memory_space<semaphore_mem>>) {add = true}
    }
    %scan3A_59 = arith.constant 20 : i32
    %dma_wait3A_60 = arith.constant 0 : i32
    %dma_wait3A_61 = arith.constant 0 : i32
    %dma_wait3A_62 = tpu.memref_slice %arg8[%dma_wait3A_60, %dma_wait3A_61] : memref<80x125xi32, #tpu.memory_space<vmem>> -> memref<1x125xi32, #tpu.memory_space<vmem>>
    %dma_wait3A_63 = tpu.memref_squeeze %dma_wait3A_62 : memref<1x125xi32, #tpu.memory_space<vmem>> -> memref<125xi32, #tpu.memory_space<vmem>>
    %dma_wait3A_64 = arith.constant 0 : i32
    %dma_wait3A_65 = arith.constant 0 : i32
    %dma_wait3A_66 = tpu.memref_slice %arg13[%dma_wait3A_64, %dma_wait3A_65] : memref<10240x72xf32, #tpu.memory_space<vmem_shared>> -> memref<10240x72xf32, #tpu.memory_space<vmem_shared>>
    tpu.wait_indirect_dma semaphore(%arg18 : memref<!tpu.dma_semaphore, #tpu.memory_space<semaphore_mem>>) src(%arg9 : memref<125x72xf32, #tpu.memory_space<vmem>>) dst(%dma_wait3A_66 : memref<10240x72xf32, #tpu.memory_space<vmem_shared>>)
    %dma_wait3A_67 = arith.constant 0 : i32
    %dma_wait3A_68 = arith.constant 0 : i32
    %dma_wait3A_69 = tpu.memref_slice %arg8[%dma_wait3A_67, %dma_wait3A_68] : memref<80x125xi32, #tpu.memory_space<vmem>> -> memref<1x125xi32, #tpu.memory_space<vmem>>
    %dma_wait3A_70 = tpu.memref_squeeze %dma_wait3A_69 : memref<1x125xi32, #tpu.memory_space<vmem>> -> memref<125xi32, #tpu.memory_space<vmem>>
    %dma_wait3A_71 = arith.constant 0 : i32
    %dma_wait3A_72 = arith.constant 0 : i32
    %dma_wait3A_73 = tpu.memref_slice %arg13[%dma_wait3A_71, %dma_wait3A_72] : memref<10240x72xf32, #tpu.memory_space<vmem_shared>> -> memref<10240x72xf32, #tpu.memory_space<vmem_shared>>
    tpu.wait_indirect_dma semaphore(%arg19 : memref<!tpu.dma_semaphore, #tpu.memory_space<semaphore_mem>>) src(%arg10 : memref<125x72xf32, #tpu.memory_space<vmem>>) dst(%dma_wait3A_73 : memref<10240x72xf32, #tpu.memory_space<vmem_shared>>)
    %dma_wait3A_74 = arith.constant 0 : i32
    %dma_wait3A_75 = arith.constant 0 : i32
    %dma_wait3A_76 = tpu.memref_slice %arg8[%dma_wait3A_74, %dma_wait3A_75] : memref<80x125xi32, #tpu.memory_space<vmem>> -> memref<1x125xi32, #tpu.memory_space<vmem>>
    %dma_wait3A_77 = tpu.memref_squeeze %dma_wait3A_76 : memref<1x125xi32, #tpu.memory_space<vmem>> -> memref<125xi32, #tpu.memory_space<vmem>>
    %dma_wait3A_78 = arith.constant 0 : i32
    %dma_wait3A_79 = arith.constant 0 : i32
    %dma_wait3A_80 = tpu.memref_slice %arg13[%dma_wait3A_78, %dma_wait3A_79] : memref<10240x72xf32, #tpu.memory_space<vmem_shared>> -> memref<10240x72xf32, #tpu.memory_space<vmem_shared>>
    tpu.wait_indirect_dma semaphore(%arg20 : memref<!tpu.dma_semaphore, #tpu.memory_space<semaphore_mem>>) src(%arg11 : memref<125x72xf32, #tpu.memory_space<vmem>>) dst(%dma_wait3A_80 : memref<10240x72xf32, #tpu.memory_space<vmem_shared>>)
    %dma_wait3A_81 = arith.constant 0 : i32
    %dma_wait3A_82 = arith.constant 0 : i32
    %dma_wait3A_83 = tpu.memref_slice %arg8[%dma_wait3A_81, %dma_wait3A_82] : memref<80x125xi32, #tpu.memory_space<vmem>> -> memref<1x125xi32, #tpu.memory_space<vmem>>
    %dma_wait3A_84 = tpu.memref_squeeze %dma_wait3A_83 : memref<1x125xi32, #tpu.memory_space<vmem>> -> memref<125xi32, #tpu.memory_space<vmem>>
    %dma_wait3A_85 = arith.constant 0 : i32
    %dma_wait3A_86 = arith.constant 0 : i32
    %dma_wait3A_87 = tpu.memref_slice %arg13[%dma_wait3A_85, %dma_wait3A_86] : memref<10240x72xf32, #tpu.memory_space<vmem_shared>> -> memref<10240x72xf32, #tpu.memory_space<vmem_shared>>
    tpu.wait_indirect_dma semaphore(%arg21 : memref<!tpu.dma_semaphore, #tpu.memory_space<semaphore_mem>>) src(%arg12 : memref<125x72xf32, #tpu.memory_space<vmem>>) dst(%dma_wait3A_87 : memref<10240x72xf32, #tpu.memory_space<vmem_shared>>)
    %barrier3A_88 = arith.constant 0 : index
    tpu.barrier barrier_id(%barrier3A_88)
    "tpu.region"() ({
      %run_scoped3A = tpu.sem_alloc : memref<!tpu.dma_semaphore, #tpu.memory_space<semaphore_mem>>
      %dma_start3A_89 = arith.constant 0 : i32
      %dma_start3A_90 = tpu.memref_slice %arg6[%arg0, %mul3A_2, %dma_start3A_89] : memref<2x10240x72xf32, #tpu.memory_space<hbm>> -> memref<1x640x72xf32, #tpu.memory_space<hbm>>
      %dma_start3A_91 = tpu.memref_squeeze %dma_start3A_90 : memref<1x640x72xf32, #tpu.memory_space<hbm>> -> memref<640x72xf32, #tpu.memory_space<hbm>>
      %dma_start3A_92 = arith.constant 0 : i32
      %dma_start3A_93 = tpu.memref_slice %arg13[%mul3A_2, %dma_start3A_92] : memref<10240x72xf32, #tpu.memory_space<vmem_shared>> -> memref<640x72xf32, #tpu.memory_space<vmem_shared>>
      tpu.enqueue_dma source(%dma_start3A_93 : memref<640x72xf32, #tpu.memory_space<vmem_shared>>) target(%dma_start3A_91 : memref<640x72xf32, #tpu.memory_space<hbm>>) target_semaphore(%run_scoped3A : memref<!tpu.dma_semaphore, #tpu.memory_space<semaphore_mem>>)
      %dma_wait3A_94 = arith.constant 0 : i32
      %dma_wait3A_95 = tpu.memref_slice %arg6[%arg0, %mul3A_2, %dma_wait3A_94] : memref<2x10240x72xf32, #tpu.memory_space<hbm>> -> memref<1x640x72xf32, #tpu.memory_space<hbm>>
      %dma_wait3A_96 = tpu.memref_squeeze %dma_wait3A_95 : memref<1x640x72xf32, #tpu.memory_space<hbm>> -> memref<640x72xf32, #tpu.memory_space<hbm>>
      %dma_wait3A_97 = arith.constant 0 : i32
      %dma_wait3A_98 = tpu.memref_slice %arg13[%mul3A_2, %dma_wait3A_97] : memref<10240x72xf32, #tpu.memory_space<vmem_shared>> -> memref<640x72xf32, #tpu.memory_space<vmem_shared>>
      tpu.wait_dma2 semaphore(%run_scoped3A : memref<!tpu.dma_semaphore, #tpu.memory_space<semaphore_mem>>) src(%dma_wait3A_98 : memref<640x72xf32, #tpu.memory_space<vmem_shared>>) dst(%dma_wait3A_96 : memref<640x72xf32, #tpu.memory_space<hbm>>)
      tpu.yield
    }) : () -> ()
    return
  }
}

#map = affine_map<(d0, d1) -> (0, 0)>
#map1 = affine_map<(d0, d1) -> (0, 0, 0)>
module attributes {stable_mosaic.version = 14 : i64} {
  func.func @body(%arg0: i32, %arg1: i32, %arg2: memref<10000x64xf32, #tpu.memory_space<hbm>>, %arg3: memref<32x80x125xi32, #tpu.memory_space<hbm>>, %arg4: memref<32x80x125xi32, #tpu.memory_space<hbm>>, %arg5: memref<10240x64xf32, #tpu.memory_space<hbm>>, %arg6: memref<2x10240x64xf32, #tpu.memory_space<hbm>>, %arg7: memref<80x125xi32, #tpu.memory_space<vmem>>, %arg8: memref<80x125xi32, #tpu.memory_space<vmem>>, %arg9: memref<125x64xf32, #tpu.memory_space<vmem>>, %arg10: memref<125x64xf32, #tpu.memory_space<vmem>>, %arg11: memref<125x64xf32, #tpu.memory_space<vmem>>, %arg12: memref<125x64xf32, #tpu.memory_space<vmem>>, %arg13: memref<10240x64xf32, #tpu.memory_space<vmem_shared>>, %arg14: memref<!tpu.dma_semaphore, #tpu.memory_space<semaphore_mem>>, %arg15: memref<!tpu.dma_semaphore, #tpu.memory_space<semaphore_mem>>, %arg16: memref<!tpu.dma_semaphore, #tpu.memory_space<semaphore_mem>>, %arg17: memref<!tpu.dma_semaphore, #tpu.memory_space<semaphore_mem>>, %arg18: memref<!tpu.dma_semaphore, #tpu.memory_space<semaphore_mem>>, %arg19: memref<!tpu.dma_semaphore, #tpu.memory_space<semaphore_mem>>, %arg20: memref<!tpu.dma_semaphore, #tpu.memory_space<semaphore_mem>>, %arg21: memref<!tpu.dma_semaphore, #tpu.memory_space<semaphore_mem>>, %arg22: memref<!tpu.dma_semaphore, #tpu.memory_space<semaphore_mem>>, %arg23: memref<!tpu.dma_semaphore, #tpu.memory_space<semaphore_mem>>) attributes {dimension_semantics = [#tpu.dimension_semantics<core_parallel>, #tpu.dimension_semantics<subcore_parallel>], iteration_bounds = array<i64: 2, 16>, scalar_prefetch = 0 : i64, scratch_operands = 17 : i64, tpu.core_type = #tpu.core_type<sc_vector_subcore>, window_params = [{transform_indices = #map}, {transform_indices = #map1}, {transform_indices = #map1}, {transform_indices = #map}, {transform_indices = #map1}]} {
    %mul3A = arith.constant 16 : i32
    %mul3A_0 = arith.muli %arg0, %mul3A : i32
    %add3A = arith.addi %mul3A_0, %arg1 : i32
    %mul3A_1 = arith.constant 640 : i32
    %mul3A_2 = arith.muli %arg1, %mul3A_1 : i32
    %dma_start3A = arith.constant 0 : i32
    %dma_start3A_3 = tpu.memref_slice %arg13[%mul3A_2, %dma_start3A] : memref<10240x64xf32, #tpu.memory_space<vmem_shared>> -> memref<640x64xf32, #tpu.memory_space<vmem_shared>>
    %dma_start3A_4 = arith.constant 0 : i32
    %dma_start3A_5 = tpu.memref_slice %arg5[%mul3A_2, %dma_start3A_4] : memref<10240x64xf32, #tpu.memory_space<hbm>> -> memref<640x64xf32, #tpu.memory_space<hbm>>
    tpu.enqueue_dma source(%dma_start3A_5 : memref<640x64xf32, #tpu.memory_space<hbm>>) target(%dma_start3A_3 : memref<640x64xf32, #tpu.memory_space<vmem_shared>>) target_semaphore(%arg23 : memref<!tpu.dma_semaphore, #tpu.memory_space<semaphore_mem>>)
    %dma_start3A_6 = arith.constant 0 : i32
    %dma_start3A_7 = arith.constant 0 : i32
    %dma_start3A_8 = tpu.memref_slice %arg3[%add3A, %dma_start3A_6, %dma_start3A_7] : memref<32x80x125xi32, #tpu.memory_space<hbm>> -> memref<1x80x125xi32, #tpu.memory_space<hbm>>
    %dma_start3A_9 = tpu.memref_squeeze %dma_start3A_8 : memref<1x80x125xi32, #tpu.memory_space<hbm>> -> memref<80x125xi32, #tpu.memory_space<hbm>>
    %dma_start3A_10 = arith.constant 0 : i32
    %dma_start3A_11 = arith.constant 0 : i32
    %dma_start3A_12 = tpu.memref_slice %arg3[%add3A, %dma_start3A_10, %dma_start3A_11] : memref<32x80x125xi32, #tpu.memory_space<hbm>> -> memref<1x80x125xi32, #tpu.memory_space<hbm>>
    %dma_start3A_13 = tpu.memref_squeeze %dma_start3A_12 : memref<1x80x125xi32, #tpu.memory_space<hbm>> -> memref<80x125xi32, #tpu.memory_space<hbm>>
    tpu.enqueue_dma source(%dma_start3A_13 : memref<80x125xi32, #tpu.memory_space<hbm>>) target(%arg7 : memref<80x125xi32, #tpu.memory_space<vmem>>) target_semaphore(%arg22 : memref<!tpu.dma_semaphore, #tpu.memory_space<semaphore_mem>>)
    %dma_start3A_14 = arith.constant 0 : i32
    %dma_start3A_15 = arith.constant 0 : i32
    %dma_start3A_16 = tpu.memref_slice %arg4[%add3A, %dma_start3A_14, %dma_start3A_15] : memref<32x80x125xi32, #tpu.memory_space<hbm>> -> memref<1x80x125xi32, #tpu.memory_space<hbm>>
    %dma_start3A_17 = tpu.memref_squeeze %dma_start3A_16 : memref<1x80x125xi32, #tpu.memory_space<hbm>> -> memref<80x125xi32, #tpu.memory_space<hbm>>
    %dma_start3A_18 = arith.constant 0 : i32
    %dma_start3A_19 = arith.constant 0 : i32
    %dma_start3A_20 = tpu.memref_slice %arg4[%add3A, %dma_start3A_18, %dma_start3A_19] : memref<32x80x125xi32, #tpu.memory_space<hbm>> -> memref<1x80x125xi32, #tpu.memory_space<hbm>>
    %dma_start3A_21 = tpu.memref_squeeze %dma_start3A_20 : memref<1x80x125xi32, #tpu.memory_space<hbm>> -> memref<80x125xi32, #tpu.memory_space<hbm>>
    tpu.enqueue_dma source(%dma_start3A_21 : memref<80x125xi32, #tpu.memory_space<hbm>>) target(%arg8 : memref<80x125xi32, #tpu.memory_space<vmem>>) target_semaphore(%arg22 : memref<!tpu.dma_semaphore, #tpu.memory_space<semaphore_mem>>)
    %dma_wait3A = arith.constant 0 : i32
    %dma_wait3A_22 = arith.constant 0 : i32
    %dma_wait3A_23 = tpu.memref_slice %arg3[%add3A, %dma_wait3A, %dma_wait3A_22] : memref<32x80x125xi32, #tpu.memory_space<hbm>> -> memref<1x80x125xi32, #tpu.memory_space<hbm>>
    %dma_wait3A_24 = tpu.memref_squeeze %dma_wait3A_23 : memref<1x80x125xi32, #tpu.memory_space<hbm>> -> memref<80x125xi32, #tpu.memory_space<hbm>>
    %dma_wait3A_25 = arith.constant 0 : i32
    %dma_wait3A_26 = arith.constant 0 : i32
    %dma_wait3A_27 = tpu.memref_slice %arg3[%add3A, %dma_wait3A_25, %dma_wait3A_26] : memref<32x80x125xi32, #tpu.memory_space<hbm>> -> memref<1x80x125xi32, #tpu.memory_space<hbm>>
    %dma_wait3A_28 = tpu.memref_squeeze %dma_wait3A_27 : memref<1x80x125xi32, #tpu.memory_space<hbm>> -> memref<80x125xi32, #tpu.memory_space<hbm>>
    tpu.wait_dma2 semaphore(%arg22 : memref<!tpu.dma_semaphore, #tpu.memory_space<semaphore_mem>>) src(%dma_wait3A_28 : memref<80x125xi32, #tpu.memory_space<hbm>>) dst(%arg7 : memref<80x125xi32, #tpu.memory_space<vmem>>)
    %dma_wait3A_29 = arith.constant 0 : i32
    %dma_wait3A_30 = arith.constant 0 : i32
    %dma_wait3A_31 = tpu.memref_slice %arg4[%add3A, %dma_wait3A_29, %dma_wait3A_30] : memref<32x80x125xi32, #tpu.memory_space<hbm>> -> memref<1x80x125xi32, #tpu.memory_space<hbm>>
    %dma_wait3A_32 = tpu.memref_squeeze %dma_wait3A_31 : memref<1x80x125xi32, #tpu.memory_space<hbm>> -> memref<80x125xi32, #tpu.memory_space<hbm>>
    %dma_wait3A_33 = arith.constant 0 : i32
    %dma_wait3A_34 = arith.constant 0 : i32
    %dma_wait3A_35 = tpu.memref_slice %arg4[%add3A, %dma_wait3A_33, %dma_wait3A_34] : memref<32x80x125xi32, #tpu.memory_space<hbm>> -> memref<1x80x125xi32, #tpu.memory_space<hbm>>
    %dma_wait3A_36 = tpu.memref_squeeze %dma_wait3A_35 : memref<1x80x125xi32, #tpu.memory_space<hbm>> -> memref<80x125xi32, #tpu.memory_space<hbm>>
    tpu.wait_dma2 semaphore(%arg22 : memref<!tpu.dma_semaphore, #tpu.memory_space<semaphore_mem>>) src(%dma_wait3A_36 : memref<80x125xi32, #tpu.memory_space<hbm>>) dst(%arg8 : memref<80x125xi32, #tpu.memory_space<vmem>>)
    %dma_start3A_37 = arith.constant 0 : i32
    %dma_start3A_38 = arith.constant 0 : i32
    %dma_start3A_39 = tpu.memref_slice %arg7[%dma_start3A_37, %dma_start3A_38] : memref<80x125xi32, #tpu.memory_space<vmem>> -> memref<1x125xi32, #tpu.memory_space<vmem>>
    %dma_start3A_40 = tpu.memref_squeeze %dma_start3A_39 : memref<1x125xi32, #tpu.memory_space<vmem>> -> memref<125xi32, #tpu.memory_space<vmem>>
    %dma_start3A_41 = arith.constant 0 : i32
    %dma_start3A_42 = arith.constant 0 : i32
    %dma_start3A_43 = tpu.memref_slice %arg2[%dma_start3A_41, %dma_start3A_42] : memref<10000x64xf32, #tpu.memory_space<hbm>> -> memref<10000x64xf32, #tpu.memory_space<hbm>>
    tpu.enqueue_indirect_dma source(%dma_start3A_43 : memref<10000x64xf32, #tpu.memory_space<hbm>>) target(%arg9 : memref<125x64xf32, #tpu.memory_space<vmem>>) offsets(%dma_start3A_40 : memref<125xi32, #tpu.memory_space<vmem>>) semaphore(%arg14 : memref<!tpu.dma_semaphore, #tpu.memory_space<semaphore_mem>>)
    %dma_start3A_44 = arith.constant 1 : i32
    %dma_start3A_45 = arith.constant 0 : i32
    %dma_start3A_46 = tpu.memref_slice %arg7[%dma_start3A_44, %dma_start3A_45] : memref<80x125xi32, #tpu.memory_space<vmem>> -> memref<1x125xi32, #tpu.memory_space<vmem>>
    %dma_start3A_47 = tpu.memref_squeeze %dma_start3A_46 : memref<1x125xi32, #tpu.memory_space<vmem>> -> memref<125xi32, #tpu.memory_space<vmem>>
    %dma_start3A_48 = arith.constant 0 : i32
    %dma_start3A_49 = arith.constant 0 : i32
    %dma_start3A_50 = tpu.memref_slice %arg2[%dma_start3A_48, %dma_start3A_49] : memref<10000x64xf32, #tpu.memory_space<hbm>> -> memref<10000x64xf32, #tpu.memory_space<hbm>>
    tpu.enqueue_indirect_dma source(%dma_start3A_50 : memref<10000x64xf32, #tpu.memory_space<hbm>>) target(%arg10 : memref<125x64xf32, #tpu.memory_space<vmem>>) offsets(%dma_start3A_47 : memref<125xi32, #tpu.memory_space<vmem>>) semaphore(%arg15 : memref<!tpu.dma_semaphore, #tpu.memory_space<semaphore_mem>>)
    %dma_wait3A_51 = arith.constant 0 : i32
    %dma_wait3A_52 = tpu.memref_slice %arg13[%mul3A_2, %dma_wait3A_51] : memref<10240x64xf32, #tpu.memory_space<vmem_shared>> -> memref<640x64xf32, #tpu.memory_space<vmem_shared>>
    %dma_wait3A_53 = arith.constant 0 : i32
    %dma_wait3A_54 = tpu.memref_slice %arg5[%mul3A_2, %dma_wait3A_53] : memref<10240x64xf32, #tpu.memory_space<hbm>> -> memref<640x64xf32, #tpu.memory_space<hbm>>
    tpu.wait_dma2 semaphore(%arg23 : memref<!tpu.dma_semaphore, #tpu.memory_space<semaphore_mem>>) src(%dma_wait3A_54 : memref<640x64xf32, #tpu.memory_space<hbm>>) dst(%dma_wait3A_52 : memref<640x64xf32, #tpu.memory_space<vmem_shared>>)
    %barrier3A = arith.constant 0 : index
    tpu.barrier barrier_id(%barrier3A)
    %scan3A = arith.constant 0 : i32
    %scan3A_55 = arith.constant 0 : i32
    %scan3A_56 = arith.constant 20 : i32
    %scan3A_57 = arith.addi %scan3A_55, %scan3A_56 : i32
    %scan3A_58 = arith.constant 1 : i32
    scf.for %scan3A_89 = %scan3A_55 to %scan3A_57 step %scan3A_58  : i32 {
      %mul3A_90 = arith.constant 4 : i32
      %mul3A_91 = arith.muli %scan3A_89, %mul3A_90 : i32
      %add3A_92 = arith.constant 0 : i32
      %add3A_93 = arith.addi %mul3A_91, %add3A_92 : i32
      %add3A_94 = arith.constant 2 : i32
      %add3A_95 = arith.addi %add3A_93, %add3A_94 : i32
      %lt3A = arith.constant 80 : i32
      %lt3A_96 = arith.cmpi slt, %add3A_95, %lt3A : i32
      %ge3A = arith.constant 2 : i32
      %ge3A_97 = arith.cmpi sge, %add3A_93, %ge3A : i32
      %and3A = arith.andi %lt3A_96, %ge3A_97 : i1
      %convert_element_type3A = arith.extui %and3A : i1 to i32
      %cond3A = arith.constant 0 : i32
      %cond3A_98 = arith.cmpi ne, %convert_element_type3A, %cond3A : i32
      scf.if %cond3A_98 {
        %dma_wait3A_217 = arith.constant 0 : i32
        %dma_wait3A_218 = tpu.memref_slice %arg8[%add3A_93, %dma_wait3A_217] : memref<80x125xi32, #tpu.memory_space<vmem>> -> memref<1x125xi32, #tpu.memory_space<vmem>>
        %dma_wait3A_219 = tpu.memref_squeeze %dma_wait3A_218 : memref<1x125xi32, #tpu.memory_space<vmem>> -> memref<125xi32, #tpu.memory_space<vmem>>
        %dma_wait3A_220 = arith.constant 0 : i32
        %dma_wait3A_221 = arith.constant 0 : i32
        %dma_wait3A_222 = tpu.memref_slice %arg13[%dma_wait3A_220, %dma_wait3A_221] : memref<10240x64xf32, #tpu.memory_space<vmem_shared>> -> memref<10240x64xf32, #tpu.memory_space<vmem_shared>>
        tpu.wait_indirect_dma semaphore(%arg20 : memref<!tpu.dma_semaphore, #tpu.memory_space<semaphore_mem>>) src(%arg11 : memref<125x64xf32, #tpu.memory_space<vmem>>) dst(%dma_wait3A_222 : memref<10240x64xf32, #tpu.memory_space<vmem_shared>>)
      } else {
      }
      %add3A_99 = arith.constant 2 : i32
      %add3A_100 = arith.addi %add3A_93, %add3A_99 : i32
      %lt3A_101 = arith.constant 80 : i32
      %lt3A_102 = arith.cmpi slt, %add3A_100, %lt3A_101 : i32
      %convert_element_type3A_103 = arith.extui %lt3A_102 : i1 to i32
      %cond3A_104 = arith.constant 0 : i32
      %cond3A_105 = arith.cmpi ne, %convert_element_type3A_103, %cond3A_104 : i32
      scf.if %cond3A_105 {
        %add3A_217 = arith.constant 2 : i32
        %add3A_218 = arith.addi %add3A_93, %add3A_217 : i32
        %dma_start3A_219 = arith.constant 0 : i32
        %dma_start3A_220 = tpu.memref_slice %arg7[%add3A_218, %dma_start3A_219] : memref<80x125xi32, #tpu.memory_space<vmem>> -> memref<1x125xi32, #tpu.memory_space<vmem>>
        %dma_start3A_221 = tpu.memref_squeeze %dma_start3A_220 : memref<1x125xi32, #tpu.memory_space<vmem>> -> memref<125xi32, #tpu.memory_space<vmem>>
        %dma_start3A_222 = arith.constant 0 : i32
        %dma_start3A_223 = arith.constant 0 : i32
        %dma_start3A_224 = tpu.memref_slice %arg2[%dma_start3A_222, %dma_start3A_223] : memref<10000x64xf32, #tpu.memory_space<hbm>> -> memref<10000x64xf32, #tpu.memory_space<hbm>>
        tpu.enqueue_indirect_dma source(%dma_start3A_224 : memref<10000x64xf32, #tpu.memory_space<hbm>>) target(%arg11 : memref<125x64xf32, #tpu.memory_space<vmem>>) offsets(%dma_start3A_221 : memref<125xi32, #tpu.memory_space<vmem>>) semaphore(%arg16 : memref<!tpu.dma_semaphore, #tpu.memory_space<semaphore_mem>>)
      } else {
      }
      %dma_wait3A_106 = arith.constant 0 : i32
      %dma_wait3A_107 = tpu.memref_slice %arg7[%add3A_93, %dma_wait3A_106] : memref<80x125xi32, #tpu.memory_space<vmem>> -> memref<1x125xi32, #tpu.memory_space<vmem>>
      %dma_wait3A_108 = tpu.memref_squeeze %dma_wait3A_107 : memref<1x125xi32, #tpu.memory_space<vmem>> -> memref<125xi32, #tpu.memory_space<vmem>>
      %dma_wait3A_109 = arith.constant 0 : i32
      %dma_wait3A_110 = arith.constant 0 : i32
      %dma_wait3A_111 = tpu.memref_slice %arg2[%dma_wait3A_109, %dma_wait3A_110] : memref<10000x64xf32, #tpu.memory_space<hbm>> -> memref<10000x64xf32, #tpu.memory_space<hbm>>
      tpu.wait_indirect_dma semaphore(%arg14 : memref<!tpu.dma_semaphore, #tpu.memory_space<semaphore_mem>>) src(%dma_wait3A_111 : memref<10000x64xf32, #tpu.memory_space<hbm>>) dst(%arg9 : memref<125x64xf32, #tpu.memory_space<vmem>>)
      %dma_start3A_112 = arith.constant 0 : i32
      %dma_start3A_113 = tpu.memref_slice %arg8[%add3A_93, %dma_start3A_112] : memref<80x125xi32, #tpu.memory_space<vmem>> -> memref<1x125xi32, #tpu.memory_space<vmem>>
      %dma_start3A_114 = tpu.memref_squeeze %dma_start3A_113 : memref<1x125xi32, #tpu.memory_space<vmem>> -> memref<125xi32, #tpu.memory_space<vmem>>
      %dma_start3A_115 = arith.constant 0 : i32
      %dma_start3A_116 = arith.constant 0 : i32
      %dma_start3A_117 = tpu.memref_slice %arg13[%dma_start3A_115, %dma_start3A_116] : memref<10240x64xf32, #tpu.memory_space<vmem_shared>> -> memref<10240x64xf32, #tpu.memory_space<vmem_shared>>
      tpu.enqueue_indirect_dma source(%arg9 : memref<125x64xf32, #tpu.memory_space<vmem>>) target(%dma_start3A_117 : memref<10240x64xf32, #tpu.memory_space<vmem_shared>>) offsets(%dma_start3A_114 : memref<125xi32, #tpu.memory_space<vmem>>) semaphore(%arg18 : memref<!tpu.dma_semaphore, #tpu.memory_space<semaphore_mem>>) {add = true}
      %mul3A_118 = arith.constant 4 : i32
      %mul3A_119 = arith.muli %scan3A_89, %mul3A_118 : i32
      %add3A_120 = arith.constant 1 : i32
      %add3A_121 = arith.addi %mul3A_119, %add3A_120 : i32
      %add3A_122 = arith.constant 2 : i32
      %add3A_123 = arith.addi %add3A_121, %add3A_122 : i32
      %lt3A_124 = arith.constant 80 : i32
      %lt3A_125 = arith.cmpi slt, %add3A_123, %lt3A_124 : i32
      %ge3A_126 = arith.constant 2 : i32
      %ge3A_127 = arith.cmpi sge, %add3A_121, %ge3A_126 : i32
      %and3A_128 = arith.andi %lt3A_125, %ge3A_127 : i1
      %convert_element_type3A_129 = arith.extui %and3A_128 : i1 to i32
      %cond3A_130 = arith.constant 0 : i32
      %cond3A_131 = arith.cmpi ne, %convert_element_type3A_129, %cond3A_130 : i32
      scf.if %cond3A_131 {
        %dma_wait3A_217 = arith.constant 0 : i32
        %dma_wait3A_218 = tpu.memref_slice %arg8[%add3A_121, %dma_wait3A_217] : memref<80x125xi32, #tpu.memory_space<vmem>> -> memref<1x125xi32, #tpu.memory_space<vmem>>
        %dma_wait3A_219 = tpu.memref_squeeze %dma_wait3A_218 : memref<1x125xi32, #tpu.memory_space<vmem>> -> memref<125xi32, #tpu.memory_space<vmem>>
        %dma_wait3A_220 = arith.constant 0 : i32
        %dma_wait3A_221 = arith.constant 0 : i32
        %dma_wait3A_222 = tpu.memref_slice %arg13[%dma_wait3A_220, %dma_wait3A_221] : memref<10240x64xf32, #tpu.memory_space<vmem_shared>> -> memref<10240x64xf32, #tpu.memory_space<vmem_shared>>
        tpu.wait_indirect_dma semaphore(%arg21 : memref<!tpu.dma_semaphore, #tpu.memory_space<semaphore_mem>>) src(%arg12 : memref<125x64xf32, #tpu.memory_space<vmem>>) dst(%dma_wait3A_222 : memref<10240x64xf32, #tpu.memory_space<vmem_shared>>)
      } else {
      }
      %add3A_132 = arith.constant 2 : i32
      %add3A_133 = arith.addi %add3A_121, %add3A_132 : i32
      %lt3A_134 = arith.constant 80 : i32
      %lt3A_135 = arith.cmpi slt, %add3A_133, %lt3A_134 : i32
      %convert_element_type3A_136 = arith.extui %lt3A_135 : i1 to i32
      %cond3A_137 = arith.constant 0 : i32
      %cond3A_138 = arith.cmpi ne, %convert_element_type3A_136, %cond3A_137 : i32
      scf.if %cond3A_138 {
        %add3A_217 = arith.constant 2 : i32
        %add3A_218 = arith.addi %add3A_121, %add3A_217 : i32
        %dma_start3A_219 = arith.constant 0 : i32
        %dma_start3A_220 = tpu.memref_slice %arg7[%add3A_218, %dma_start3A_219] : memref<80x125xi32, #tpu.memory_space<vmem>> -> memref<1x125xi32, #tpu.memory_space<vmem>>
        %dma_start3A_221 = tpu.memref_squeeze %dma_start3A_220 : memref<1x125xi32, #tpu.memory_space<vmem>> -> memref<125xi32, #tpu.memory_space<vmem>>
        %dma_start3A_222 = arith.constant 0 : i32
        %dma_start3A_223 = arith.constant 0 : i32
        %dma_start3A_224 = tpu.memref_slice %arg2[%dma_start3A_222, %dma_start3A_223] : memref<10000x64xf32, #tpu.memory_space<hbm>> -> memref<10000x64xf32, #tpu.memory_space<hbm>>
        tpu.enqueue_indirect_dma source(%dma_start3A_224 : memref<10000x64xf32, #tpu.memory_space<hbm>>) target(%arg12 : memref<125x64xf32, #tpu.memory_space<vmem>>) offsets(%dma_start3A_221 : memref<125xi32, #tpu.memory_space<vmem>>) semaphore(%arg17 : memref<!tpu.dma_semaphore, #tpu.memory_space<semaphore_mem>>)
      } else {
      }
      %dma_wait3A_139 = arith.constant 0 : i32
      %dma_wait3A_140 = tpu.memref_slice %arg7[%add3A_121, %dma_wait3A_139] : memref<80x125xi32, #tpu.memory_space<vmem>> -> memref<1x125xi32, #tpu.memory_space<vmem>>
      %dma_wait3A_141 = tpu.memref_squeeze %dma_wait3A_140 : memref<1x125xi32, #tpu.memory_space<vmem>> -> memref<125xi32, #tpu.memory_space<vmem>>
      %dma_wait3A_142 = arith.constant 0 : i32
      %dma_wait3A_143 = arith.constant 0 : i32
      %dma_wait3A_144 = tpu.memref_slice %arg2[%dma_wait3A_142, %dma_wait3A_143] : memref<10000x64xf32, #tpu.memory_space<hbm>> -> memref<10000x64xf32, #tpu.memory_space<hbm>>
      tpu.wait_indirect_dma semaphore(%arg15 : memref<!tpu.dma_semaphore, #tpu.memory_space<semaphore_mem>>) src(%dma_wait3A_144 : memref<10000x64xf32, #tpu.memory_space<hbm>>) dst(%arg10 : memref<125x64xf32, #tpu.memory_space<vmem>>)
      %dma_start3A_145 = arith.constant 0 : i32
      %dma_start3A_146 = tpu.memref_slice %arg8[%add3A_121, %dma_start3A_145] : memref<80x125xi32, #tpu.memory_space<vmem>> -> memref<1x125xi32, #tpu.memory_space<vmem>>
      %dma_start3A_147 = tpu.memref_squeeze %dma_start3A_146 : memref<1x125xi32, #tpu.memory_space<vmem>> -> memref<125xi32, #tpu.memory_space<vmem>>
      %dma_start3A_148 = arith.constant 0 : i32
      %dma_start3A_149 = arith.constant 0 : i32
      %dma_start3A_150 = tpu.memref_slice %arg13[%dma_start3A_148, %dma_start3A_149] : memref<10240x64xf32, #tpu.memory_space<vmem_shared>> -> memref<10240x64xf32, #tpu.memory_space<vmem_shared>>
      tpu.enqueue_indirect_dma source(%arg10 : memref<125x64xf32, #tpu.memory_space<vmem>>) target(%dma_start3A_150 : memref<10240x64xf32, #tpu.memory_space<vmem_shared>>) offsets(%dma_start3A_147 : memref<125xi32, #tpu.memory_space<vmem>>) semaphore(%arg19 : memref<!tpu.dma_semaphore, #tpu.memory_space<semaphore_mem>>) {add = true}
      %mul3A_151 = arith.constant 4 : i32
      %mul3A_152 = arith.muli %scan3A_89, %mul3A_151 : i32
      %add3A_153 = arith.constant 2 : i32
      %add3A_154 = arith.addi %mul3A_152, %add3A_153 : i32
      %add3A_155 = arith.constant 2 : i32
      %add3A_156 = arith.addi %add3A_154, %add3A_155 : i32
      %lt3A_157 = arith.constant 80 : i32
      %lt3A_158 = arith.cmpi slt, %add3A_156, %lt3A_157 : i32
      %ge3A_159 = arith.constant 2 : i32
      %ge3A_160 = arith.cmpi sge, %add3A_154, %ge3A_159 : i32
      %and3A_161 = arith.andi %lt3A_158, %ge3A_160 : i1
      %convert_element_type3A_162 = arith.extui %and3A_161 : i1 to i32
      %cond3A_163 = arith.constant 0 : i32
      %cond3A_164 = arith.cmpi ne, %convert_element_type3A_162, %cond3A_163 : i32
      scf.if %cond3A_164 {
        %dma_wait3A_217 = arith.constant 0 : i32
        %dma_wait3A_218 = tpu.memref_slice %arg8[%add3A_154, %dma_wait3A_217] : memref<80x125xi32, #tpu.memory_space<vmem>> -> memref<1x125xi32, #tpu.memory_space<vmem>>
        %dma_wait3A_219 = tpu.memref_squeeze %dma_wait3A_218 : memref<1x125xi32, #tpu.memory_space<vmem>> -> memref<125xi32, #tpu.memory_space<vmem>>
        %dma_wait3A_220 = arith.constant 0 : i32
        %dma_wait3A_221 = arith.constant 0 : i32
        %dma_wait3A_222 = tpu.memref_slice %arg13[%dma_wait3A_220, %dma_wait3A_221] : memref<10240x64xf32, #tpu.memory_space<vmem_shared>> -> memref<10240x64xf32, #tpu.memory_space<vmem_shared>>
        tpu.wait_indirect_dma semaphore(%arg18 : memref<!tpu.dma_semaphore, #tpu.memory_space<semaphore_mem>>) src(%arg9 : memref<125x64xf32, #tpu.memory_space<vmem>>) dst(%dma_wait3A_222 : memref<10240x64xf32, #tpu.memory_space<vmem_shared>>)
      } else {
      }
      %add3A_165 = arith.constant 2 : i32
      %add3A_166 = arith.addi %add3A_154, %add3A_165 : i32
      %lt3A_167 = arith.constant 80 : i32
      %lt3A_168 = arith.cmpi slt, %add3A_166, %lt3A_167 : i32
      %convert_element_type3A_169 = arith.extui %lt3A_168 : i1 to i32
      %cond3A_170 = arith.constant 0 : i32
      %cond3A_171 = arith.cmpi ne, %convert_element_type3A_169, %cond3A_170 : i32
      scf.if %cond3A_171 {
        %add3A_217 = arith.constant 2 : i32
        %add3A_218 = arith.addi %add3A_154, %add3A_217 : i32
        %dma_start3A_219 = arith.constant 0 : i32
        %dma_start3A_220 = tpu.memref_slice %arg7[%add3A_218, %dma_start3A_219] : memref<80x125xi32, #tpu.memory_space<vmem>> -> memref<1x125xi32, #tpu.memory_space<vmem>>
        %dma_start3A_221 = tpu.memref_squeeze %dma_start3A_220 : memref<1x125xi32, #tpu.memory_space<vmem>> -> memref<125xi32, #tpu.memory_space<vmem>>
        %dma_start3A_222 = arith.constant 0 : i32
        %dma_start3A_223 = arith.constant 0 : i32
        %dma_start3A_224 = tpu.memref_slice %arg2[%dma_start3A_222, %dma_start3A_223] : memref<10000x64xf32, #tpu.memory_space<hbm>> -> memref<10000x64xf32, #tpu.memory_space<hbm>>
        tpu.enqueue_indirect_dma source(%dma_start3A_224 : memref<10000x64xf32, #tpu.memory_space<hbm>>) target(%arg9 : memref<125x64xf32, #tpu.memory_space<vmem>>) offsets(%dma_start3A_221 : memref<125xi32, #tpu.memory_space<vmem>>) semaphore(%arg14 : memref<!tpu.dma_semaphore, #tpu.memory_space<semaphore_mem>>)
      } else {
      }
      %dma_wait3A_172 = arith.constant 0 : i32
      %dma_wait3A_173 = tpu.memref_slice %arg7[%add3A_154, %dma_wait3A_172] : memref<80x125xi32, #tpu.memory_space<vmem>> -> memref<1x125xi32, #tpu.memory_space<vmem>>
      %dma_wait3A_174 = tpu.memref_squeeze %dma_wait3A_173 : memref<1x125xi32, #tpu.memory_space<vmem>> -> memref<125xi32, #tpu.memory_space<vmem>>
      %dma_wait3A_175 = arith.constant 0 : i32
      %dma_wait3A_176 = arith.constant 0 : i32
      %dma_wait3A_177 = tpu.memref_slice %arg2[%dma_wait3A_175, %dma_wait3A_176] : memref<10000x64xf32, #tpu.memory_space<hbm>> -> memref<10000x64xf32, #tpu.memory_space<hbm>>
      tpu.wait_indirect_dma semaphore(%arg16 : memref<!tpu.dma_semaphore, #tpu.memory_space<semaphore_mem>>) src(%dma_wait3A_177 : memref<10000x64xf32, #tpu.memory_space<hbm>>) dst(%arg11 : memref<125x64xf32, #tpu.memory_space<vmem>>)
      %dma_start3A_178 = arith.constant 0 : i32
      %dma_start3A_179 = tpu.memref_slice %arg8[%add3A_154, %dma_start3A_178] : memref<80x125xi32, #tpu.memory_space<vmem>> -> memref<1x125xi32, #tpu.memory_space<vmem>>
      %dma_start3A_180 = tpu.memref_squeeze %dma_start3A_179 : memref<1x125xi32, #tpu.memory_space<vmem>> -> memref<125xi32, #tpu.memory_space<vmem>>
      %dma_start3A_181 = arith.constant 0 : i32
      %dma_start3A_182 = arith.constant 0 : i32
      %dma_start3A_183 = tpu.memref_slice %arg13[%dma_start3A_181, %dma_start3A_182] : memref<10240x64xf32, #tpu.memory_space<vmem_shared>> -> memref<10240x64xf32, #tpu.memory_space<vmem_shared>>
      tpu.enqueue_indirect_dma source(%arg11 : memref<125x64xf32, #tpu.memory_space<vmem>>) target(%dma_start3A_183 : memref<10240x64xf32, #tpu.memory_space<vmem_shared>>) offsets(%dma_start3A_180 : memref<125xi32, #tpu.memory_space<vmem>>) semaphore(%arg20 : memref<!tpu.dma_semaphore, #tpu.memory_space<semaphore_mem>>) {add = true}
      %mul3A_184 = arith.constant 4 : i32
      %mul3A_185 = arith.muli %scan3A_89, %mul3A_184 : i32
      %add3A_186 = arith.constant 3 : i32
      %add3A_187 = arith.addi %mul3A_185, %add3A_186 : i32
      %add3A_188 = arith.constant 2 : i32
      %add3A_189 = arith.addi %add3A_187, %add3A_188 : i32
      %lt3A_190 = arith.constant 80 : i32
      %lt3A_191 = arith.cmpi slt, %add3A_189, %lt3A_190 : i32
      %ge3A_192 = arith.constant 2 : i32
      %ge3A_193 = arith.cmpi sge, %add3A_187, %ge3A_192 : i32
      %and3A_194 = arith.andi %lt3A_191, %ge3A_193 : i1
      %convert_element_type3A_195 = arith.extui %and3A_194 : i1 to i32
      %cond3A_196 = arith.constant 0 : i32
      %cond3A_197 = arith.cmpi ne, %convert_element_type3A_195, %cond3A_196 : i32
      scf.if %cond3A_197 {
        %dma_wait3A_217 = arith.constant 0 : i32
        %dma_wait3A_218 = tpu.memref_slice %arg8[%add3A_187, %dma_wait3A_217] : memref<80x125xi32, #tpu.memory_space<vmem>> -> memref<1x125xi32, #tpu.memory_space<vmem>>
        %dma_wait3A_219 = tpu.memref_squeeze %dma_wait3A_218 : memref<1x125xi32, #tpu.memory_space<vmem>> -> memref<125xi32, #tpu.memory_space<vmem>>
        %dma_wait3A_220 = arith.constant 0 : i32
        %dma_wait3A_221 = arith.constant 0 : i32
        %dma_wait3A_222 = tpu.memref_slice %arg13[%dma_wait3A_220, %dma_wait3A_221] : memref<10240x64xf32, #tpu.memory_space<vmem_shared>> -> memref<10240x64xf32, #tpu.memory_space<vmem_shared>>
        tpu.wait_indirect_dma semaphore(%arg19 : memref<!tpu.dma_semaphore, #tpu.memory_space<semaphore_mem>>) src(%arg10 : memref<125x64xf32, #tpu.memory_space<vmem>>) dst(%dma_wait3A_222 : memref<10240x64xf32, #tpu.memory_space<vmem_shared>>)
      } else {
      }
      %add3A_198 = arith.constant 2 : i32
      %add3A_199 = arith.addi %add3A_187, %add3A_198 : i32
      %lt3A_200 = arith.constant 80 : i32
      %lt3A_201 = arith.cmpi slt, %add3A_199, %lt3A_200 : i32
      %convert_element_type3A_202 = arith.extui %lt3A_201 : i1 to i32
      %cond3A_203 = arith.constant 0 : i32
      %cond3A_204 = arith.cmpi ne, %convert_element_type3A_202, %cond3A_203 : i32
      scf.if %cond3A_204 {
        %add3A_217 = arith.constant 2 : i32
        %add3A_218 = arith.addi %add3A_187, %add3A_217 : i32
        %dma_start3A_219 = arith.constant 0 : i32
        %dma_start3A_220 = tpu.memref_slice %arg7[%add3A_218, %dma_start3A_219] : memref<80x125xi32, #tpu.memory_space<vmem>> -> memref<1x125xi32, #tpu.memory_space<vmem>>
        %dma_start3A_221 = tpu.memref_squeeze %dma_start3A_220 : memref<1x125xi32, #tpu.memory_space<vmem>> -> memref<125xi32, #tpu.memory_space<vmem>>
        %dma_start3A_222 = arith.constant 0 : i32
        %dma_start3A_223 = arith.constant 0 : i32
        %dma_start3A_224 = tpu.memref_slice %arg2[%dma_start3A_222, %dma_start3A_223] : memref<10000x64xf32, #tpu.memory_space<hbm>> -> memref<10000x64xf32, #tpu.memory_space<hbm>>
        tpu.enqueue_indirect_dma source(%dma_start3A_224 : memref<10000x64xf32, #tpu.memory_space<hbm>>) target(%arg10 : memref<125x64xf32, #tpu.memory_space<vmem>>) offsets(%dma_start3A_221 : memref<125xi32, #tpu.memory_space<vmem>>) semaphore(%arg15 : memref<!tpu.dma_semaphore, #tpu.memory_space<semaphore_mem>>)
      } else {
      }
      %dma_wait3A_205 = arith.constant 0 : i32
      %dma_wait3A_206 = tpu.memref_slice %arg7[%add3A_187, %dma_wait3A_205] : memref<80x125xi32, #tpu.memory_space<vmem>> -> memref<1x125xi32, #tpu.memory_space<vmem>>
      %dma_wait3A_207 = tpu.memref_squeeze %dma_wait3A_206 : memref<1x125xi32, #tpu.memory_space<vmem>> -> memref<125xi32, #tpu.memory_space<vmem>>
      %dma_wait3A_208 = arith.constant 0 : i32
      %dma_wait3A_209 = arith.constant 0 : i32
      %dma_wait3A_210 = tpu.memref_slice %arg2[%dma_wait3A_208, %dma_wait3A_209] : memref<10000x64xf32, #tpu.memory_space<hbm>> -> memref<10000x64xf32, #tpu.memory_space<hbm>>
      tpu.wait_indirect_dma semaphore(%arg17 : memref<!tpu.dma_semaphore, #tpu.memory_space<semaphore_mem>>) src(%dma_wait3A_210 : memref<10000x64xf32, #tpu.memory_space<hbm>>) dst(%arg12 : memref<125x64xf32, #tpu.memory_space<vmem>>)
      %dma_start3A_211 = arith.constant 0 : i32
      %dma_start3A_212 = tpu.memref_slice %arg8[%add3A_187, %dma_start3A_211] : memref<80x125xi32, #tpu.memory_space<vmem>> -> memref<1x125xi32, #tpu.memory_space<vmem>>
      %dma_start3A_213 = tpu.memref_squeeze %dma_start3A_212 : memref<1x125xi32, #tpu.memory_space<vmem>> -> memref<125xi32, #tpu.memory_space<vmem>>
      %dma_start3A_214 = arith.constant 0 : i32
      %dma_start3A_215 = arith.constant 0 : i32
      %dma_start3A_216 = tpu.memref_slice %arg13[%dma_start3A_214, %dma_start3A_215] : memref<10240x64xf32, #tpu.memory_space<vmem_shared>> -> memref<10240x64xf32, #tpu.memory_space<vmem_shared>>
      tpu.enqueue_indirect_dma source(%arg12 : memref<125x64xf32, #tpu.memory_space<vmem>>) target(%dma_start3A_216 : memref<10240x64xf32, #tpu.memory_space<vmem_shared>>) offsets(%dma_start3A_213 : memref<125xi32, #tpu.memory_space<vmem>>) semaphore(%arg21 : memref<!tpu.dma_semaphore, #tpu.memory_space<semaphore_mem>>) {add = true}
    }
    %scan3A_59 = arith.constant 20 : i32
    %dma_wait3A_60 = arith.constant 0 : i32
    %dma_wait3A_61 = arith.constant 0 : i32
    %dma_wait3A_62 = tpu.memref_slice %arg8[%dma_wait3A_60, %dma_wait3A_61] : memref<80x125xi32, #tpu.memory_space<vmem>> -> memref<1x125xi32, #tpu.memory_space<vmem>>
    %dma_wait3A_63 = tpu.memref_squeeze %dma_wait3A_62 : memref<1x125xi32, #tpu.memory_space<vmem>> -> memref<125xi32, #tpu.memory_space<vmem>>
    %dma_wait3A_64 = arith.constant 0 : i32
    %dma_wait3A_65 = arith.constant 0 : i32
    %dma_wait3A_66 = tpu.memref_slice %arg13[%dma_wait3A_64, %dma_wait3A_65] : memref<10240x64xf32, #tpu.memory_space<vmem_shared>> -> memref<10240x64xf32, #tpu.memory_space<vmem_shared>>
    tpu.wait_indirect_dma semaphore(%arg18 : memref<!tpu.dma_semaphore, #tpu.memory_space<semaphore_mem>>) src(%arg9 : memref<125x64xf32, #tpu.memory_space<vmem>>) dst(%dma_wait3A_66 : memref<10240x64xf32, #tpu.memory_space<vmem_shared>>)
    %dma_wait3A_67 = arith.constant 0 : i32
    %dma_wait3A_68 = arith.constant 0 : i32
    %dma_wait3A_69 = tpu.memref_slice %arg8[%dma_wait3A_67, %dma_wait3A_68] : memref<80x125xi32, #tpu.memory_space<vmem>> -> memref<1x125xi32, #tpu.memory_space<vmem>>
    %dma_wait3A_70 = tpu.memref_squeeze %dma_wait3A_69 : memref<1x125xi32, #tpu.memory_space<vmem>> -> memref<125xi32, #tpu.memory_space<vmem>>
    %dma_wait3A_71 = arith.constant 0 : i32
    %dma_wait3A_72 = arith.constant 0 : i32
    %dma_wait3A_73 = tpu.memref_slice %arg13[%dma_wait3A_71, %dma_wait3A_72] : memref<10240x64xf32, #tpu.memory_space<vmem_shared>> -> memref<10240x64xf32, #tpu.memory_space<vmem_shared>>
    tpu.wait_indirect_dma semaphore(%arg19 : memref<!tpu.dma_semaphore, #tpu.memory_space<semaphore_mem>>) src(%arg10 : memref<125x64xf32, #tpu.memory_space<vmem>>) dst(%dma_wait3A_73 : memref<10240x64xf32, #tpu.memory_space<vmem_shared>>)
    %dma_wait3A_74 = arith.constant 0 : i32
    %dma_wait3A_75 = arith.constant 0 : i32
    %dma_wait3A_76 = tpu.memref_slice %arg8[%dma_wait3A_74, %dma_wait3A_75] : memref<80x125xi32, #tpu.memory_space<vmem>> -> memref<1x125xi32, #tpu.memory_space<vmem>>
    %dma_wait3A_77 = tpu.memref_squeeze %dma_wait3A_76 : memref<1x125xi32, #tpu.memory_space<vmem>> -> memref<125xi32, #tpu.memory_space<vmem>>
    %dma_wait3A_78 = arith.constant 0 : i32
    %dma_wait3A_79 = arith.constant 0 : i32
    %dma_wait3A_80 = tpu.memref_slice %arg13[%dma_wait3A_78, %dma_wait3A_79] : memref<10240x64xf32, #tpu.memory_space<vmem_shared>> -> memref<10240x64xf32, #tpu.memory_space<vmem_shared>>
    tpu.wait_indirect_dma semaphore(%arg20 : memref<!tpu.dma_semaphore, #tpu.memory_space<semaphore_mem>>) src(%arg11 : memref<125x64xf32, #tpu.memory_space<vmem>>) dst(%dma_wait3A_80 : memref<10240x64xf32, #tpu.memory_space<vmem_shared>>)
    %dma_wait3A_81 = arith.constant 0 : i32
    %dma_wait3A_82 = arith.constant 0 : i32
    %dma_wait3A_83 = tpu.memref_slice %arg8[%dma_wait3A_81, %dma_wait3A_82] : memref<80x125xi32, #tpu.memory_space<vmem>> -> memref<1x125xi32, #tpu.memory_space<vmem>>
    %dma_wait3A_84 = tpu.memref_squeeze %dma_wait3A_83 : memref<1x125xi32, #tpu.memory_space<vmem>> -> memref<125xi32, #tpu.memory_space<vmem>>
    %dma_wait3A_85 = arith.constant 0 : i32
    %dma_wait3A_86 = arith.constant 0 : i32
    %dma_wait3A_87 = tpu.memref_slice %arg13[%dma_wait3A_85, %dma_wait3A_86] : memref<10240x64xf32, #tpu.memory_space<vmem_shared>> -> memref<10240x64xf32, #tpu.memory_space<vmem_shared>>
    tpu.wait_indirect_dma semaphore(%arg21 : memref<!tpu.dma_semaphore, #tpu.memory_space<semaphore_mem>>) src(%arg12 : memref<125x64xf32, #tpu.memory_space<vmem>>) dst(%dma_wait3A_87 : memref<10240x64xf32, #tpu.memory_space<vmem_shared>>)
    %barrier3A_88 = arith.constant 0 : index
    tpu.barrier barrier_id(%barrier3A_88)
    "tpu.region"() ({
      %run_scoped3A = tpu.sem_alloc : memref<!tpu.dma_semaphore, #tpu.memory_space<semaphore_mem>>
      %dma_start3A_89 = arith.constant 0 : i32
      %dma_start3A_90 = tpu.memref_slice %arg6[%arg0, %mul3A_2, %dma_start3A_89] : memref<2x10240x64xf32, #tpu.memory_space<hbm>> -> memref<1x640x64xf32, #tpu.memory_space<hbm>>
      %dma_start3A_91 = tpu.memref_squeeze %dma_start3A_90 : memref<1x640x64xf32, #tpu.memory_space<hbm>> -> memref<640x64xf32, #tpu.memory_space<hbm>>
      %dma_start3A_92 = arith.constant 0 : i32
      %dma_start3A_93 = tpu.memref_slice %arg13[%mul3A_2, %dma_start3A_92] : memref<10240x64xf32, #tpu.memory_space<vmem_shared>> -> memref<640x64xf32, #tpu.memory_space<vmem_shared>>
      tpu.enqueue_dma source(%dma_start3A_93 : memref<640x64xf32, #tpu.memory_space<vmem_shared>>) target(%dma_start3A_91 : memref<640x64xf32, #tpu.memory_space<hbm>>) target_semaphore(%run_scoped3A : memref<!tpu.dma_semaphore, #tpu.memory_space<semaphore_mem>>)
      %dma_wait3A_94 = arith.constant 0 : i32
      %dma_wait3A_95 = tpu.memref_slice %arg6[%arg0, %mul3A_2, %dma_wait3A_94] : memref<2x10240x64xf32, #tpu.memory_space<hbm>> -> memref<1x640x64xf32, #tpu.memory_space<hbm>>
      %dma_wait3A_96 = tpu.memref_squeeze %dma_wait3A_95 : memref<1x640x64xf32, #tpu.memory_space<hbm>> -> memref<640x64xf32, #tpu.memory_space<hbm>>
      %dma_wait3A_97 = arith.constant 0 : i32
      %dma_wait3A_98 = tpu.memref_slice %arg13[%mul3A_2, %dma_wait3A_97] : memref<10240x64xf32, #tpu.memory_space<vmem_shared>> -> memref<640x64xf32, #tpu.memory_space<vmem_shared>>
      tpu.wait_dma2 semaphore(%run_scoped3A : memref<!tpu.dma_semaphore, #tpu.memory_space<semaphore_mem>>) src(%dma_wait3A_98 : memref<640x64xf32, #tpu.memory_space<vmem_shared>>) dst(%dma_wait3A_96 : memref<640x64xf32, #tpu.memory_space<hbm>>)
      tpu.yield
    }) : () -> ()
    return
  }
}

module attributes {stable_mosaic.version = 14 : i64} {
  func.func @_mm0_body(%arg0: i32, %arg1: memref<2000x128xf32, #tpu.memory_space<vmem>>, %arg2: memref<128x128xf32, #tpu.memory_space<vmem>>, %arg3: memref<1x64xf32, #tpu.memory_space<vmem>>, %arg4: memref<2000x64xf32, #tpu.memory_space<vmem>>, %arg5: memref<2000x72xf32, #tpu.memory_space<vmem>>) attributes {dimension_semantics = [#tpu.dimension_semantics<arbitrary>], iteration_bounds = array<i64: 5>, scalar_prefetch = 0 : i64, scratch_operands = 0 : i64, tpu.core_type = #tpu.core_type<tc>, window_params = [{transform_indices = @transform_0, window_bounds = array<i64: 2000, 128>}, {pipeline_mode = #tpu.pipeline_mode<synchronous>, transform_indices = @transform_1, window_bounds = array<i64: 128, 128>}, {pipeline_mode = #tpu.pipeline_mode<synchronous>, transform_indices = @transform_2, window_bounds = array<i64: 1, 64>}, {transform_indices = @transform_3, window_bounds = array<i64: 2000, 64>}, {transform_indices = @transform_4, window_bounds = array<i64: 2000, 72>}]} {
    %get3A = arith.constant 0 : index
    %get3A_0 = arith.constant 0 : index
    %get3A_1 = vector.load %arg1[%get3A, %get3A_0] : memref<2000x128xf32, #tpu.memory_space<vmem>>, vector<2000x128xf32>
    %get3A_2 = arith.constant 0 : index
    %get3A_3 = arith.constant 0 : index
    %get3A_4 = vector.load %arg2[%get3A_2, %get3A_3] : memref<128x128xf32, #tpu.memory_space<vmem>>, vector<128x128xf32>
    %dot_general3A = arith.constant dense<0.000000e+00> : vector<2000x128xf32>
    %dot_general3A_5 = tpu.matmul %get3A_1, %get3A_4, %dot_general3A {dimension_numbers = #tpu.dot_dimension_numbers<[1], [0], [0], [1], [0, 0, 1, 1], [], []>, transpose_lhs_hint = false} : vector<2000x128xf32>, vector<128x128xf32>, vector<2000x128xf32> -> vector<2000x128xf32>
    %slice3A = vector.extract_strided_slice %dot_general3A_5 {offsets = [0, 0], sizes = [2000, 64], strides = [1, 1]} : vector<2000x128xf32> to vector<2000x64xf32>
    %get3A_6 = arith.constant 0 : index
    %get3A_7 = arith.constant 0 : index
    %get3A_8 = vector.load %arg3[%get3A_6, %get3A_7] : memref<1x64xf32, #tpu.memory_space<vmem>>, vector<1x64xf32>
    %add3A = vector.broadcast %get3A_8 : vector<1x64xf32> to vector<2000x64xf32>
    %add3A_9 = arith.addf %slice3A, %add3A : vector<2000x64xf32>
    %swap3A = arith.constant 0 : index
    %swap3A_10 = arith.constant 0 : index
    %swap3A_11 = vector.load %arg4[%swap3A, %swap3A_10] : memref<2000x64xf32, #tpu.memory_space<vmem>>, vector<2000x64xf32>
    tpu.vector_store %arg4[%swap3A, %swap3A_10], %add3A_9 {strides = array<i32>} : memref<2000x64xf32, #tpu.memory_space<vmem>>, vector<2000x64xf32>,
    %slice3A_12 = vector.extract_strided_slice %dot_general3A_5 {offsets = [0, 64], sizes = [2000, 64], strides = [1, 1]} : vector<2000x128xf32> to vector<2000x64xf32>
    %swap3A_13 = arith.constant 0 : index
    %swap3A_14 = arith.constant 0 : index
    %swap3A_15 = vector.load %arg5[%swap3A_13, %swap3A_14] : memref<2000x72xf32, #tpu.memory_space<vmem>>, vector<2000x64xf32>
    tpu.vector_store %arg5[%swap3A_13, %swap3A_14], %slice3A_12 {strides = array<i32>} : memref<2000x72xf32, #tpu.memory_space<vmem>>, vector<2000x64xf32>,
    %broadcast_in_dim3A = arith.constant 1.000000e+00 : f32
    %broadcast_in_dim3A_16 = vector.broadcast %broadcast_in_dim3A : f32 to vector<2000x8xf32>
    %swap3A_17 = arith.constant 0 : index
    %swap3A_18 = arith.constant 64 : index
    %swap3A_19 = vector.load %arg5[%swap3A_17, %swap3A_18] : memref<2000x72xf32, #tpu.memory_space<vmem>>, vector<2000x8xf32>
    tpu.vector_store %arg5[%swap3A_17, %swap3A_18], %broadcast_in_dim3A_16 {strides = array<i32>} : memref<2000x72xf32, #tpu.memory_space<vmem>>, vector<2000x8xf32>,
    return
  }
  func.func @transform_0(%arg0: i32) -> (i32, i32) {
    %c0_i32 = arith.constant 0 : i32
    %c0_i32_0 = arith.constant 0 : i32
    return %arg0, %c0_i32 : i32, i32
  }
  func.func @transform_1(%arg0: i32) -> (i32, i32) {
    %c0_i32 = arith.constant 0 : i32
    %c0_i32_0 = arith.constant 0 : i32
    %c0_i32_1 = arith.constant 0 : i32
    return %c0_i32, %c0_i32_0 : i32, i32
  }
  func.func @transform_2(%arg0: i32) -> (i32, i32) {
    %c0_i32 = arith.constant 0 : i32
    %c0_i32_0 = arith.constant 0 : i32
    %c0_i32_1 = arith.constant 0 : i32
    return %c0_i32, %c0_i32_0 : i32, i32
  }
  func.func @transform_3(%arg0: i32) -> (i32, i32) {
    %c0_i32 = arith.constant 0 : i32
    %c0_i32_0 = arith.constant 0 : i32
    return %arg0, %c0_i32 : i32, i32
  }
  func.func @transform_4(%arg0: i32) -> (i32, i32) {
    %c0_i32 = arith.constant 0 : i32
    %c0_i32_0 = arith.constant 0 : i32
    return %arg0, %c0_i32 : i32, i32
  }
}

module attributes {stable_mosaic.version = 14 : i64} {
  func.func @_cmb1_body(%arg0: i32, %arg1: memref<2000x64xf32, #tpu.memory_space<vmem>>, %arg2: memref<2x2000x72xf32, #tpu.memory_space<vmem>>, %arg3: memref<64x128xf32, #tpu.memory_space<vmem>>, %arg4: memref<1x64xf32, #tpu.memory_space<vmem>>, %arg5: memref<2000x64xf32, #tpu.memory_space<vmem>>, %arg6: memref<2000x64xf32, #tpu.memory_space<vmem>>, %arg7: memref<2000x1xf32, #tpu.memory_space<vmem>>) attributes {dimension_semantics = [#tpu.dimension_semantics<arbitrary>], iteration_bounds = array<i64: 5>, scalar_prefetch = 0 : i64, scratch_operands = 0 : i64, tpu.core_type = #tpu.core_type<tc>, window_params = [{transform_indices = @transform_0, window_bounds = array<i64: 2000, 64>}, {transform_indices = @transform_1, window_bounds = array<i64: 2, 2000, 72>}, {pipeline_mode = #tpu.pipeline_mode<synchronous>, transform_indices = @transform_2, window_bounds = array<i64: 64, 128>}, {pipeline_mode = #tpu.pipeline_mode<synchronous>, transform_indices = @transform_3, window_bounds = array<i64: 1, 64>}, {transform_indices = @transform_4, window_bounds = array<i64: 2000, 64>}, {transform_indices = @transform_5, window_bounds = array<i64: 2000, 64>}, {transform_indices = @transform_6, window_bounds = array<i64: 2000, 1>}]} {
    %get3A = arith.constant 0 : index
    %get3A_0 = arith.constant 0 : index
    %get3A_1 = arith.constant 0 : index
    %get3A_2 = vector.load %arg2[%get3A, %get3A_0, %get3A_1] : memref<2x2000x72xf32, #tpu.memory_space<vmem>>, vector<1x2000x64xf32>
    %get3A_3 = vector.shape_cast %get3A_2 : vector<1x2000x64xf32> to vector<2000x64xf32>
    %get3A_4 = arith.constant 1 : index
    %get3A_5 = arith.constant 0 : index
    %get3A_6 = arith.constant 0 : index
    %get3A_7 = vector.load %arg2[%get3A_4, %get3A_5, %get3A_6] : memref<2x2000x72xf32, #tpu.memory_space<vmem>>, vector<1x2000x64xf32>
    %get3A_8 = vector.shape_cast %get3A_7 : vector<1x2000x64xf32> to vector<2000x64xf32>
    %add3A = arith.addf %get3A_3, %get3A_8 : vector<2000x64xf32>
    %get3A_9 = arith.constant 0 : index
    %get3A_10 = arith.constant 0 : index
    %get3A_11 = arith.constant 64 : index
    %get3A_12 = vector.load %arg2[%get3A_9, %get3A_10, %get3A_11] : memref<2x2000x72xf32, #tpu.memory_space<vmem>>, vector<1x2000x1xf32>
    %get3A_13 = vector.shape_cast %get3A_12 : vector<1x2000x1xf32> to vector<2000x1xf32>
    %get3A_14 = arith.constant 1 : index
    %get3A_15 = arith.constant 0 : index
    %get3A_16 = arith.constant 64 : index
    %get3A_17 = vector.load %arg2[%get3A_14, %get3A_15, %get3A_16] : memref<2x2000x72xf32, #tpu.memory_space<vmem>>, vector<1x2000x1xf32>
    %get3A_18 = vector.shape_cast %get3A_17 : vector<1x2000x1xf32> to vector<2000x1xf32>
    %add3A_19 = arith.addf %get3A_13, %get3A_18 : vector<2000x1xf32>
    %max3A = arith.constant 1.000000e+00 : f32
    %max3A_20 = vector.broadcast %max3A : f32 to vector<2000x1xf32>
    %max3A_21 = arith.maximumf %add3A_19, %max3A_20 : vector<2000x1xf32>
    %div3A = arith.constant 1.000000e+00 : f32
    %div3A_22 = vector.broadcast %div3A : f32 to vector<2000x1xf32>
    %div3A_23 = arith.divf %div3A_22, %max3A_21 : vector<2000x1xf32>
    %swap3A = arith.constant 0 : index
    %swap3A_24 = arith.constant 0 : index
    %swap3A_25 = vector.load %arg7[%swap3A, %swap3A_24] : memref<2000x1xf32, #tpu.memory_space<vmem>>, vector<2000x1xf32>
    tpu.vector_store %arg7[%swap3A, %swap3A_24], %div3A_23 {strides = array<i32>} : memref<2000x1xf32, #tpu.memory_space<vmem>>, vector<2000x1xf32>,
    %get3A_26 = arith.constant 0 : index
    %get3A_27 = arith.constant 0 : index
    %get3A_28 = vector.load %arg1[%get3A_26, %get3A_27] : memref<2000x64xf32, #tpu.memory_space<vmem>>, vector<2000x64xf32>
    %mul3A = vector.broadcast %div3A_23 : vector<2000x1xf32> to vector<2000x64xf32>
    %mul3A_29 = arith.mulf %add3A, %mul3A : vector<2000x64xf32>
    %add3A_30 = arith.addf %get3A_28, %mul3A_29 : vector<2000x64xf32>
    %max3A_31 = arith.constant 0.000000e+00 : f32
    %max3A_32 = vector.broadcast %max3A_31 : f32 to vector<2000x64xf32>
    %max3A_33 = arith.maximumf %add3A_30, %max3A_32 : vector<2000x64xf32>
    %get3A_34 = arith.constant 0 : index
    %get3A_35 = arith.constant 0 : index
    %get3A_36 = vector.load %arg3[%get3A_34, %get3A_35] : memref<64x128xf32, #tpu.memory_space<vmem>>, vector<64x128xf32>
    %dot_general3A = arith.constant dense<0.000000e+00> : vector<2000x128xf32>
    %dot_general3A_37 = tpu.matmul %max3A_33, %get3A_36, %dot_general3A {dimension_numbers = #tpu.dot_dimension_numbers<[1], [0], [0], [1], [0, 0, 1, 1], [], []>, transpose_lhs_hint = false} : vector<2000x64xf32>, vector<64x128xf32>, vector<2000x128xf32> -> vector<2000x128xf32>
    %slice3A = vector.extract_strided_slice %dot_general3A_37 {offsets = [0, 0], sizes = [2000, 64], strides = [1, 1]} : vector<2000x128xf32> to vector<2000x64xf32>
    %get3A_38 = arith.constant 0 : index
    %get3A_39 = arith.constant 0 : index
    %get3A_40 = vector.load %arg4[%get3A_38, %get3A_39] : memref<1x64xf32, #tpu.memory_space<vmem>>, vector<1x64xf32>
    %add3A_41 = vector.broadcast %get3A_40 : vector<1x64xf32> to vector<2000x64xf32>
    %add3A_42 = arith.addf %slice3A, %add3A_41 : vector<2000x64xf32>
    %swap3A_43 = arith.constant 0 : index
    %swap3A_44 = arith.constant 0 : index
    %swap3A_45 = vector.load %arg5[%swap3A_43, %swap3A_44] : memref<2000x64xf32, #tpu.memory_space<vmem>>, vector<2000x64xf32>
    tpu.vector_store %arg5[%swap3A_43, %swap3A_44], %add3A_42 {strides = array<i32>} : memref<2000x64xf32, #tpu.memory_space<vmem>>, vector<2000x64xf32>,
    %slice3A_46 = vector.extract_strided_slice %dot_general3A_37 {offsets = [0, 64], sizes = [2000, 64], strides = [1, 1]} : vector<2000x128xf32> to vector<2000x64xf32>
    %swap3A_47 = arith.constant 0 : index
    %swap3A_48 = arith.constant 0 : index
    %swap3A_49 = vector.load %arg6[%swap3A_47, %swap3A_48] : memref<2000x64xf32, #tpu.memory_space<vmem>>, vector<2000x64xf32>
    tpu.vector_store %arg6[%swap3A_47, %swap3A_48], %slice3A_46 {strides = array<i32>} : memref<2000x64xf32, #tpu.memory_space<vmem>>, vector<2000x64xf32>,
    return
  }
  func.func @transform_0(%arg0: i32) -> (i32, i32) {
    %c0_i32 = arith.constant 0 : i32
    %c0_i32_0 = arith.constant 0 : i32
    return %arg0, %c0_i32 : i32, i32
  }
  func.func @transform_1(%arg0: i32) -> (i32, i32, i32) {
    %c0_i32 = arith.constant 0 : i32
    %c0_i32_0 = arith.constant 0 : i32
    %c0_i32_1 = arith.constant 0 : i32
    return %c0_i32, %arg0, %c0_i32_0 : i32, i32, i32
  }
  func.func @transform_2(%arg0: i32) -> (i32, i32) {
    %c0_i32 = arith.constant 0 : i32
    %c0_i32_0 = arith.constant 0 : i32
    %c0_i32_1 = arith.constant 0 : i32
    return %c0_i32, %c0_i32_0 : i32, i32
  }
  func.func @transform_3(%arg0: i32) -> (i32, i32) {
    %c0_i32 = arith.constant 0 : i32
    %c0_i32_0 = arith.constant 0 : i32
    %c0_i32_1 = arith.constant 0 : i32
    return %c0_i32, %c0_i32_0 : i32, i32
  }
  func.func @transform_4(%arg0: i32) -> (i32, i32) {
    %c0_i32 = arith.constant 0 : i32
    %c0_i32_0 = arith.constant 0 : i32
    return %arg0, %c0_i32 : i32, i32
  }
  func.func @transform_5(%arg0: i32) -> (i32, i32) {
    %c0_i32 = arith.constant 0 : i32
    %c0_i32_0 = arith.constant 0 : i32
    return %arg0, %c0_i32 : i32, i32
  }
  func.func @transform_6(%arg0: i32) -> (i32, i32) {
    %c0_i32 = arith.constant 0 : i32
    %c0_i32_0 = arith.constant 0 : i32
    return %arg0, %c0_i32 : i32, i32
  }
}

module attributes {stable_mosaic.version = 14 : i64} {
  func.func @_cmb2_body(%arg0: i32, %arg1: memref<2000x64xf32, #tpu.memory_space<vmem>>, %arg2: memref<2x2000x64xf32, #tpu.memory_space<vmem>>, %arg3: memref<2000x1xf32, #tpu.memory_space<vmem>>, %arg4: memref<64x128xf32, #tpu.memory_space<vmem>>, %arg5: memref<1x64xf32, #tpu.memory_space<vmem>>, %arg6: memref<2000x64xf32, #tpu.memory_space<vmem>>, %arg7: memref<2000x64xf32, #tpu.memory_space<vmem>>) attributes {dimension_semantics = [#tpu.dimension_semantics<arbitrary>], iteration_bounds = array<i64: 5>, scalar_prefetch = 0 : i64, scratch_operands = 0 : i64, tpu.core_type = #tpu.core_type<tc>, window_params = [{transform_indices = @transform_0, window_bounds = array<i64: 2000, 64>}, {transform_indices = @transform_1, window_bounds = array<i64: 2, 2000, 64>}, {transform_indices = @transform_2, window_bounds = array<i64: 2000, 1>}, {pipeline_mode = #tpu.pipeline_mode<synchronous>, transform_indices = @transform_3, window_bounds = array<i64: 64, 128>}, {pipeline_mode = #tpu.pipeline_mode<synchronous>, transform_indices = @transform_4, window_bounds = array<i64: 1, 64>}, {transform_indices = @transform_5, window_bounds = array<i64: 2000, 64>}, {transform_indices = @transform_6, window_bounds = array<i64: 2000, 64>}]} {
    %get3A = arith.constant 0 : index
    %get3A_0 = arith.constant 0 : index
    %get3A_1 = arith.constant 0 : index
    %get3A_2 = vector.load %arg2[%get3A, %get3A_0, %get3A_1] : memref<2x2000x64xf32, #tpu.memory_space<vmem>>, vector<1x2000x64xf32>
    %get3A_3 = vector.shape_cast %get3A_2 : vector<1x2000x64xf32> to vector<2000x64xf32>
    %get3A_4 = arith.constant 1 : index
    %get3A_5 = arith.constant 0 : index
    %get3A_6 = arith.constant 0 : index
    %get3A_7 = vector.load %arg2[%get3A_4, %get3A_5, %get3A_6] : memref<2x2000x64xf32, #tpu.memory_space<vmem>>, vector<1x2000x64xf32>
    %get3A_8 = vector.shape_cast %get3A_7 : vector<1x2000x64xf32> to vector<2000x64xf32>
    %add3A = arith.addf %get3A_3, %get3A_8 : vector<2000x64xf32>
    %get3A_9 = arith.constant 0 : index
    %get3A_10 = arith.constant 0 : index
    %get3A_11 = vector.load %arg1[%get3A_9, %get3A_10] : memref<2000x64xf32, #tpu.memory_space<vmem>>, vector<2000x64xf32>
    %get3A_12 = arith.constant 0 : index
    %get3A_13 = arith.constant 0 : index
    %get3A_14 = vector.load %arg3[%get3A_12, %get3A_13] : memref<2000x1xf32, #tpu.memory_space<vmem>>, vector<2000x1xf32>
    %mul3A = vector.broadcast %get3A_14 : vector<2000x1xf32> to vector<2000x64xf32>
    %mul3A_15 = arith.mulf %add3A, %mul3A : vector<2000x64xf32>
    %add3A_16 = arith.addf %get3A_11, %mul3A_15 : vector<2000x64xf32>
    %max3A = arith.constant 0.000000e+00 : f32
    %max3A_17 = vector.broadcast %max3A : f32 to vector<2000x64xf32>
    %max3A_18 = arith.maximumf %add3A_16, %max3A_17 : vector<2000x64xf32>
    %get3A_19 = arith.constant 0 : index
    %get3A_20 = arith.constant 0 : index
    %get3A_21 = vector.load %arg4[%get3A_19, %get3A_20] : memref<64x128xf32, #tpu.memory_space<vmem>>, vector<64x128xf32>
    %dot_general3A = arith.constant dense<0.000000e+00> : vector<2000x128xf32>
    %dot_general3A_22 = tpu.matmul %max3A_18, %get3A_21, %dot_general3A {dimension_numbers = #tpu.dot_dimension_numbers<[1], [0], [0], [1], [0, 0, 1, 1], [], []>, transpose_lhs_hint = false} : vector<2000x64xf32>, vector<64x128xf32>, vector<2000x128xf32> -> vector<2000x128xf32>
    %slice3A = vector.extract_strided_slice %dot_general3A_22 {offsets = [0, 0], sizes = [2000, 64], strides = [1, 1]} : vector<2000x128xf32> to vector<2000x64xf32>
    %get3A_23 = arith.constant 0 : index
    %get3A_24 = arith.constant 0 : index
    %get3A_25 = vector.load %arg5[%get3A_23, %get3A_24] : memref<1x64xf32, #tpu.memory_space<vmem>>, vector<1x64xf32>
    %add3A_26 = vector.broadcast %get3A_25 : vector<1x64xf32> to vector<2000x64xf32>
    %add3A_27 = arith.addf %slice3A, %add3A_26 : vector<2000x64xf32>
    %swap3A = arith.constant 0 : index
    %swap3A_28 = arith.constant 0 : index
    %swap3A_29 = vector.load %arg6[%swap3A, %swap3A_28] : memref<2000x64xf32, #tpu.memory_space<vmem>>, vector<2000x64xf32>
    tpu.vector_store %arg6[%swap3A, %swap3A_28], %add3A_27 {strides = array<i32>} : memref<2000x64xf32, #tpu.memory_space<vmem>>, vector<2000x64xf32>,
    %slice3A_30 = vector.extract_strided_slice %dot_general3A_22 {offsets = [0, 64], sizes = [2000, 64], strides = [1, 1]} : vector<2000x128xf32> to vector<2000x64xf32>
    %swap3A_31 = arith.constant 0 : index
    %swap3A_32 = arith.constant 0 : index
    %swap3A_33 = vector.load %arg7[%swap3A_31, %swap3A_32] : memref<2000x64xf32, #tpu.memory_space<vmem>>, vector<2000x64xf32>
    tpu.vector_store %arg7[%swap3A_31, %swap3A_32], %slice3A_30 {strides = array<i32>} : memref<2000x64xf32, #tpu.memory_space<vmem>>, vector<2000x64xf32>,
    return
  }
  func.func @transform_0(%arg0: i32) -> (i32, i32) {
    %c0_i32 = arith.constant 0 : i32
    %c0_i32_0 = arith.constant 0 : i32
    return %arg0, %c0_i32 : i32, i32
  }
  func.func @transform_1(%arg0: i32) -> (i32, i32, i32) {
    %c0_i32 = arith.constant 0 : i32
    %c0_i32_0 = arith.constant 0 : i32
    %c0_i32_1 = arith.constant 0 : i32
    return %c0_i32, %arg0, %c0_i32_0 : i32, i32, i32
  }
  func.func @transform_2(%arg0: i32) -> (i32, i32) {
    %c0_i32 = arith.constant 0 : i32
    %c0_i32_0 = arith.constant 0 : i32
    return %arg0, %c0_i32 : i32, i32
  }
  func.func @transform_3(%arg0: i32) -> (i32, i32) {
    %c0_i32 = arith.constant 0 : i32
    %c0_i32_0 = arith.constant 0 : i32
    %c0_i32_1 = arith.constant 0 : i32
    return %c0_i32, %c0_i32_0 : i32, i32
  }
  func.func @transform_4(%arg0: i32) -> (i32, i32) {
    %c0_i32 = arith.constant 0 : i32
    %c0_i32_0 = arith.constant 0 : i32
    %c0_i32_1 = arith.constant 0 : i32
    return %c0_i32, %c0_i32_0 : i32, i32
  }
  func.func @transform_5(%arg0: i32) -> (i32, i32) {
    %c0_i32 = arith.constant 0 : i32
    %c0_i32_0 = arith.constant 0 : i32
    return %arg0, %c0_i32 : i32, i32
  }
  func.func @transform_6(%arg0: i32) -> (i32, i32) {
    %c0_i32 = arith.constant 0 : i32
    %c0_i32_0 = arith.constant 0 : i32
    return %arg0, %c0_i32 : i32, i32
  }
}

module attributes {stable_mosaic.version = 14 : i64} {
  func.func @_cmb3_body(%arg0: i32, %arg1: memref<2000x64xf32, #tpu.memory_space<vmem>>, %arg2: memref<2x2000x64xf32, #tpu.memory_space<vmem>>, %arg3: memref<2000x1xf32, #tpu.memory_space<vmem>>, %arg4: memref<64x16xf32, #tpu.memory_space<vmem>>, %arg5: memref<1x8xf32, #tpu.memory_space<vmem>>, %arg6: memref<2000x8xf32, #tpu.memory_space<vmem>>, %arg7: memref<2000x8xf32, #tpu.memory_space<vmem>>) attributes {dimension_semantics = [#tpu.dimension_semantics<arbitrary>], iteration_bounds = array<i64: 5>, scalar_prefetch = 0 : i64, scratch_operands = 0 : i64, tpu.core_type = #tpu.core_type<tc>, window_params = [{transform_indices = @transform_0, window_bounds = array<i64: 2000, 64>}, {transform_indices = @transform_1, window_bounds = array<i64: 2, 2000, 64>}, {transform_indices = @transform_2, window_bounds = array<i64: 2000, 1>}, {pipeline_mode = #tpu.pipeline_mode<synchronous>, transform_indices = @transform_3, window_bounds = array<i64: 64, 16>}, {pipeline_mode = #tpu.pipeline_mode<synchronous>, transform_indices = @transform_4, window_bounds = array<i64: 1, 8>}, {transform_indices = @transform_5, window_bounds = array<i64: 2000, 8>}, {transform_indices = @transform_6, window_bounds = array<i64: 2000, 8>}]} {
    %get3A = arith.constant 0 : index
    %get3A_0 = arith.constant 0 : index
    %get3A_1 = arith.constant 0 : index
    %get3A_2 = vector.load %arg2[%get3A, %get3A_0, %get3A_1] : memref<2x2000x64xf32, #tpu.memory_space<vmem>>, vector<1x2000x64xf32>
    %get3A_3 = vector.shape_cast %get3A_2 : vector<1x2000x64xf32> to vector<2000x64xf32>
    %get3A_4 = arith.constant 1 : index
    %get3A_5 = arith.constant 0 : index
    %get3A_6 = arith.constant 0 : index
    %get3A_7 = vector.load %arg2[%get3A_4, %get3A_5, %get3A_6] : memref<2x2000x64xf32, #tpu.memory_space<vmem>>, vector<1x2000x64xf32>
    %get3A_8 = vector.shape_cast %get3A_7 : vector<1x2000x64xf32> to vector<2000x64xf32>
    %add3A = arith.addf %get3A_3, %get3A_8 : vector<2000x64xf32>
    %get3A_9 = arith.constant 0 : index
    %get3A_10 = arith.constant 0 : index
    %get3A_11 = vector.load %arg1[%get3A_9, %get3A_10] : memref<2000x64xf32, #tpu.memory_space<vmem>>, vector<2000x64xf32>
    %get3A_12 = arith.constant 0 : index
    %get3A_13 = arith.constant 0 : index
    %get3A_14 = vector.load %arg3[%get3A_12, %get3A_13] : memref<2000x1xf32, #tpu.memory_space<vmem>>, vector<2000x1xf32>
    %mul3A = vector.broadcast %get3A_14 : vector<2000x1xf32> to vector<2000x64xf32>
    %mul3A_15 = arith.mulf %add3A, %mul3A : vector<2000x64xf32>
    %add3A_16 = arith.addf %get3A_11, %mul3A_15 : vector<2000x64xf32>
    %max3A = arith.constant 0.000000e+00 : f32
    %max3A_17 = vector.broadcast %max3A : f32 to vector<2000x64xf32>
    %max3A_18 = arith.maximumf %add3A_16, %max3A_17 : vector<2000x64xf32>
    %get3A_19 = arith.constant 0 : index
    %get3A_20 = arith.constant 0 : index
    %get3A_21 = vector.load %arg4[%get3A_19, %get3A_20] : memref<64x16xf32, #tpu.memory_space<vmem>>, vector<64x16xf32>
    %dot_general3A = arith.constant dense<0.000000e+00> : vector<2000x16xf32>
    %dot_general3A_22 = tpu.matmul %max3A_18, %get3A_21, %dot_general3A {dimension_numbers = #tpu.dot_dimension_numbers<[1], [0], [0], [1], [0, 0, 1, 1], [], []>, transpose_lhs_hint = false} : vector<2000x64xf32>, vector<64x16xf32>, vector<2000x16xf32> -> vector<2000x16xf32>
    %slice3A = vector.extract_strided_slice %dot_general3A_22 {offsets = [0, 0], sizes = [2000, 8], strides = [1, 1]} : vector<2000x16xf32> to vector<2000x8xf32>
    %get3A_23 = arith.constant 0 : index
    %get3A_24 = arith.constant 0 : index
    %get3A_25 = vector.load %arg5[%get3A_23, %get3A_24] : memref<1x8xf32, #tpu.memory_space<vmem>>, vector<1x8xf32>
    %add3A_26 = vector.broadcast %get3A_25 : vector<1x8xf32> to vector<2000x8xf32>
    %add3A_27 = arith.addf %slice3A, %add3A_26 : vector<2000x8xf32>
    %swap3A = arith.constant 0 : index
    %swap3A_28 = arith.constant 0 : index
    %swap3A_29 = vector.load %arg6[%swap3A, %swap3A_28] : memref<2000x8xf32, #tpu.memory_space<vmem>>, vector<2000x8xf32>
    tpu.vector_store %arg6[%swap3A, %swap3A_28], %add3A_27 {strides = array<i32>} : memref<2000x8xf32, #tpu.memory_space<vmem>>, vector<2000x8xf32>,
    %slice3A_30 = vector.extract_strided_slice %dot_general3A_22 {offsets = [0, 8], sizes = [2000, 8], strides = [1, 1]} : vector<2000x16xf32> to vector<2000x8xf32>
    %swap3A_31 = arith.constant 0 : index
    %swap3A_32 = arith.constant 0 : index
    %swap3A_33 = vector.load %arg7[%swap3A_31, %swap3A_32] : memref<2000x8xf32, #tpu.memory_space<vmem>>, vector<2000x8xf32>
    tpu.vector_store %arg7[%swap3A_31, %swap3A_32], %slice3A_30 {strides = array<i32>} : memref<2000x8xf32, #tpu.memory_space<vmem>>, vector<2000x8xf32>,
    return
  }
  func.func @transform_0(%arg0: i32) -> (i32, i32) {
    %c0_i32 = arith.constant 0 : i32
    %c0_i32_0 = arith.constant 0 : i32
    return %arg0, %c0_i32 : i32, i32
  }
  func.func @transform_1(%arg0: i32) -> (i32, i32, i32) {
    %c0_i32 = arith.constant 0 : i32
    %c0_i32_0 = arith.constant 0 : i32
    %c0_i32_1 = arith.constant 0 : i32
    return %c0_i32, %arg0, %c0_i32_0 : i32, i32, i32
  }
  func.func @transform_2(%arg0: i32) -> (i32, i32) {
    %c0_i32 = arith.constant 0 : i32
    %c0_i32_0 = arith.constant 0 : i32
    return %arg0, %c0_i32 : i32, i32
  }
  func.func @transform_3(%arg0: i32) -> (i32, i32) {
    %c0_i32 = arith.constant 0 : i32
    %c0_i32_0 = arith.constant 0 : i32
    %c0_i32_1 = arith.constant 0 : i32
    return %c0_i32, %c0_i32_0 : i32, i32
  }
  func.func @transform_4(%arg0: i32) -> (i32, i32) {
    %c0_i32 = arith.constant 0 : i32
    %c0_i32_0 = arith.constant 0 : i32
    %c0_i32_1 = arith.constant 0 : i32
    return %c0_i32, %c0_i32_0 : i32, i32
  }
  func.func @transform_5(%arg0: i32) -> (i32, i32) {
    %c0_i32 = arith.constant 0 : i32
    %c0_i32_0 = arith.constant 0 : i32
    return %arg0, %c0_i32 : i32, i32
  }
  func.func @transform_6(%arg0: i32) -> (i32, i32) {
    %c0_i32 = arith.constant 0 : i32
    %c0_i32_0 = arith.constant 0 : i32
    return %arg0, %c0_i32 : i32, i32
  }
}

module attributes {stable_mosaic.version = 14 : i64} {
  func.func @_fin_body(%arg0: i32, %arg1: memref<2000x8xf32, #tpu.memory_space<vmem>>, %arg2: memref<2x2000x8xf32, #tpu.memory_space<vmem>>, %arg3: memref<2000x1xf32, #tpu.memory_space<vmem>>, %arg4: memref<2000x1xf32, #tpu.memory_space<vmem>>) attributes {dimension_semantics = [#tpu.dimension_semantics<arbitrary>], iteration_bounds = array<i64: 5>, scalar_prefetch = 0 : i64, scratch_operands = 0 : i64, tpu.core_type = #tpu.core_type<tc>, window_params = [{transform_indices = @transform_0, window_bounds = array<i64: 2000, 8>}, {transform_indices = @transform_1, window_bounds = array<i64: 2, 2000, 8>}, {transform_indices = @transform_2, window_bounds = array<i64: 2000, 1>}, {transform_indices = @transform_3, window_bounds = array<i64: 2000, 1>}]} {
    %get3A = arith.constant 0 : index
    %get3A_0 = arith.constant 0 : index
    %get3A_1 = arith.constant 0 : index
    %get3A_2 = vector.load %arg2[%get3A, %get3A_0, %get3A_1] : memref<2x2000x8xf32, #tpu.memory_space<vmem>>, vector<1x2000x1xf32>
    %get3A_3 = vector.shape_cast %get3A_2 : vector<1x2000x1xf32> to vector<2000x1xf32>
    %get3A_4 = arith.constant 1 : index
    %get3A_5 = arith.constant 0 : index
    %get3A_6 = arith.constant 0 : index
    %get3A_7 = vector.load %arg2[%get3A_4, %get3A_5, %get3A_6] : memref<2x2000x8xf32, #tpu.memory_space<vmem>>, vector<1x2000x1xf32>
    %get3A_8 = vector.shape_cast %get3A_7 : vector<1x2000x1xf32> to vector<2000x1xf32>
    %add3A = arith.addf %get3A_3, %get3A_8 : vector<2000x1xf32>
    %get3A_9 = arith.constant 0 : index
    %get3A_10 = arith.constant 0 : index
    %get3A_11 = vector.load %arg1[%get3A_9, %get3A_10] : memref<2000x8xf32, #tpu.memory_space<vmem>>, vector<2000x1xf32>
    %get3A_12 = arith.constant 0 : index
    %get3A_13 = arith.constant 0 : index
    %get3A_14 = vector.load %arg3[%get3A_12, %get3A_13] : memref<2000x1xf32, #tpu.memory_space<vmem>>, vector<2000x1xf32>
    %mul3A = arith.mulf %add3A, %get3A_14 : vector<2000x1xf32>
    %add3A_15 = arith.addf %get3A_11, %mul3A : vector<2000x1xf32>
    %swap3A = arith.constant 0 : index
    %swap3A_16 = arith.constant 0 : index
    %swap3A_17 = vector.load %arg4[%swap3A, %swap3A_16] : memref<2000x1xf32, #tpu.memory_space<vmem>>, vector<2000x1xf32>
    tpu.vector_store %arg4[%swap3A, %swap3A_16], %add3A_15 {strides = array<i32>} : memref<2000x1xf32, #tpu.memory_space<vmem>>, vector<2000x1xf32>,
    return
  }
  func.func @transform_0(%arg0: i32) -> (i32, i32) {
    %c0_i32 = arith.constant 0 : i32
    %c0_i32_0 = arith.constant 0 : i32
    return %arg0, %c0_i32 : i32, i32
  }
  func.func @transform_1(%arg0: i32) -> (i32, i32, i32) {
    %c0_i32 = arith.constant 0 : i32
    %c0_i32_0 = arith.constant 0 : i32
    %c0_i32_1 = arith.constant 0 : i32
    return %c0_i32, %arg0, %c0_i32_0 : i32, i32, i32
  }
  func.func @transform_2(%arg0: i32) -> (i32, i32) {
    %c0_i32 = arith.constant 0 : i32
    %c0_i32_0 = arith.constant 0 : i32
    return %arg0, %c0_i32 : i32, i32
  }
  func.func @transform_3(%arg0: i32) -> (i32, i32) {
    %c0_i32 = arith.constant 0 : i32
    %c0_i32_0 = arith.constant 0 : i32
    return %arg0, %c0_i32 : i32, i32
  }
}

</mosaic_0001>

<sc_bundles>
// kernel: kernel.11.cloned.1.call-start
scs
__scs_entry_jumppad:
0x0: {  	(pc) =	sbr.rel $0x88, $3  }
0x1: {  	(tag) =	ssettag $0x0;
	lr =	simm.s32 $0x1  }
0x2: {  	[smem:$0x3F93] =	sst lr;
	_ =	strace $0xD0000000  }
0x3: {  	_ = 	snop  }
0x4: {  	_ = 	snop  }
0x5: {  	_ = 	snop  }
0x6: {  	_ = 	snop  }
0x7: {  	_ = 	snop  }
__scs_overlays_trampoline_lowered:
0x8: {  	[smem:$0x3FA2] =	sst s0  }
0x9: {  	[smem:$0x3FA3] =	sst s1  }
0xa: {  	[smem:$0x3FA4] =	sst s2  }
0xb: {  	[smem:$0x3FA5] =	sst s3  }
0xc: {  	[smem:$0x3FA6] =	sst s4  }
0xd: {  	[smem:$0x3FA7] =	sst s5  }
0xe: {  	[smem:$0x3FA8] =	sst s6  }
0xf: {  	[smem:$0x3FA9] =	sst s7  }
0x10: {  	[smem:$0x3FAA] =	sst s8  }
0x11: {  	[smem:$0x3FAB] =	sst s9;
	s0 =	simm.s32 @!p0 $0x0  }
0x12: {  	s1 =	sld [smem:$0x3F91];
	s0 =	simm.s32 @p0 $0x1  }
0x13: {  	[smem:$0x3FAC] =	sst s0;
	s0 =	simm.s32 @!p1 $0x0  }
0x14: {  	s2 =	sld [smem:$0x3F90];
	s0 =	simm.s32 @p1 $0x1  }
0x15: {  	[smem:$0x3FAD] =	sst s0;
	s0 =	simm.s32 @!p2 $0x0  }
0x16: {  	s3 =	sld [smem:$0x3FDB];
	s0 =	simm.s32 @p2 $0x1  }
0x17: {  	s4 =	simm.s32 $0x1BF5;
	[smem:$0x3FAF] =	sst s0  }
0x18: {  	s0 =	sld [smem:$0x3F92];
	_ =	swait.ge [sflag:s4], $0x0  }
0x19: {  	s7 =	sld [smem:$0x3F93]  }
0x1a: {  	s8 =	sadd.s32 $0xFFFFE003, lr  }
0x1b: {  	s9 =	sadd.s32 $0xFFFFFEF7, lr;
	s5 =	simm.s32 $0xFFFFFFFF;
	p2 =	slt.u32 s8, $0xFFFFF086  }
0x1c: {  	p1 =	slt.u32 s9, $0xF7A;
	s5 =	simm.s32 @!p2 $0x0  }
0x1d: {  	s5 =	simm.s32 @p1 $0x1;
	p0 =	seq.s32 s7, s2  }
0x1e: {  	s7 =	smul.u32 @!p0 $0xF7A, s2;
	p2 =	seq.s32 @!p0 s5, $0x0  }
0x1f: {  	s9 =	smul.u32 $0xF7A, s1;
	s8 =	simm.s32 @!p0 $0x1BF5;
	p2 =	por !p2, p0  }
0x20: {  	[sflag:s8] =	ssyncset.s32 @!p0 $0xFFFFF086;
	s6 =	sadd.s32 @!p0 s3, s7;
	s7 =	simm.s32 @!p0 $0x108  }
0x21: {  	s3 =	sadd.s32 s3, s9;
	s6 =	sadd.s32 @!p0 $0x88, s6;
	s7 =	simm.s32 @p2 $0x1082  }
0x22: {  	[simem:s7], [sflag:s8] =	dma.local @!p0 [hbm:s6], $0xF7A  }
0x23: {  	s9 =	sor.u32 $0xD0000000, s2;
	s6 =	simm.s32 $0x108;
	_ =	swait.ge @!p0 [sflag:s8], $0x0  }
0x24: {  	s3 =	sadd.s32 $0x88, s3;
	s6 =	simm.s32 @!p1 $0x1082;
	[sflag:s4] =	ssyncset.s32 $0xFFFFF086  }
0x25: {  	[simem:s6], [sflag:s4] =	dma.local [hbm:s3], $0xF7A  }
0x26: {  	[smem:$0x3F93] =	sst s1;
	(tag) =	ssettag s2;
	_ =	strace s9  }
0x27: {  	s1 =	sld [smem:$0x3FA3]  }
0x28: {  	s2 =	sld [smem:$0x3FA4]  }
0x29: {  	s4 =	sld [smem:$0x3FA6]  }
0x2a: {  	p0 =	seq.s32 s5, $0x0;
	s5 =	sld [smem:$0x3FA7]  }
0x2b: {  	s6 =	sld [smem:$0x3FA8]  }
0x2c: {  	s7 =	sld [smem:$0x3FA9]  }
0x2d: {  	s3 =	simm.s32 $0x108;
	s8 =	sld [smem:$0x3FAA]  }
0x2e: {  	s3 =	simm.s32 @!p0 $0x1082;
	s9 =	sld [smem:$0x3FAB]  }
0x2f: {  	lr =	sadd.s32 s0, s3;
	s0 =	sld [smem:$0x3FA2]  }
0x30: {  	s3 =	sld [smem:$0x3FA5]  }
0x31: {  	[smem:$0x3FAE] =	sst s10  }
0x32: {  	s10 =	sld [smem:$0x3FAC];
	_ =	sdelay $0x3  }
0x33: {  	p0 =	seq.s32 s10, $0x1;
	s10 =	sld [smem:$0x3FAE];
	_ =	sdelay $0x3  }
0x34: {  	[smem:$0x3FAE] =	sst s10  }
0x35: {  	s10 =	sld [smem:$0x3FAD];
	_ =	sdelay $0x3  }
0x36: {  	p1 =	seq.s32 s10, $0x1;
	s10 =	sld [smem:$0x3FAE];
	_ =	sdelay $0x3  }
0x37: {  	[smem:$0x3FAE] =	sst s10  }
0x38: {  	s10 =	sld [smem:$0x3FAF]  }
0x39: {  	_ = 	snop;
	(pc) =	sbr.ind lr, $3  }
0x3a: {  	_ = 	snop  }
0x3b: {  	_ = 	snop  }
0x3c: {  	p2 =	seq.s32 s10, $0x1;
	s10 =	sld [smem:$0x3FAE]  }
0x3d: {  	_ =	shalt  }
0x3e: {  	_ =	shalt  }
0x3f: {  	_ =	shalt  }
0x40: {  	_ =	shalt  }
0x41: {  	_ =	shalt  }
0x42: {  	_ =	shalt  }
0x43: {  	_ =	shalt  }
0x44: {  	_ =	shalt  }
0x45: {  	_ =	shalt  }
0x46: {  	_ =	shalt  }
0x47: {  	_ =	shalt  }
0x48: {  	_ =	shalt  }
0x49: {  	_ =	shalt  }
0x4a: {  	_ =	shalt  }
0x4b: {  	_ =	shalt  }
0x4c: {  	_ =	shalt  }
0x4d: {  	_ =	shalt  }
0x4e: {  	_ =	shalt  }
0x4f: {  	_ =	shalt  }
0x50: {  	_ =	shalt  }
0x51: {  	_ =	shalt  }
0x52: {  	_ =	shalt  }
0x53: {  	_ =	shalt  }
0x54: {  	_ =	shalt  }
0x55: {  	_ =	shalt  }
0x56: {  	_ =	shalt  }
0x57: {  	_ =	shalt  }
0x58: {  	_ =	shalt  }
0x59: {  	_ =	shalt  }
0x5a: {  	_ =	shalt  }
0x5b: {  	_ =	shalt  }
0x5c: {  	_ =	shalt  }
0x5d: {  	_ =	shalt  }
0x5e: {  	_ =	shalt  }
0x5f: {  	_ =	shalt  }
0x60: {  	_ =	shalt  }
0x61: {  	_ =	shalt  }
0x62: {  	_ =	shalt  }
0x63: {  	_ =	shalt  }
0x64: {  	_ =	shalt  }
0x65: {  	_ =	shalt  }
0x66: {  	_ =	shalt  }
0x67: {  	_ =	shalt  }
0x68: {  	_ =	shalt  }
0x69: {  	_ =	shalt  }
0x6a: {  	_ =	shalt  }
0x6b: {  	_ =	shalt  }
0x6c: {  	_ =	shalt  }
0x6d: {  	_ =	shalt  }
0x6e: {  	_ =	shalt  }
0x6f: {  	_ =	shalt  }
0x70: {  	_ =	shalt  }
0x71: {  	_ =	shalt  }
0x72: {  	_ =	shalt  }
0x73: {  	_ =	shalt  }
0x74: {  	_ =	shalt  }
0x75: {  	_ =	shalt  }
0x76: {  	_ =	shalt  }
0x77: {  	_ =	shalt  }
0x78: {  	_ =	shalt  }
0x79: {  	_ =	shalt  }
0x7a: {  	_ =	shalt  }
0x7b: {  	_ =	shalt  }
0x7c: {  	_ =	shalt  }
0x7d: {  	_ =	shalt  }
0x7e: {  	_ =	shalt  }
0x7f: {  	_ =	shalt  }
0x80: {  	_ =	shalt  }
0x81: {  	_ =	shalt  }
0x82: {  	_ =	shalt  }
0x83: {  	_ =	shalt  }
0x84: {  	_ =	shalt  }
0x85: {  	_ =	shalt  }
0x86: {  	_ =	shalt  }
0x87: {  	_ =	shalt  }
.Lfunc_end0:
.L_simem_size_0:
called_computation_lowered:
.L_overlay_start_0:
0x88: {  	s2 =	sld [smem:$0x3FD9]  }
0x89: {  	s3 =	sld [smem:$0x3FFE];
	_ =	sdelay $0x1  }
0x8a: {  	s1 =	srdreg.scid  }
0x8b: {  	s0 =	sand.u32 $0x1, s1  }
0x8c: {  	s16 =	sshll.u32 s0, $0xA;
	s2 =	sadd.s32 s3, s2  }
0x8d: {  	s2 =	sadd.s32 s2, s16  }
0x8e: {  	[smem:$0x3FBA] =	sst s2  }
0x8f: {  	_ = 	snop  }
0x90: {  	(tm) =	ssettm $0x1  }
0x91: {  	s17 =	sld [smem:$0x3FFB];
	_ =	sdelay $0x3  }
0x92: {  	_ =	strace s17  }
0x93: {  	s2 =	sld [smem:$0x3FFC];
	_ =	sdelay $0x3  }
0x94: {  	_ =	strace s2  }
0x95: {  	s2 =	sld [smem:$0x3FFD];
	_ =	sdelay $0x3  }
0x96: {  	_ =	strace s2  }
0x97: {  	_ =	strace $0x8FFFFFFF  }
0x98: {  	s18 =	sld [smem:$0x3FDB];
	_ =	sdelay $0x1  }
0x99: {  	s19 =	simm.s32 $_scs_section_size  }
0x9a: {  	s4 =	simm.s32 $_size__tile_overlayer_lowered;
	s5 =	simm.s32 $_tile_overlayer_lowered  }
0x9b: {  	s22 =	simm.s32 $0x1BFF;
	s21 =	sshll.u32 s5, $0x1;
	s2 =	sadd.s32 s19, s18  }
0x9c: {  	s6 =	simm.s32 $0x0;
	s20 =	sshll.u32 s4, $0x1;
	s4 =	sadd.s32 s21, s2  }
0x9d: {  	[timem:s6], [sflag:s22] =	dma.local [hbm:s4], s20  }
0x9e: {  	_ =	swait.ge [sflag:s22], s20  }
0x9f: {  	s3 =	ssub.s32 $0x0, s20;
	[sflag:s22] =	ssyncset.done $0x0  }
0xa0: {  	[sflag:s22] =	ssyncadd.s32 s3;
	_ =	sdelay $0x1  }
0xa1: {  	s23 =	simm.s32 $0x1B8B  }
0xa2: {  	_ =	swait.ge [sflag:s23], $0x1  }
0xa3: {  	[sflag:s23] =	ssyncset.done $0x0  }
0xa4: {  	s25 =	simm.s32 $0x1B8E;
	s24 =	sld [smem:$0x3FFE];
	[sflag:s23] =	ssyncadd.s32 $0xFFFFFFFF  }
0xa5: {  	s26 =	simm.s32 $execute0_lowered;
	[smem:$0x3FD2] =	sst s25  }
0xa6: {  	s4 =	sshll.u32 s26, $0x1;
	_ =	strace $0x80000046;
	[dreg:$0x1] =	wrdreg $0xFFFFFFFF  }
0xa7: {  	s28 =	simm.s32 $_size_execute0_lowered;
	s2 =	sadd.s32 s2, s4;
	[dreg:$0x0] =	wrdreg $0x0  }
0xa8: {  	s4 =	sshll.u32 s28, $0x1;
	[dreg:$0x2] =	wrdreg s2  }
0xa9: {  	[dreg:$0x3] =	wrdreg s4  }
0xaa: {  	[dreg:$0x4] =	wrdreg $0xC0  }
0xab: {  	_ =	task [dreg:s6], $0x5FFFF  }
0xac: {  	[dreg:$0x1] =	wrdreg $0xFFFFFFFF  }
0xad: {  	[dreg:$0x0] =	wrdreg $0x60  }
0xae: {  	[dreg:$0x2] =	wrdreg s24  }
0xaf: {  	[dreg:$0x3] =	wrdreg $0xDCA00  }
0xb0: {  	[dreg:$0x4] =	wrdreg $0x9  }
0xb1: {  	_ =	task.clear_ibuf [dreg:s6], $0x5FFFF;
	_ =	strace $0x90000046  }
0xb2: {  	s29 =	simm.s32 $0x9;
	_ =	strace $0x80000048  }
0xb3: {  	_ =	swait.ge [sflag:s29], $0x1  }
0xb4: {  	[sflag:s29] =	ssyncadd.s32 $0xFFFFFFFF  }
0xb5: {  	_ =	strace $0x90000048  }
0xb6: {  	_ =	sfence  }
0xb7: {  	s30 =	sld [smem:$0x0];
	_ =	sdelay $0x2  }
0xb8: {  	s31 =	sshll.u32 s1, $0xD;
	s1 =	sshrl.u32 s1, $0x2  }
0xb9: {  	s3 =	sand.u32 $0x4000, s31;
	s1 =	sadd.s32 s1, s30  }
0xba: {  	s0 =	sor.u32 s3, s0;
	s1 =	sshll.u32 s1, $0x11  }
0xbb: {  	s0 =	sor.u32 s1, s0  }
0xbc: {  	s0 =	sadd.s32 $0x8F2B, s0  }
0xbd: {  	[sflag:s0] =	ssyncadd.remote.s32 $0x1  }
0xbe: {  	_ =	sfence.sel $0xFFFF  }
0xbf: {  	[dreg:$0x0] =	wrdreg $0xFFFFFFFF;
	(pc) =	sbr.abs _section_cstart, $3  }
0xc0: {  	[dreg:$0x1] =	wrdreg $0xFFFFFFFF  }
0xc1: {  	_ =	task.clear_ibuf [dreg:s6], $0x2FFFF;
	_ =	strace $0x9FFFFFFF  }
0xc2: {  	(tm) =	ssettm $0x7FFFFFFF  }
0xc3: {  	_ =	shalt  }
tec
execute0_lowered:
.L_overlay_start_1:
0x0: {  	(tag) =	ssettag $0x1  }
0x1: {  	s0 =	srdreg.scid  }
0x2: {  	s9 =	stileid.u32;
	s5 =	rddreg [dreg:$0x0]  }
0x3: {  	s2 =	rddreg [dreg:$0x1];
	s3 =	simm.s32 $0x0;
	s13 =	simm.s32 $0x2800  }
0x4: {  	s14 =	simm.s32 $0x9;
	s15 =	simm.s32 $0x7D;
	s16 =	simm.s32 $0x5000  }
0x5: {  	s18 =	simm.s32 $0x7328;
	s19 =	simm.s32 $0xA;
	s21 =	simm.s32 $0x9650  }
0x6: {  	s22 =	simm.s32 $0x1;
	s24 =	simm.s32 $0xB978;
	s25 =	simm.s32 $0x2  }
0x7: {  	s28 =	simm.s32 $0x5;
	s30 =	simm.s32 $0x3;
	s17 =	simm.s32 $0x4  }
0x8: {  	s23 =	simm.s32 $0x7;
	s26 =	simm.s32 $0x8;
	s20 =	simm.s32 $0x0  }
0x9: {  	s0 =	sand.u32 $0x1, s0;
	s6 =	smul.u32 $0xB400, s9;
	[smem:$0x7FF] =	sst s3  }
0xa: {  	s4 =	sadd.s32 $0x3DE00, s5;
	s1 =	sshll.u32 s0, $0x4;
	s7 =	smul.u32 $0xB4000, s0  }
0xb: {  	_ =	strace $0x80000047;
	s0 =	ssub.s32 $0x2, s0;
	s1 =	sor.u32 s9, s1  }
0xc: {  	s8 =	sshrl.u32 s6, $0x3;
	s29 =	sshrl.u32 s0, $0x1;
	s12 =	sadd.s32 s6, s2  }
0xd: {  	s1 =	smul.u32 $0x500, s1;
	s7 =	sadd.s32 s6, s7;
	s8 =	sadd.s32 s8, s5  }
0xe: {  	s0 =	ssub.s32 s0, s29;
	s12 =	sshrl.u32 s12, $0x3;
	s7 =	sshrl.u32 s7, $0x3  }
0xf: {  	s31 =	sadd.s32 $0x53E00, s8;
	s11 =	smax.u32 s0, $0x1;
	s0 =	simm.s32 $0xB  }
0x10: {  	s1 =	sadd.s32 s1, s5;
	s10 =	sadd.s32 s7, s5;
	s5 =	sshll.u32 s9, $0x6  }
0x11: {  	[dreg:$0x3] =	wrdreg s31;
	s7 =	sor.u32 $0x1C0A, s5;
	s8 =	sadd.s32 $0xCC00, s1  }
0x12: {  	s9 =	sadd.s32 $0x2C00, s1;
	s10 =	sadd.s32 $0x6A600, s10;
	s1 =	simm.s32 $0x6  }
.LBB2_1:
0x13: {  	s6 =	rddreg [dreg:$0x3]  }
0x14: {  	[spmem:s12], [sflag:s7] =	dma.local [hbm:s6], $0x1680  }
0x15: {  	[tilespmem:s3], [sflag:$0x9] =	stream.linear.gather [hbm4b:s8+s3], $0x2800, $0x38;
	[tilespmem:$0x190A0] =	vst v63  }
0x16: {  	_ = 	snop  }
0x17: {  	[tilespmem:s13], [sflag:$0x9] =	stream.linear.gather [hbm4b:s9+s3], $0x2800, $0x38;
	[tilespmem:$0x190A0] =	vst v63  }
0x18: {  	_ =	swait.ge [sflag:s14], $0x2800  }
0x19: {  	[sflag:s14] =	ssyncset.done $0x0  }
0x1a: {  	[sflag:s14] =	ssyncadd.s32 $0xFFFFD800  }
0x1b: {  	_ =	swait.ge [sflag:s14], $0x2800  }
0x1c: {  	[sflag:s14] =	ssyncset.done $0x0  }
0x1d: {  	[sflag:s14] =	ssyncadd.s32 $0xFFFFD800  }
0x1e: {  	[tilespmem:s16], [sflag:$0x1] =	stream.indirect.gather [hbm4b:s4+s15], $0x48, s3, s15, $0xb8;
	[tilespmem:$0x190A0] =	vst v63  }
0x1f: {  	s6 =	simm.s32 $0x80  }
0x20: {  	[tilespmem:s18], [sflag:$0x2] =	stream.indirect.gather [hbm4b:s4+s15], $0x48, s6, s15, $0xb8;
	[tilespmem:$0x190A0] =	vst v63  }
0x21: {  	_ =	swait.ge [sflag:s19], $0x1680  }
0x22: {  	[sflag:s19] =	ssyncset.done $0x0  }
0x23: {  	[sflag:s19] =	ssyncadd.s32 $0xFFFFE980  }
0x24: {  	s6 =	simm.s32 $0x100;
	[bflag:$0x0] =	sbarrier.arrive $0xFFFF  }
0x25: {  	[tilespmem:s21], [sflag:$0x3] =	stream.indirect.gather [hbm4b:s4+s15], $0x48, s6, s15, $0xb8;
	[tilespmem:$0x190A0] =	vst v63  }
0x26: {  	_ =	swait.ge [sflag:s22], $0x2328  }
0x27: {  	[sflag:s22] =	ssyncset.done $0x0  }
0x28: {  	[sflag:s22] =	ssyncadd.s32 $0xFFFFDCD8  }
0x29: {  	[spmem:s2] =	stream.indirect.scatter.add.f32 [tilespmem:s16], [sflag:$0x5], $0x48, s13, s15, $0xb8;
	[tilespmem:$0x190A0] =	vst v63  }
0x2a: {  	s6 =	simm.s32 $0x180  }
0x2b: {  	[tilespmem:s24], [sflag:$0x4] =	stream.indirect.gather [hbm4b:s4+s15], $0x48, s6, s15, $0xb8;
	[tilespmem:$0x190A0] =	vst v63  }
0x2c: {  	_ =	swait.ge [sflag:s25], $0x2328  }
0x2d: {  	[sflag:s25] =	ssyncset.done $0x0  }
0x2e: {  	s6 =	simm.s32 $0x2880;
	[sflag:s25] =	ssyncadd.s32 $0xFFFFDCD8  }
0x2f: {  	[spmem:s2] =	stream.indirect.scatter.add.f32 [tilespmem:s18], [sflag:$0x6], $0x48, s6, s15, $0xb8;
	[tilespmem:$0x190A0] =	vst v63  }
0x30: {  	_ =	swait.ge [sflag:s28], $0x2328  }
0x31: {  	[sflag:s28] =	ssyncset.done $0x0  }
0x32: {  	s6 =	simm.s32 $0x200;
	[sflag:s28] =	ssyncadd.s32 $0xFFFFDCD8  }
0x33: {  	[tilespmem:s16], [sflag:$0x1] =	stream.indirect.gather [hbm4b:s4+s15], $0x48, s6, s15, $0xb8;
	[tilespmem:$0x190A0] =	vst v63  }
0x34: {  	_ =	swait.ge [sflag:s30], $0x2328  }
0x35: {  	[sflag:s30] =	ssyncset.done $0x0  }
0x36: {  	s6 =	simm.s32 $0x2900;
	[sflag:s30] =	ssyncadd.s32 $0xFFFFDCD8  }
0x37: {  	[spmem:s2] =	stream.indirect.scatter.add.f32 [tilespmem:s21], [sflag:$0x7], $0x48, s6, s15, $0xb8;
	[tilespmem:$0x190A0] =	vst v63  }
0x38: {  	_ =	swait.ge [sflag:s1], $0x2328  }
0x39: {  	[sflag:s1] =	ssyncset.done $0x0  }
0x3a: {  	s6 =	simm.s32 $0x280;
	[sflag:s1] =	ssyncadd.s32 $0xFFFFDCD8  }
0x3b: {  	[tilespmem:s18], [sflag:$0x2] =	stream.indirect.gather [hbm4b:s4+s15], $0x48, s6, s15, $0xb8;
	[tilespmem:$0x190A0] =	vst v63  }
0x3c: {  	_ =	swait.ge [sflag:s17], $0x2328  }
0x3d: {  	[sflag:s17] =	ssyncset.done $0x0  }
0x3e: {  	s6 =	simm.s32 $0x2980;
	[sflag:s17] =	ssyncadd.s32 $0xFFFFDCD8  }
0x3f: {  	[spmem:s2] =	stream.indirect.scatter.add.f32 [tilespmem:s24], [sflag:$0x8], $0x48, s6, s15, $0xb8;
	[tilespmem:$0x190A0] =	vst v63  }
0x40: {  	_ =	swait.ge [sflag:s23], $0x2328  }
0x41: {  	[sflag:s23] =	ssyncset.done $0x0  }
0x42: {  	s29 =	simm.s32 $0x300;
	[sflag:s23] =	ssyncadd.s32 $0xFFFFDCD8  }
0x43: {  	[tilespmem:s21], [sflag:$0x3] =	stream.indirect.gather [hbm4b:s4+s15], $0x48, s29, s15, $0xb8;
	[tilespmem:$0x190A0] =	vst v63  }
0x44: {  	_ =	swait.ge [sflag:s22], $0x2328  }
0x45: {  	[sflag:s22] =	ssyncset.done $0x0  }
0x46: {  	s29 =	simm.s32 $0x2A00;
	[sflag:s22] =	ssyncadd.s32 $0xFFFFDCD8  }
0x47: {  	[spmem:s2] =	stream.indirect.scatter.add.f32 [tilespmem:s16], [sflag:$0x5], $0x48, s29, s15, $0xb8;
	[tilespmem:$0x190A0] =	vst v63  }
0x48: {  	_ =	swait.ge [sflag:s26], $0x2328  }
0x49: {  	[sflag:s26] =	ssyncset.done $0x0  }
0x4a: {  	s29 =	simm.s32 $0x380;
	[sflag:s26] =	ssyncadd.s32 $0xFFFFDCD8  }
0x4b: {  	[tilespmem:s24], [sflag:$0x4] =	stream.indirect.gather [hbm4b:s4+s15], $0x48, s29, s15, $0xb8;
	[tilespmem:$0x190A0] =	vst v63  }
0x4c: {  	_ =	swait.ge [sflag:s25], $0x2328  }
0x4d: {  	[sflag:s25] =	ssyncset.done $0x0  }
0x4e: {  	s29 =	simm.s32 $0x2A80;
	[sflag:s25] =	ssyncadd.s32 $0xFFFFDCD8  }
0x4f: {  	[spmem:s2] =	stream.indirect.scatter.add.f32 [tilespmem:s18], [sflag:$0x6], $0x48, s29, s15, $0xb8;
	[tilespmem:$0x190A0] =	vst v63  }
0x50: {  	_ =	swait.ge [sflag:s28], $0x2328  }
0x51: {  	[sflag:s28] =	ssyncset.done $0x0  }
0x52: {  	s29 =	simm.s32 $0x400;
	[sflag:s28] =	ssyncadd.s32 $0xFFFFDCD8  }
0x53: {  	[tilespmem:s16], [sflag:$0x1] =	stream.indirect.gather [hbm4b:s4+s15], $0x48, s29, s15, $0xb8;
	[tilespmem:$0x190A0] =	vst v63  }
0x54: {  	_ =	swait.ge [sflag:s30], $0x2328  }
0x55: {  	[sflag:s30] =	ssyncset.done $0x0  }
0x56: {  	s29 =	simm.s32 $0x2B00;
	[sflag:s30] =	ssyncadd.s32 $0xFFFFDCD8  }
0x57: {  	[spmem:s2] =	stream.indirect.scatter.add.f32 [tilespmem:s21], [sflag:$0x7], $0x48, s29, s15, $0xb8;
	[tilespmem:$0x190A0] =	vst v63  }
0x58: {  	_ =	swait.ge [sflag:s1], $0x2328  }
0x59: {  	[sflag:s1] =	ssyncset.done $0x0  }
0x5a: {  	s29 =	simm.s32 $0x480;
	[sflag:s1] =	ssyncadd.s32 $0xFFFFDCD8  }
0x5b: {  	[tilespmem:s18], [sflag:$0x2] =	stream.indirect.gather [hbm4b:s4+s15], $0x48, s29, s15, $0xb8;
	[tilespmem:$0x190A0] =	vst v63  }
0x5c: {  	_ =	swait.ge [sflag:s17], $0x2328  }
0x5d: {  	[sflag:s17] =	ssyncset.done $0x0  }
0x5e: {  	s31 =	simm.s32 $0x2B80;
	s29 =	simm.s32 $0x800;
	[sflag:s17] =	ssyncadd.s32 $0xFFFFDCD8  }
.LBB2_2:
0x5f: {  	[spmem:s2] =	stream.indirect.scatter.add.f32 [tilespmem:s24], [sflag:$0x8], $0x48, s31, s15, $0xb8;
	[tilespmem:$0x190A0] =	vst v63  }
0x60: {  	s31 =	smov.u32 s29  }
0x61: {  	p0 =	sne.s32 s29, $0x8800;
	s29 =	sadd.s32 $0x800, s29;
	_ =	swait.ge [sflag:s23], $0x2328  }
0x62: {  	s31 =	sshra.s32 s31, $0x2;
	[sflag:s23] =	ssyncset.done $0x0  }
0x63: {  	s6 =	sadd.s32 $0x300, s31;
	[sflag:s23] =	ssyncadd.s32 $0xFFFFDCD8  }
0x64: {  	[tilespmem:s21], [sflag:$0x3] =	stream.indirect.gather [hbm4b:s4+s15], $0x48, s6, s15, $0xb8;
	[tilespmem:$0x190A0] =	vst v63  }
0x65: {  	_ =	swait.ge [sflag:s22], $0x2328  }
0x66: {  	[sflag:s22] =	ssyncset.done $0x0  }
0x67: {  	s6 =	sadd.s32 $0x2A00, s31;
	[sflag:s22] =	ssyncadd.s32 $0xFFFFDCD8  }
0x68: {  	[spmem:s2] =	stream.indirect.scatter.add.f32 [tilespmem:s16], [sflag:$0x5], $0x48, s6, s15, $0xb8;
	[tilespmem:$0x190A0] =	vst v63  }
0x69: {  	_ =	swait.ge [sflag:s26], $0x2328  }
0x6a: {  	[sflag:s26] =	ssyncset.done $0x0  }
0x6b: {  	s6 =	sadd.s32 $0x380, s31;
	[sflag:s26] =	ssyncadd.s32 $0xFFFFDCD8  }
0x6c: {  	[tilespmem:s24], [sflag:$0x4] =	stream.indirect.gather [hbm4b:s4+s15], $0x48, s6, s15, $0xb8;
	[tilespmem:$0x190A0] =	vst v63  }
0x6d: {  	_ =	swait.ge [sflag:s25], $0x2328  }
0x6e: {  	[sflag:s25] =	ssyncset.done $0x0  }
0x6f: {  	s6 =	sadd.s32 $0x2A80, s31;
	[sflag:s25] =	ssyncadd.s32 $0xFFFFDCD8  }
0x70: {  	[spmem:s2] =	stream.indirect.scatter.add.f32 [tilespmem:s18], [sflag:$0x6], $0x48, s6, s15, $0xb8;
	[tilespmem:$0x190A0] =	vst v63  }
0x71: {  	_ =	swait.ge [sflag:s28], $0x2328  }
0x72: {  	[sflag:s28] =	ssyncset.done $0x0  }
0x73: {  	s6 =	sadd.s32 $0x400, s31;
	[sflag:s28] =	ssyncadd.s32 $0xFFFFDCD8  }
0x74: {  	[tilespmem:s16], [sflag:$0x1] =	stream.indirect.gather [hbm4b:s4+s15], $0x48, s6, s15, $0xb8;
	[tilespmem:$0x190A0] =	vst v63  }
0x75: {  	_ =	swait.ge [sflag:s30], $0x2328  }
0x76: {  	[sflag:s30] =	ssyncset.done $0x0  }
0x77: {  	s6 =	sadd.s32 $0x2B00, s31;
	[sflag:s30] =	ssyncadd.s32 $0xFFFFDCD8  }
0x78: {  	[spmem:s2] =	stream.indirect.scatter.add.f32 [tilespmem:s21], [sflag:$0x7], $0x48, s6, s15, $0xb8;
	[tilespmem:$0x190A0] =	vst v63  }
0x79: {  	_ =	swait.ge [sflag:s1], $0x2328  }
0x7a: {  	[sflag:s1] =	ssyncset.done $0x0  }
.Ltmp0:
0x7b: {  	s6 =	sadd.s32 $0x480, s31;
	[sflag:s1] =	ssyncadd.s32 $0xFFFFDCD8;
	(pc) =	sbr.rel @p0 .LBB2_2-.Ltmp0, $4  }
0x7c: {  	[tilespmem:s18], [sflag:$0x2] =	stream.indirect.gather [hbm4b:s4+s15], $0x48, s6, s15, $0xb8;
	[tilespmem:$0x190A0] =	vst v63  }
0x7d: {  	_ =	swait.ge [sflag:s17], $0x2328  }
0x7e: {  	[sflag:s17] =	ssyncset.done $0x0  }
0x7f: {  	s31 =	sadd.s32 $0x2B80, s31;
	[sflag:s17] =	ssyncadd.s32 $0xFFFFDCD8  }
0x80: {  	[spmem:s2] =	stream.indirect.scatter.add.f32 [tilespmem:s24], [sflag:$0x8], $0x48, s31, s15, $0xb8;
	[tilespmem:$0x190A0] =	vst v63  }
0x81: {  	_ =	swait.ge [sflag:s23], $0x2328  }
0x82: {  	[sflag:s23] =	ssyncset.done $0x0  }
0x83: {  	s6 =	simm.s32 $0x2700;
	[sflag:s23] =	ssyncadd.s32 $0xFFFFDCD8  }
0x84: {  	[tilespmem:s21], [sflag:$0x3] =	stream.indirect.gather [hbm4b:s4+s15], $0x48, s6, s15, $0xb8;
	[tilespmem:$0x190A0] =	vst v63  }
0x85: {  	_ =	swait.ge [sflag:s22], $0x2328  }
0x86: {  	[sflag:s22] =	ssyncset.done $0x0  }
0x87: {  	s29 =	simm.s32 $0x4E00;
	[sflag:s22] =	ssyncadd.s32 $0xFFFFDCD8  }
0x88: {  	[spmem:s2] =	stream.indirect.scatter.add.f32 [tilespmem:s16], [sflag:$0x5], $0x48, s29, s15, $0xb8;
	[tilespmem:$0x190A0] =	vst v63  }
0x89: {  	_ =	swait.ge [sflag:s26], $0x2328  }
0x8a: {  	[sflag:s26] =	ssyncset.done $0x0  }
0x8b: {  	s31 =	simm.s32 $0x2780;
	[sflag:s26] =	ssyncadd.s32 $0xFFFFDCD8  }
0x8c: {  	[tilespmem:s24], [sflag:$0x4] =	stream.indirect.gather [hbm4b:s4+s15], $0x48, s31, s15, $0xb8;
	[tilespmem:$0x190A0] =	vst v63  }
0x8d: {  	_ =	swait.ge [sflag:s25], $0x2328  }
0x8e: {  	[sflag:s25] =	ssyncset.done $0x0  }
0x8f: {  	s29 =	simm.s32 $0x4E80;
	[sflag:s25] =	ssyncadd.s32 $0xFFFFDCD8  }
0x90: {  	[spmem:s2] =	stream.indirect.scatter.add.f32 [tilespmem:s18], [sflag:$0x6], $0x48, s29, s15, $0xb8;
	[tilespmem:$0x190A0] =	vst v63  }
0x91: {  	_ =	swait.ge [sflag:s30], $0x2328  }
0x92: {  	[sflag:s30] =	ssyncset.done $0x0  }
0x93: {  	s31 =	simm.s32 $0x4F00;
	[sflag:s30] =	ssyncadd.s32 $0xFFFFDCD8  }
0x94: {  	[spmem:s2] =	stream.indirect.scatter.add.f32 [tilespmem:s21], [sflag:$0x7], $0x48, s31, s15, $0xb8;
	[tilespmem:$0x190A0] =	vst v63  }
0x95: {  	_ =	swait.ge [sflag:s17], $0x2328  }
0x96: {  	[sflag:s17] =	ssyncset.done $0x0  }
0x97: {  	s29 =	simm.s32 $0x4F80;
	[sflag:s17] =	ssyncadd.s32 $0xFFFFDCD8  }
0x98: {  	[spmem:s2] =	stream.indirect.scatter.add.f32 [tilespmem:s24], [sflag:$0x8], $0x48, s29, s15, $0xb8;
	[tilespmem:$0x190A0] =	vst v63  }
0x99: {  	_ =	swait.ge [sflag:s28], $0x2328  }
0x9a: {  	[sflag:s28] =	ssyncset.done $0x0  }
0x9b: {  	[sflag:s28] =	ssyncadd.s32 $0xFFFFDCD8  }
0x9c: {  	_ =	swait.ge [sflag:s1], $0x2328  }
0x9d: {  	[sflag:s1] =	ssyncset.done $0x0  }
0x9e: {  	[sflag:s1] =	ssyncadd.s32 $0xFFFFDCD8  }
0x9f: {  	_ =	swait.ge [sflag:s23], $0x2328  }
0xa0: {  	[sflag:s23] =	ssyncset.done $0x0  }
0xa1: {  	[sflag:s23] =	ssyncadd.s32 $0xFFFFDCD8  }
0xa2: {  	_ =	swait.ge [sflag:s26], $0x2328  }
0xa3: {  	s20 =	sadd.s32 $0x1, s20;
	[sflag:s26] =	ssyncset.done $0x0  }
0xa4: {  	p0 =	sne.s32 s20, s11;
	[sflag:s26] =	ssyncadd.s32 $0xFFFFDCD8  }
.Ltmp1:
0xa5: {  	s31 =	sor.u32 $0x1C0B, s5;
	[bflag:$0x0] =	sbarrier.arrive $0xFFFF;
	(pc) =	sbr.rel @p0 .LBB2_1-.Ltmp1, $4  }
0xa6: {  	[hbm:s10], [sflag:s31] =	dma.local [spmem:s12], $0x1680  }
0xa7: {  	_ =	swait.ge [sflag:s0], $0x1680  }
0xa8: {  	[sflag:s0] =	ssyncset.done $0x0  }
0xa9: {  	[sflag:s0] =	ssyncadd.s32 $0xFFFFE980  }
0xaa: {  	_ =	sfence.sel $0x180000  }
0xab: {  	[bflag:$0x0] =	sbarrier.arrive $0xFFFF  }
0xac: {  	_ =	strace $0x90000047  }
0xad: {  	s0 =	stileid.u32;
	[bflag:$0x2] =	sbarrier.arrive $0xFFFF  }
0xae: {  	p0 =	sne.s32 s0, $0x0;
	s0 =	rddreg [dreg:$0x2]  }
0xaf: {  	s0 =	sadd.s32 @!p0 $0x100000, s0  }
0xb0: {  	[sflag:s0] =	ssyncadd.tile.s32 @!p0 $0x1;
	_ =	shalt  }
.Lfunc_end2:
_tile_overlayer_lowered:
.L_overlay_start_2:
0xb1: {  	(tag) =	ssettag $0x2  }
0xb2: {  	s0 =	rddreg [dreg:$0x0];
	s2 =	stileid.u32  }
0xb3: {  	s1 =	rddreg [dreg:$0x1];
	p0 =	sne.s32 s2, $0x0  }
0xb4: {  	s3 =	rddreg [dreg:$0x2];
	[bflag:$0x3] =	sbarrier.arrive $0xFFFF;
	s2 =	simm.s32 @!p0 $0x1C0B  }
0xb5: {  	[timem:s3], [sflag:s2] =	dma.local @!p0 [hbm:s0], s1  }
0xb6: {  	s0 =	simm.s32 @!p0 $0xB  }
0xb7: {  	_ =	swait.ge @!p0 [sflag:s0], s1  }
0xb8: {  	s1 =	ssub.s32 @!p0 $0x0, s1;
	[sflag:s0] =	ssyncset.done @!p0 $0x0  }
0xb9: {  	[sflag:s0] =	ssyncadd.s32 @!p0 s1  }
0xba: {  	[bflag:$0x3] =	sbarrier.arrive $0xFFFF  }
0xbb: {  	_ =	shalt  }

// kernel: kernel.14.cloned.1.call-start
scs
__scs_entry_jumppad:
0x0: {  	(pc) =	sbr.rel $0x88, $3  }
0x1: {  	(tag) =	ssettag $0x0;
	lr =	simm.s32 $0x1  }
0x2: {  	[smem:$0x3F93] =	sst lr;
	_ =	strace $0xD0000000  }
0x3: {  	_ = 	snop  }
0x4: {  	_ = 	snop  }
0x5: {  	_ = 	snop  }
0x6: {  	_ = 	snop  }
0x7: {  	_ = 	snop  }
__scs_overlays_trampoline_lowered:
0x8: {  	[smem:$0x3FA2] =	sst s0  }
0x9: {  	[smem:$0x3FA3] =	sst s1  }
0xa: {  	[smem:$0x3FA4] =	sst s2  }
0xb: {  	[smem:$0x3FA5] =	sst s3  }
0xc: {  	[smem:$0x3FA6] =	sst s4  }
0xd: {  	[smem:$0x3FA7] =	sst s5  }
0xe: {  	[smem:$0x3FA8] =	sst s6  }
0xf: {  	[smem:$0x3FA9] =	sst s7  }
0x10: {  	[smem:$0x3FAA] =	sst s8  }
0x11: {  	[smem:$0x3FAB] =	sst s9;
	s0 =	simm.s32 @!p0 $0x0  }
0x12: {  	s1 =	sld [smem:$0x3F91];
	s0 =	simm.s32 @p0 $0x1  }
0x13: {  	[smem:$0x3FAC] =	sst s0;
	s0 =	simm.s32 @!p1 $0x0  }
0x14: {  	s2 =	sld [smem:$0x3F90];
	s0 =	simm.s32 @p1 $0x1  }
0x15: {  	[smem:$0x3FAD] =	sst s0;
	s0 =	simm.s32 @!p2 $0x0  }
0x16: {  	s3 =	sld [smem:$0x3FDB];
	s0 =	simm.s32 @p2 $0x1  }
0x17: {  	s4 =	simm.s32 $0x1BF5;
	[smem:$0x3FAF] =	sst s0  }
0x18: {  	s0 =	sld [smem:$0x3F92];
	_ =	swait.ge [sflag:s4], $0x0  }
0x19: {  	s7 =	sld [smem:$0x3F93]  }
0x1a: {  	s8 =	sadd.s32 $0xFFFFE003, lr  }
0x1b: {  	s9 =	sadd.s32 $0xFFFFFEF7, lr;
	s5 =	simm.s32 $0xFFFFFFFF;
	p2 =	slt.u32 s8, $0xFFFFF086  }
0x1c: {  	p1 =	slt.u32 s9, $0xF7A;
	s5 =	simm.s32 @!p2 $0x0  }
0x1d: {  	s5 =	simm.s32 @p1 $0x1;
	p0 =	seq.s32 s7, s2  }
0x1e: {  	s7 =	smul.u32 @!p0 $0xF7A, s2;
	p2 =	seq.s32 @!p0 s5, $0x0  }
0x1f: {  	s9 =	smul.u32 $0xF7A, s1;
	s8 =	simm.s32 @!p0 $0x1BF5;
	p2 =	por !p2, p0  }
0x20: {  	[sflag:s8] =	ssyncset.s32 @!p0 $0xFFFFF086;
	s6 =	sadd.s32 @!p0 s3, s7;
	s7 =	simm.s32 @!p0 $0x108  }
0x21: {  	s3 =	sadd.s32 s3, s9;
	s6 =	sadd.s32 @!p0 $0x88, s6;
	s7 =	simm.s32 @p2 $0x1082  }
0x22: {  	[simem:s7], [sflag:s8] =	dma.local @!p0 [hbm:s6], $0xF7A  }
0x23: {  	s9 =	sor.u32 $0xD0000000, s2;
	s6 =	simm.s32 $0x108;
	_ =	swait.ge @!p0 [sflag:s8], $0x0  }
0x24: {  	s3 =	sadd.s32 $0x88, s3;
	s6 =	simm.s32 @!p1 $0x1082;
	[sflag:s4] =	ssyncset.s32 $0xFFFFF086  }
0x25: {  	[simem:s6], [sflag:s4] =	dma.local [hbm:s3], $0xF7A  }
0x26: {  	[smem:$0x3F93] =	sst s1;
	(tag) =	ssettag s2;
	_ =	strace s9  }
0x27: {  	s1 =	sld [smem:$0x3FA3]  }
0x28: {  	s2 =	sld [smem:$0x3FA4]  }
0x29: {  	s4 =	sld [smem:$0x3FA6]  }
0x2a: {  	p0 =	seq.s32 s5, $0x0;
	s5 =	sld [smem:$0x3FA7]  }
0x2b: {  	s6 =	sld [smem:$0x3FA8]  }
0x2c: {  	s7 =	sld [smem:$0x3FA9]  }
0x2d: {  	s3 =	simm.s32 $0x108;
	s8 =	sld [smem:$0x3FAA]  }
0x2e: {  	s3 =	simm.s32 @!p0 $0x1082;
	s9 =	sld [smem:$0x3FAB]  }
0x2f: {  	lr =	sadd.s32 s0, s3;
	s0 =	sld [smem:$0x3FA2]  }
0x30: {  	s3 =	sld [smem:$0x3FA5]  }
0x31: {  	[smem:$0x3FAE] =	sst s10  }
0x32: {  	s10 =	sld [smem:$0x3FAC];
	_ =	sdelay $0x3  }
0x33: {  	p0 =	seq.s32 s10, $0x1;
	s10 =	sld [smem:$0x3FAE];
	_ =	sdelay $0x3  }
0x34: {  	[smem:$0x3FAE] =	sst s10  }
0x35: {  	s10 =	sld [smem:$0x3FAD];
	_ =	sdelay $0x3  }
0x36: {  	p1 =	seq.s32 s10, $0x1;
	s10 =	sld [smem:$0x3FAE];
	_ =	sdelay $0x3  }
0x37: {  	[smem:$0x3FAE] =	sst s10  }
0x38: {  	s10 =	sld [smem:$0x3FAF]  }
0x39: {  	_ = 	snop;
	(pc) =	sbr.ind lr, $3  }
0x3a: {  	_ = 	snop  }
0x3b: {  	_ = 	snop  }
0x3c: {  	p2 =	seq.s32 s10, $0x1;
	s10 =	sld [smem:$0x3FAE]  }
0x3d: {  	_ =	shalt  }
0x3e: {  	_ =	shalt  }
0x3f: {  	_ =	shalt  }
0x40: {  	_ =	shalt  }
0x41: {  	_ =	shalt  }
0x42: {  	_ =	shalt  }
0x43: {  	_ =	shalt  }
0x44: {  	_ =	shalt  }
0x45: {  	_ =	shalt  }
0x46: {  	_ =	shalt  }
0x47: {  	_ =	shalt  }
0x48: {  	_ =	shalt  }
0x49: {  	_ =	shalt  }
0x4a: {  	_ =	shalt  }
0x4b: {  	_ =	shalt  }
0x4c: {  	_ =	shalt  }
0x4d: {  	_ =	shalt  }
0x4e: {  	_ =	shalt  }
0x4f: {  	_ =	shalt  }
0x50: {  	_ =	shalt  }
0x51: {  	_ =	shalt  }
0x52: {  	_ =	shalt  }
0x53: {  	_ =	shalt  }
0x54: {  	_ =	shalt  }
0x55: {  	_ =	shalt  }
0x56: {  	_ =	shalt  }
0x57: {  	_ =	shalt  }
0x58: {  	_ =	shalt  }
0x59: {  	_ =	shalt  }
0x5a: {  	_ =	shalt  }
0x5b: {  	_ =	shalt  }
0x5c: {  	_ =	shalt  }
0x5d: {  	_ =	shalt  }
0x5e: {  	_ =	shalt  }
0x5f: {  	_ =	shalt  }
0x60: {  	_ =	shalt  }
0x61: {  	_ =	shalt  }
0x62: {  	_ =	shalt  }
0x63: {  	_ =	shalt  }
0x64: {  	_ =	shalt  }
0x65: {  	_ =	shalt  }
0x66: {  	_ =	shalt  }
0x67: {  	_ =	shalt  }
0x68: {  	_ =	shalt  }
0x69: {  	_ =	shalt  }
0x6a: {  	_ =	shalt  }
0x6b: {  	_ =	shalt  }
0x6c: {  	_ =	shalt  }
0x6d: {  	_ =	shalt  }
0x6e: {  	_ =	shalt  }
0x6f: {  	_ =	shalt  }
0x70: {  	_ =	shalt  }
0x71: {  	_ =	shalt  }
0x72: {  	_ =	shalt  }
0x73: {  	_ =	shalt  }
0x74: {  	_ =	shalt  }
0x75: {  	_ =	shalt  }
0x76: {  	_ =	shalt  }
0x77: {  	_ =	shalt  }
0x78: {  	_ =	shalt  }
0x79: {  	_ =	shalt  }
0x7a: {  	_ =	shalt  }
0x7b: {  	_ =	shalt  }
0x7c: {  	_ =	shalt  }
0x7d: {  	_ =	shalt  }
0x7e: {  	_ =	shalt  }
0x7f: {  	_ =	shalt  }
0x80: {  	_ =	shalt  }
0x81: {  	_ =	shalt  }
0x82: {  	_ =	shalt  }
0x83: {  	_ =	shalt  }
0x84: {  	_ =	shalt  }
0x85: {  	_ =	shalt  }
0x86: {  	_ =	shalt  }
0x87: {  	_ =	shalt  }
.Lfunc_end0:
.L_simem_size_0:
called_computation.1_lowered:
.L_overlay_start_0:
0x88: {  	s2 =	sld [smem:$0x3FD9]  }
0x89: {  	s3 =	sld [smem:$0x3FFE];
	_ =	sdelay $0x1  }
0x8a: {  	s1 =	srdreg.scid  }
0x8b: {  	s0 =	sand.u32 $0x1, s1  }
0x8c: {  	s16 =	sshll.u32 s0, $0xA;
	s2 =	sadd.s32 s3, s2  }
0x8d: {  	s2 =	sadd.s32 s2, s16  }
0x8e: {  	[smem:$0x3FBA] =	sst s2  }
0x8f: {  	_ = 	snop  }
0x90: {  	(tm) =	ssettm $0x1  }
0x91: {  	s17 =	sld [smem:$0x3FFB];
	_ =	sdelay $0x3  }
0x92: {  	_ =	strace s17  }
0x93: {  	s2 =	sld [smem:$0x3FFC];
	_ =	sdelay $0x3  }
0x94: {  	_ =	strace s2  }
0x95: {  	s2 =	sld [smem:$0x3FFD];
	_ =	sdelay $0x3  }
0x96: {  	_ =	strace s2  }
0x97: {  	_ =	strace $0x8FFFFFFF  }
0x98: {  	s18 =	sld [smem:$0x3FDB];
	_ =	sdelay $0x1  }
0x99: {  	s19 =	simm.s32 $_scs_section_size  }
0x9a: {  	s4 =	simm.s32 $_size__tile_overlayer_lowered;
	s5 =	simm.s32 $_tile_overlayer_lowered  }
0x9b: {  	s22 =	simm.s32 $0x1BFF;
	s21 =	sshll.u32 s5, $0x1;
	s2 =	sadd.s32 s19, s18  }
0x9c: {  	s6 =	simm.s32 $0x0;
	s20 =	sshll.u32 s4, $0x1;
	s4 =	sadd.s32 s21, s2  }
0x9d: {  	[timem:s6], [sflag:s22] =	dma.local [hbm:s4], s20  }
0x9e: {  	_ =	swait.ge [sflag:s22], s20  }
0x9f: {  	s3 =	ssub.s32 $0x0, s20;
	[sflag:s22] =	ssyncset.done $0x0  }
0xa0: {  	[sflag:s22] =	ssyncadd.s32 s3;
	_ =	sdelay $0x1  }
0xa1: {  	s23 =	simm.s32 $0x1B8B  }
0xa2: {  	_ =	swait.ge [sflag:s23], $0x1  }
0xa3: {  	[sflag:s23] =	ssyncset.done $0x0  }
0xa4: {  	s25 =	simm.s32 $0x1B8E;
	s24 =	sld [smem:$0x3FFE];
	[sflag:s23] =	ssyncadd.s32 $0xFFFFFFFF  }
0xa5: {  	s26 =	simm.s32 $execute0_lowered;
	[smem:$0x3FD2] =	sst s25  }
0xa6: {  	s4 =	sshll.u32 s26, $0x1;
	_ =	strace $0x80000049;
	[dreg:$0x1] =	wrdreg $0xFFFFFFFF  }
0xa7: {  	s28 =	simm.s32 $_size_execute0_lowered;
	s2 =	sadd.s32 s2, s4;
	[dreg:$0x0] =	wrdreg $0x0  }
0xa8: {  	s4 =	sshll.u32 s28, $0x1;
	[dreg:$0x2] =	wrdreg s2  }
0xa9: {  	[dreg:$0x3] =	wrdreg s4  }
0xaa: {  	[dreg:$0x4] =	wrdreg $0xC0  }
0xab: {  	_ =	task [dreg:s6], $0x5FFFF  }
0xac: {  	[dreg:$0x1] =	wrdreg $0xFFFFFFFF  }
0xad: {  	[dreg:$0x0] =	wrdreg $0x60  }
0xae: {  	[dreg:$0x2] =	wrdreg s24  }
0xaf: {  	[dreg:$0x3] =	wrdreg $0xCD000  }
0xb0: {  	[dreg:$0x4] =	wrdreg $0x9  }
0xb1: {  	_ =	task.clear_ibuf [dreg:s6], $0x5FFFF;
	_ =	strace $0x90000049  }
0xb2: {  	s29 =	simm.s32 $0x9;
	_ =	strace $0x8000004B  }
0xb3: {  	_ =	swait.ge [sflag:s29], $0x1  }
0xb4: {  	[sflag:s29] =	ssyncadd.s32 $0xFFFFFFFF  }
0xb5: {  	_ =	strace $0x9000004B  }
0xb6: {  	_ =	sfence  }
0xb7: {  	s30 =	sld [smem:$0x0];
	_ =	sdelay $0x2  }
0xb8: {  	s31 =	sshll.u32 s1, $0xD;
	s1 =	sshrl.u32 s1, $0x2  }
0xb9: {  	s3 =	sand.u32 $0x4000, s31;
	s1 =	sadd.s32 s1, s30  }
0xba: {  	s0 =	sor.u32 s3, s0;
	s1 =	sshll.u32 s1, $0x11  }
0xbb: {  	s0 =	sor.u32 s1, s0  }
0xbc: {  	s0 =	sadd.s32 $0x8F2B, s0  }
0xbd: {  	[sflag:s0] =	ssyncadd.remote.s32 $0x1  }
0xbe: {  	_ =	sfence.sel $0xFFFF  }
0xbf: {  	[dreg:$0x0] =	wrdreg $0xFFFFFFFF;
	(pc) =	sbr.abs _section_cstart, $3  }
0xc0: {  	[dreg:$0x1] =	wrdreg $0xFFFFFFFF  }
0xc1: {  	_ =	task.clear_ibuf [dreg:s6], $0x2FFFF;
	_ =	strace $0x9FFFFFFF  }
0xc2: {  	(tm) =	ssettm $0x7FFFFFFF  }
0xc3: {  	_ =	shalt  }
tec
execute0_lowered:
.L_overlay_start_1:
0x0: {  	(tag) =	ssettag $0x1  }
0x1: {  	s0 =	srdreg.scid  }
0x2: {  	s9 =	stileid.u32;
	s5 =	rddreg [dreg:$0x0]  }
0x3: {  	s2 =	rddreg [dreg:$0x1];
	s3 =	simm.s32 $0x0;
	s13 =	simm.s32 $0x2800  }
0x4: {  	s14 =	simm.s32 $0x9;
	s15 =	simm.s32 $0x7D;
	s16 =	simm.s32 $0x5000  }
0x5: {  	s18 =	simm.s32 $0x6F40;
	s19 =	simm.s32 $0xA;
	s21 =	simm.s32 $0x8E80  }
0x6: {  	s22 =	simm.s32 $0x1;
	s24 =	simm.s32 $0xADC0;
	s25 =	simm.s32 $0x2  }
0x7: {  	s28 =	simm.s32 $0x5;
	s30 =	simm.s32 $0x3;
	s17 =	simm.s32 $0x4  }
0x8: {  	s23 =	simm.s32 $0x7;
	s26 =	simm.s32 $0x8;
	s20 =	simm.s32 $0x0  }
0x9: {  	s0 =	sand.u32 $0x1, s0;
	s6 =	smul.u32 $0xA000, s9;
	[smem:$0x7FF] =	sst s3  }
0xa: {  	s4 =	sadd.s32 $0x16C00, s5;
	s1 =	sshll.u32 s0, $0x4;
	s7 =	smul.u32 $0xA0000, s0  }
0xb: {  	_ =	strace $0x8000004A;
	s0 =	ssub.s32 $0x2, s0;
	s1 =	sor.u32 s9, s1  }
0xc: {  	s8 =	sshrl.u32 s6, $0x3;
	s29 =	sshrl.u32 s0, $0x1;
	s12 =	sadd.s32 s6, s2  }
0xd: {  	s1 =	smul.u32 $0x500, s1;
	s7 =	sadd.s32 s6, s7;
	s8 =	sadd.s32 s8, s5  }
0xe: {  	s0 =	ssub.s32 s0, s29;
	s12 =	sshrl.u32 s12, $0x3;
	s7 =	sshrl.u32 s7, $0x3  }
0xf: {  	s31 =	sadd.s32 $0x2A600, s8;
	s11 =	smax.u32 s0, $0x1;
	s0 =	simm.s32 $0xB  }
0x10: {  	s1 =	sadd.s32 s1, s5;
	s10 =	sadd.s32 s7, s5;
	s5 =	sshll.u32 s9, $0x6  }
0x11: {  	[dreg:$0x3] =	wrdreg s31;
	s7 =	sor.u32 $0x1C0A, s5;
	s8 =	sadd.s32 $0xCC00, s1  }
0x12: {  	s9 =	sadd.s32 $0x2C00, s1;
	s10 =	sadd.s32 $0x3E600, s10;
	s1 =	simm.s32 $0x6  }
.LBB2_1:
0x13: {  	s6 =	rddreg [dreg:$0x3]  }
0x14: {  	[spmem:s12], [sflag:s7] =	dma.local [hbm:s6], $0x1400  }
0x15: {  	[tilespmem:s3], [sflag:$0x9] =	stream.linear.gather [hbm4b:s8+s3], $0x2800, $0x38;
	[tilespmem:$0x16D00] =	vst v63  }
0x16: {  	_ = 	snop  }
0x17: {  	[tilespmem:s13], [sflag:$0x9] =	stream.linear.gather [hbm4b:s9+s3], $0x2800, $0x38;
	[tilespmem:$0x16D00] =	vst v63  }
0x18: {  	_ =	swait.ge [sflag:s14], $0x2800  }
0x19: {  	[sflag:s14] =	ssyncset.done $0x0  }
0x1a: {  	[sflag:s14] =	ssyncadd.s32 $0xFFFFD800  }
0x1b: {  	_ =	swait.ge [sflag:s14], $0x2800  }
0x1c: {  	[sflag:s14] =	ssyncset.done $0x0  }
0x1d: {  	[sflag:s14] =	ssyncadd.s32 $0xFFFFD800  }
0x1e: {  	[tilespmem:s16], [sflag:$0x1] =	stream.indirect.gather [hbm4b:s4+s15], $0x40, s3, s15, $0xb8;
	[tilespmem:$0x16D00] =	vst v63  }
0x1f: {  	s6 =	simm.s32 $0x80  }
0x20: {  	[tilespmem:s18], [sflag:$0x2] =	stream.indirect.gather [hbm4b:s4+s15], $0x40, s6, s15, $0xb8;
	[tilespmem:$0x16D00] =	vst v63  }
0x21: {  	_ =	swait.ge [sflag:s19], $0x1400  }
0x22: {  	[sflag:s19] =	ssyncset.done $0x0  }
0x23: {  	[sflag:s19] =	ssyncadd.s32 $0xFFFFEC00  }
0x24: {  	s6 =	simm.s32 $0x100;
	[bflag:$0x0] =	sbarrier.arrive $0xFFFF  }
0x25: {  	[tilespmem:s21], [sflag:$0x3] =	stream.indirect.gather [hbm4b:s4+s15], $0x40, s6, s15, $0xb8;
	[tilespmem:$0x16D00] =	vst v63  }
0x26: {  	_ =	swait.ge [sflag:s22], $0x1F40  }
0x27: {  	[sflag:s22] =	ssyncset.done $0x0  }
0x28: {  	[sflag:s22] =	ssyncadd.s32 $0xFFFFE0C0  }
0x29: {  	[spmem:s2] =	stream.indirect.scatter.add.f32 [tilespmem:s16], [sflag:$0x5], $0x40, s13, s15, $0xb8;
	[tilespmem:$0x16D00] =	vst v63  }
0x2a: {  	s6 =	simm.s32 $0x180  }
0x2b: {  	[tilespmem:s24], [sflag:$0x4] =	stream.indirect.gather [hbm4b:s4+s15], $0x40, s6, s15, $0xb8;
	[tilespmem:$0x16D00] =	vst v63  }
0x2c: {  	_ =	swait.ge [sflag:s25], $0x1F40  }
0x2d: {  	[sflag:s25] =	ssyncset.done $0x0  }
0x2e: {  	s6 =	simm.s32 $0x2880;
	[sflag:s25] =	ssyncadd.s32 $0xFFFFE0C0  }
0x2f: {  	[spmem:s2] =	stream.indirect.scatter.add.f32 [tilespmem:s18], [sflag:$0x6], $0x40, s6, s15, $0xb8;
	[tilespmem:$0x16D00] =	vst v63  }
0x30: {  	_ =	swait.ge [sflag:s28], $0x1F40  }
0x31: {  	[sflag:s28] =	ssyncset.done $0x0  }
0x32: {  	s6 =	simm.s32 $0x200;
	[sflag:s28] =	ssyncadd.s32 $0xFFFFE0C0  }
0x33: {  	[tilespmem:s16], [sflag:$0x1] =	stream.indirect.gather [hbm4b:s4+s15], $0x40, s6, s15, $0xb8;
	[tilespmem:$0x16D00] =	vst v63  }
0x34: {  	_ =	swait.ge [sflag:s30], $0x1F40  }
0x35: {  	[sflag:s30] =	ssyncset.done $0x0  }
0x36: {  	s6 =	simm.s32 $0x2900;
	[sflag:s30] =	ssyncadd.s32 $0xFFFFE0C0  }
0x37: {  	[spmem:s2] =	stream.indirect.scatter.add.f32 [tilespmem:s21], [sflag:$0x7], $0x40, s6, s15, $0xb8;
	[tilespmem:$0x16D00] =	vst v63  }
0x38: {  	_ =	swait.ge [sflag:s1], $0x1F40  }
0x39: {  	[sflag:s1] =	ssyncset.done $0x0  }
0x3a: {  	s6 =	simm.s32 $0x280;
	[sflag:s1] =	ssyncadd.s32 $0xFFFFE0C0  }
0x3b: {  	[tilespmem:s18], [sflag:$0x2] =	stream.indirect.gather [hbm4b:s4+s15], $0x40, s6, s15, $0xb8;
	[tilespmem:$0x16D00] =	vst v63  }
0x3c: {  	_ =	swait.ge [sflag:s17], $0x1F40  }
0x3d: {  	[sflag:s17] =	ssyncset.done $0x0  }
0x3e: {  	s6 =	simm.s32 $0x2980;
	[sflag:s17] =	ssyncadd.s32 $0xFFFFE0C0  }
0x3f: {  	[spmem:s2] =	stream.indirect.scatter.add.f32 [tilespmem:s24], [sflag:$0x8], $0x40, s6, s15, $0xb8;
	[tilespmem:$0x16D00] =	vst v63  }
0x40: {  	_ =	swait.ge [sflag:s23], $0x1F40  }
0x41: {  	[sflag:s23] =	ssyncset.done $0x0  }
0x42: {  	s29 =	simm.s32 $0x300;
	[sflag:s23] =	ssyncadd.s32 $0xFFFFE0C0  }
0x43: {  	[tilespmem:s21], [sflag:$0x3] =	stream.indirect.gather [hbm4b:s4+s15], $0x40, s29, s15, $0xb8;
	[tilespmem:$0x16D00] =	vst v63  }
0x44: {  	_ =	swait.ge [sflag:s22], $0x1F40  }
0x45: {  	[sflag:s22] =	ssyncset.done $0x0  }
0x46: {  	s29 =	simm.s32 $0x2A00;
	[sflag:s22] =	ssyncadd.s32 $0xFFFFE0C0  }
0x47: {  	[spmem:s2] =	stream.indirect.scatter.add.f32 [tilespmem:s16], [sflag:$0x5], $0x40, s29, s15, $0xb8;
	[tilespmem:$0x16D00] =	vst v63  }
0x48: {  	_ =	swait.ge [sflag:s26], $0x1F40  }
0x49: {  	[sflag:s26] =	ssyncset.done $0x0  }
0x4a: {  	s29 =	simm.s32 $0x380;
	[sflag:s26] =	ssyncadd.s32 $0xFFFFE0C0  }
0x4b: {  	[tilespmem:s24], [sflag:$0x4] =	stream.indirect.gather [hbm4b:s4+s15], $0x40, s29, s15, $0xb8;
	[tilespmem:$0x16D00] =	vst v63  }
0x4c: {  	_ =	swait.ge [sflag:s25], $0x1F40  }
0x4d: {  	[sflag:s25] =	ssyncset.done $0x0  }
0x4e: {  	s29 =	simm.s32 $0x2A80;
	[sflag:s25] =	ssyncadd.s32 $0xFFFFE0C0  }
0x4f: {  	[spmem:s2] =	stream.indirect.scatter.add.f32 [tilespmem:s18], [sflag:$0x6], $0x40, s29, s15, $0xb8;
	[tilespmem:$0x16D00] =	vst v63  }
0x50: {  	_ =	swait.ge [sflag:s28], $0x1F40  }
0x51: {  	[sflag:s28] =	ssyncset.done $0x0  }
0x52: {  	s29 =	simm.s32 $0x400;
	[sflag:s28] =	ssyncadd.s32 $0xFFFFE0C0  }
0x53: {  	[tilespmem:s16], [sflag:$0x1] =	stream.indirect.gather [hbm4b:s4+s15], $0x40, s29, s15, $0xb8;
	[tilespmem:$0x16D00] =	vst v63  }
0x54: {  	_ =	swait.ge [sflag:s30], $0x1F40  }
0x55: {  	[sflag:s30] =	ssyncset.done $0x0  }
0x56: {  	s29 =	simm.s32 $0x2B00;
	[sflag:s30] =	ssyncadd.s32 $0xFFFFE0C0  }
0x57: {  	[spmem:s2] =	stream.indirect.scatter.add.f32 [tilespmem:s21], [sflag:$0x7], $0x40, s29, s15, $0xb8;
	[tilespmem:$0x16D00] =	vst v63  }
0x58: {  	_ =	swait.ge [sflag:s1], $0x1F40  }
0x59: {  	[sflag:s1] =	ssyncset.done $0x0  }
0x5a: {  	s29 =	simm.s32 $0x480;
	[sflag:s1] =	ssyncadd.s32 $0xFFFFE0C0  }
0x5b: {  	[tilespmem:s18], [sflag:$0x2] =	stream.indirect.gather [hbm4b:s4+s15], $0x40, s29, s15, $0xb8;
	[tilespmem:$0x16D00] =	vst v63  }
0x5c: {  	_ =	swait.ge [sflag:s17], $0x1F40  }
0x5d: {  	[sflag:s17] =	ssyncset.done $0x0  }
0x5e: {  	s31 =	simm.s32 $0x2B80;
	s29 =	simm.s32 $0x800;
	[sflag:s17] =	ssyncadd.s32 $0xFFFFE0C0  }
.LBB2_2:
0x5f: {  	[spmem:s2] =	stream.indirect.scatter.add.f32 [tilespmem:s24], [sflag:$0x8], $0x40, s31, s15, $0xb8;
	[tilespmem:$0x16D00] =	vst v63  }
0x60: {  	s31 =	smov.u32 s29  }
0x61: {  	p0 =	sne.s32 s29, $0x8800;
	s29 =	sadd.s32 $0x800, s29;
	_ =	swait.ge [sflag:s23], $0x1F40  }
0x62: {  	s31 =	sshra.s32 s31, $0x2;
	[sflag:s23] =	ssyncset.done $0x0  }
0x63: {  	s6 =	sadd.s32 $0x300, s31;
	[sflag:s23] =	ssyncadd.s32 $0xFFFFE0C0  }
0x64: {  	[tilespmem:s21], [sflag:$0x3] =	stream.indirect.gather [hbm4b:s4+s15], $0x40, s6, s15, $0xb8;
	[tilespmem:$0x16D00] =	vst v63  }
0x65: {  	_ =	swait.ge [sflag:s22], $0x1F40  }
0x66: {  	[sflag:s22] =	ssyncset.done $0x0  }
0x67: {  	s6 =	sadd.s32 $0x2A00, s31;
	[sflag:s22] =	ssyncadd.s32 $0xFFFFE0C0  }
0x68: {  	[spmem:s2] =	stream.indirect.scatter.add.f32 [tilespmem:s16], [sflag:$0x5], $0x40, s6, s15, $0xb8;
	[tilespmem:$0x16D00] =	vst v63  }
0x69: {  	_ =	swait.ge [sflag:s26], $0x1F40  }
0x6a: {  	[sflag:s26] =	ssyncset.done $0x0  }
0x6b: {  	s6 =	sadd.s32 $0x380, s31;
	[sflag:s26] =	ssyncadd.s32 $0xFFFFE0C0  }
0x6c: {  	[tilespmem:s24], [sflag:$0x4] =	stream.indirect.gather [hbm4b:s4+s15], $0x40, s6, s15, $0xb8;
	[tilespmem:$0x16D00] =	vst v63  }
0x6d: {  	_ =	swait.ge [sflag:s25], $0x1F40  }
0x6e: {  	[sflag:s25] =	ssyncset.done $0x0  }
0x6f: {  	s6 =	sadd.s32 $0x2A80, s31;
	[sflag:s25] =	ssyncadd.s32 $0xFFFFE0C0  }
0x70: {  	[spmem:s2] =	stream.indirect.scatter.add.f32 [tilespmem:s18], [sflag:$0x6], $0x40, s6, s15, $0xb8;
	[tilespmem:$0x16D00] =	vst v63  }
0x71: {  	_ =	swait.ge [sflag:s28], $0x1F40  }
0x72: {  	[sflag:s28] =	ssyncset.done $0x0  }
0x73: {  	s6 =	sadd.s32 $0x400, s31;
	[sflag:s28] =	ssyncadd.s32 $0xFFFFE0C0  }
0x74: {  	[tilespmem:s16], [sflag:$0x1] =	stream.indirect.gather [hbm4b:s4+s15], $0x40, s6, s15, $0xb8;
	[tilespmem:$0x16D00] =	vst v63  }
0x75: {  	_ =	swait.ge [sflag:s30], $0x1F40  }
0x76: {  	[sflag:s30] =	ssyncset.done $0x0  }
0x77: {  	s6 =	sadd.s32 $0x2B00, s31;
	[sflag:s30] =	ssyncadd.s32 $0xFFFFE0C0  }
0x78: {  	[spmem:s2] =	stream.indirect.scatter.add.f32 [tilespmem:s21], [sflag:$0x7], $0x40, s6, s15, $0xb8;
	[tilespmem:$0x16D00] =	vst v63  }
0x79: {  	_ =	swait.ge [sflag:s1], $0x1F40  }
0x7a: {  	[sflag:s1] =	ssyncset.done $0x0  }
.Ltmp0:
0x7b: {  	s6 =	sadd.s32 $0x480, s31;
	[sflag:s1] =	ssyncadd.s32 $0xFFFFE0C0;
	(pc) =	sbr.rel @p0 .LBB2_2-.Ltmp0, $4  }
0x7c: {  	[tilespmem:s18], [sflag:$0x2] =	stream.indirect.gather [hbm4b:s4+s15], $0x40, s6, s15, $0xb8;
	[tilespmem:$0x16D00] =	vst v63  }
0x7d: {  	_ =	swait.ge [sflag:s17], $0x1F40  }
0x7e: {  	[sflag:s17] =	ssyncset.done $0x0  }
0x7f: {  	s31 =	sadd.s32 $0x2B80, s31;
	[sflag:s17] =	ssyncadd.s32 $0xFFFFE0C0  }
0x80: {  	[spmem:s2] =	stream.indirect.scatter.add.f32 [tilespmem:s24], [sflag:$0x8], $0x40, s31, s15, $0xb8;
	[tilespmem:$0x16D00] =	vst v63  }
0x81: {  	_ =	swait.ge [sflag:s23], $0x1F40  }
0x82: {  	[sflag:s23] =	ssyncset.done $0x0  }
0x83: {  	s6 =	simm.s32 $0x2700;
	[sflag:s23] =	ssyncadd.s32 $0xFFFFE0C0  }
0x84: {  	[tilespmem:s21], [sflag:$0x3] =	stream.indirect.gather [hbm4b:s4+s15], $0x40, s6, s15, $0xb8;
	[tilespmem:$0x16D00] =	vst v63  }
0x85: {  	_ =	swait.ge [sflag:s22], $0x1F40  }
0x86: {  	[sflag:s22] =	ssyncset.done $0x0  }
0x87: {  	s29 =	simm.s32 $0x4E00;
	[sflag:s22] =	ssyncadd.s32 $0xFFFFE0C0  }
0x88: {  	[spmem:s2] =	stream.indirect.scatter.add.f32 [tilespmem:s16], [sflag:$0x5], $0x40, s29, s15, $0xb8;
	[tilespmem:$0x16D00] =	vst v63  }
0x89: {  	_ =	swait.ge [sflag:s26], $0x1F40  }
0x8a: {  	[sflag:s26] =	ssyncset.done $0x0  }
0x8b: {  	s31 =	simm.s32 $0x2780;
	[sflag:s26] =	ssyncadd.s32 $0xFFFFE0C0  }
0x8c: {  	[tilespmem:s24], [sflag:$0x4] =	stream.indirect.gather [hbm4b:s4+s15], $0x40, s31, s15, $0xb8;
	[tilespmem:$0x16D00] =	vst v63  }
0x8d: {  	_ =	swait.ge [sflag:s25], $0x1F40  }
0x8e: {  	[sflag:s25] =	ssyncset.done $0x0  }
0x8f: {  	s29 =	simm.s32 $0x4E80;
	[sflag:s25] =	ssyncadd.s32 $0xFFFFE0C0  }
0x90: {  	[spmem:s2] =	stream.indirect.scatter.add.f32 [tilespmem:s18], [sflag:$0x6], $0x40, s29, s15, $0xb8;
	[tilespmem:$0x16D00] =	vst v63  }
0x91: {  	_ =	swait.ge [sflag:s30], $0x1F40  }
0x92: {  	[sflag:s30] =	ssyncset.done $0x0  }
0x93: {  	s31 =	simm.s32 $0x4F00;
	[sflag:s30] =	ssyncadd.s32 $0xFFFFE0C0  }
0x94: {  	[spmem:s2] =	stream.indirect.scatter.add.f32 [tilespmem:s21], [sflag:$0x7], $0x40, s31, s15, $0xb8;
	[tilespmem:$0x16D00] =	vst v63  }
0x95: {  	_ =	swait.ge [sflag:s17], $0x1F40  }
0x96: {  	[sflag:s17] =	ssyncset.done $0x0  }
0x97: {  	s29 =	simm.s32 $0x4F80;
	[sflag:s17] =	ssyncadd.s32 $0xFFFFE0C0  }
0x98: {  	[spmem:s2] =	stream.indirect.scatter.add.f32 [tilespmem:s24], [sflag:$0x8], $0x40, s29, s15, $0xb8;
	[tilespmem:$0x16D00] =	vst v63  }
0x99: {  	_ =	swait.ge [sflag:s28], $0x1F40  }
0x9a: {  	[sflag:s28] =	ssyncset.done $0x0  }
0x9b: {  	[sflag:s28] =	ssyncadd.s32 $0xFFFFE0C0  }
0x9c: {  	_ =	swait.ge [sflag:s1], $0x1F40  }
0x9d: {  	[sflag:s1] =	ssyncset.done $0x0  }
0x9e: {  	[sflag:s1] =	ssyncadd.s32 $0xFFFFE0C0  }
0x9f: {  	_ =	swait.ge [sflag:s23], $0x1F40  }
0xa0: {  	[sflag:s23] =	ssyncset.done $0x0  }
0xa1: {  	[sflag:s23] =	ssyncadd.s32 $0xFFFFE0C0  }
0xa2: {  	_ =	swait.ge [sflag:s26], $0x1F40  }
0xa3: {  	s20 =	sadd.s32 $0x1, s20;
	[sflag:s26] =	ssyncset.done $0x0  }
0xa4: {  	p0 =	sne.s32 s20, s11;
	[sflag:s26] =	ssyncadd.s32 $0xFFFFE0C0  }
.Ltmp1:
0xa5: {  	s31 =	sor.u32 $0x1C0B, s5;
	[bflag:$0x0] =	sbarrier.arrive $0xFFFF;
	(pc) =	sbr.rel @p0 .LBB2_1-.Ltmp1, $4  }
0xa6: {  	[hbm:s10], [sflag:s31] =	dma.local [spmem:s12], $0x1400  }
0xa7: {  	_ =	swait.ge [sflag:s0], $0x1400  }
0xa8: {  	[sflag:s0] =	ssyncset.done $0x0  }
0xa9: {  	[sflag:s0] =	ssyncadd.s32 $0xFFFFEC00  }
0xaa: {  	_ =	sfence.sel $0x180000  }
0xab: {  	[bflag:$0x0] =	sbarrier.arrive $0xFFFF  }
0xac: {  	_ =	strace $0x9000004A  }
0xad: {  	s0 =	stileid.u32;
	[bflag:$0x2] =	sbarrier.arrive $0xFFFF  }
0xae: {  	p0 =	sne.s32 s0, $0x0;
	s0 =	rddreg [dreg:$0x2]  }
0xaf: {  	s0 =	sadd.s32 @!p0 $0x100000, s0  }
0xb0: {  	[sflag:s0] =	ssyncadd.tile.s32 @!p0 $0x1;
	_ =	shalt  }
.Lfunc_end2:
_tile_overlayer_lowered:
.L_overlay_start_2:
0xb1: {  	(tag) =	ssettag $0x2  }
0xb2: {  	s0 =	rddreg [dreg:$0x0];
	s2 =	stileid.u32  }
0xb3: {  	s1 =	rddreg [dreg:$0x1];
	p0 =	sne.s32 s2, $0x0  }
0xb4: {  	s3 =	rddreg [dreg:$0x2];
	[bflag:$0x3] =	sbarrier.arrive $0xFFFF;
	s2 =	simm.s32 @!p0 $0x1C0B  }
0xb5: {  	[timem:s3], [sflag:s2] =	dma.local @!p0 [hbm:s0], s1  }
0xb6: {  	s0 =	simm.s32 @!p0 $0xB  }
0xb7: {  	_ =	swait.ge @!p0 [sflag:s0], s1  }
0xb8: {  	s1 =	ssub.s32 @!p0 $0x0, s1;
	[sflag:s0] =	ssyncset.done @!p0 $0x0  }
0xb9: {  	[sflag:s0] =	ssyncadd.s32 @!p0 s1  }
0xba: {  	[bflag:$0x3] =	sbarrier.arrive $0xFFFF  }
0xbb: {  	_ =	shalt  }

// kernel: kernel.17.cloned.1.call-start
scs
__scs_entry_jumppad:
0x0: {  	(pc) =	sbr.rel $0x88, $3  }
0x1: {  	(tag) =	ssettag $0x0;
	lr =	simm.s32 $0x1  }
0x2: {  	[smem:$0x3F93] =	sst lr;
	_ =	strace $0xD0000000  }
0x3: {  	_ = 	snop  }
0x4: {  	_ = 	snop  }
0x5: {  	_ = 	snop  }
0x6: {  	_ = 	snop  }
0x7: {  	_ = 	snop  }
__scs_overlays_trampoline_lowered:
0x8: {  	[smem:$0x3FA2] =	sst s0  }
0x9: {  	[smem:$0x3FA3] =	sst s1  }
0xa: {  	[smem:$0x3FA4] =	sst s2  }
0xb: {  	[smem:$0x3FA5] =	sst s3  }
0xc: {  	[smem:$0x3FA6] =	sst s4  }
0xd: {  	[smem:$0x3FA7] =	sst s5  }
0xe: {  	[smem:$0x3FA8] =	sst s6  }
0xf: {  	[smem:$0x3FA9] =	sst s7  }
0x10: {  	[smem:$0x3FAA] =	sst s8  }
0x11: {  	[smem:$0x3FAB] =	sst s9;
	s0 =	simm.s32 @!p0 $0x0  }
0x12: {  	s1 =	sld [smem:$0x3F91];
	s0 =	simm.s32 @p0 $0x1  }
0x13: {  	[smem:$0x3FAC] =	sst s0;
	s0 =	simm.s32 @!p1 $0x0  }
0x14: {  	s2 =	sld [smem:$0x3F90];
	s0 =	simm.s32 @p1 $0x1  }
0x15: {  	[smem:$0x3FAD] =	sst s0;
	s0 =	simm.s32 @!p2 $0x0  }
0x16: {  	s3 =	sld [smem:$0x3FDB];
	s0 =	simm.s32 @p2 $0x1  }
0x17: {  	s4 =	simm.s32 $0x1BF5;
	[smem:$0x3FAF] =	sst s0  }
0x18: {  	s0 =	sld [smem:$0x3F92];
	_ =	swait.ge [sflag:s4], $0x0  }
0x19: {  	s7 =	sld [smem:$0x3F93]  }
0x1a: {  	s8 =	sadd.s32 $0xFFFFE003, lr  }
0x1b: {  	s9 =	sadd.s32 $0xFFFFFEF7, lr;
	s5 =	simm.s32 $0xFFFFFFFF;
	p2 =	slt.u32 s8, $0xFFFFF086  }
0x1c: {  	p1 =	slt.u32 s9, $0xF7A;
	s5 =	simm.s32 @!p2 $0x0  }
0x1d: {  	s5 =	simm.s32 @p1 $0x1;
	p0 =	seq.s32 s7, s2  }
0x1e: {  	s7 =	smul.u32 @!p0 $0xF7A, s2;
	p2 =	seq.s32 @!p0 s5, $0x0  }
0x1f: {  	s9 =	smul.u32 $0xF7A, s1;
	s8 =	simm.s32 @!p0 $0x1BF5;
	p2 =	por !p2, p0  }
0x20: {  	[sflag:s8] =	ssyncset.s32 @!p0 $0xFFFFF086;
	s6 =	sadd.s32 @!p0 s3, s7;
	s7 =	simm.s32 @!p0 $0x108  }
0x21: {  	s3 =	sadd.s32 s3, s9;
	s6 =	sadd.s32 @!p0 $0x88, s6;
	s7 =	simm.s32 @p2 $0x1082  }
0x22: {  	[simem:s7], [sflag:s8] =	dma.local @!p0 [hbm:s6], $0xF7A  }
0x23: {  	s9 =	sor.u32 $0xD0000000, s2;
	s6 =	simm.s32 $0x108;
	_ =	swait.ge @!p0 [sflag:s8], $0x0  }
0x24: {  	s3 =	sadd.s32 $0x88, s3;
	s6 =	simm.s32 @!p1 $0x1082;
	[sflag:s4] =	ssyncset.s32 $0xFFFFF086  }
0x25: {  	[simem:s6], [sflag:s4] =	dma.local [hbm:s3], $0xF7A  }
0x26: {  	[smem:$0x3F93] =	sst s1;
	(tag) =	ssettag s2;
	_ =	strace s9  }
0x27: {  	s1 =	sld [smem:$0x3FA3]  }
0x28: {  	s2 =	sld [smem:$0x3FA4]  }
0x29: {  	s4 =	sld [smem:$0x3FA6]  }
0x2a: {  	p0 =	seq.s32 s5, $0x0;
	s5 =	sld [smem:$0x3FA7]  }
0x2b: {  	s6 =	sld [smem:$0x3FA8]  }
0x2c: {  	s7 =	sld [smem:$0x3FA9]  }
0x2d: {  	s3 =	simm.s32 $0x108;
	s8 =	sld [smem:$0x3FAA]  }
0x2e: {  	s3 =	simm.s32 @!p0 $0x1082;
	s9 =	sld [smem:$0x3FAB]  }
0x2f: {  	lr =	sadd.s32 s0, s3;
	s0 =	sld [smem:$0x3FA2]  }
0x30: {  	s3 =	sld [smem:$0x3FA5]  }
0x31: {  	[smem:$0x3FAE] =	sst s10  }
0x32: {  	s10 =	sld [smem:$0x3FAC];
	_ =	sdelay $0x3  }
0x33: {  	p0 =	seq.s32 s10, $0x1;
	s10 =	sld [smem:$0x3FAE];
	_ =	sdelay $0x3  }
0x34: {  	[smem:$0x3FAE] =	sst s10  }
0x35: {  	s10 =	sld [smem:$0x3FAD];
	_ =	sdelay $0x3  }
0x36: {  	p1 =	seq.s32 s10, $0x1;
	s10 =	sld [smem:$0x3FAE];
	_ =	sdelay $0x3  }
0x37: {  	[smem:$0x3FAE] =	sst s10  }
0x38: {  	s10 =	sld [smem:$0x3FAF]  }
0x39: {  	_ = 	snop;
	(pc) =	sbr.ind lr, $3  }
0x3a: {  	_ = 	snop  }
0x3b: {  	_ = 	snop  }
0x3c: {  	p2 =	seq.s32 s10, $0x1;
	s10 =	sld [smem:$0x3FAE]  }
0x3d: {  	_ =	shalt  }
0x3e: {  	_ =	shalt  }
0x3f: {  	_ =	shalt  }
0x40: {  	_ =	shalt  }
0x41: {  	_ =	shalt  }
0x42: {  	_ =	shalt  }
0x43: {  	_ =	shalt  }
0x44: {  	_ =	shalt  }
0x45: {  	_ =	shalt  }
0x46: {  	_ =	shalt  }
0x47: {  	_ =	shalt  }
0x48: {  	_ =	shalt  }
0x49: {  	_ =	shalt  }
0x4a: {  	_ =	shalt  }
0x4b: {  	_ =	shalt  }
0x4c: {  	_ =	shalt  }
0x4d: {  	_ =	shalt  }
0x4e: {  	_ =	shalt  }
0x4f: {  	_ =	shalt  }
0x50: {  	_ =	shalt  }
0x51: {  	_ =	shalt  }
0x52: {  	_ =	shalt  }
0x53: {  	_ =	shalt  }
0x54: {  	_ =	shalt  }
0x55: {  	_ =	shalt  }
0x56: {  	_ =	shalt  }
0x57: {  	_ =	shalt  }
0x58: {  	_ =	shalt  }
0x59: {  	_ =	shalt  }
0x5a: {  	_ =	shalt  }
0x5b: {  	_ =	shalt  }
0x5c: {  	_ =	shalt  }
0x5d: {  	_ =	shalt  }
0x5e: {  	_ =	shalt  }
0x5f: {  	_ =	shalt  }
0x60: {  	_ =	shalt  }
0x61: {  	_ =	shalt  }
0x62: {  	_ =	shalt  }
0x63: {  	_ =	shalt  }
0x64: {  	_ =	shalt  }
0x65: {  	_ =	shalt  }
0x66: {  	_ =	shalt  }
0x67: {  	_ =	shalt  }
0x68: {  	_ =	shalt  }
0x69: {  	_ =	shalt  }
0x6a: {  	_ =	shalt  }
0x6b: {  	_ =	shalt  }
0x6c: {  	_ =	shalt  }
0x6d: {  	_ =	shalt  }
0x6e: {  	_ =	shalt  }
0x6f: {  	_ =	shalt  }
0x70: {  	_ =	shalt  }
0x71: {  	_ =	shalt  }
0x72: {  	_ =	shalt  }
0x73: {  	_ =	shalt  }
0x74: {  	_ =	shalt  }
0x75: {  	_ =	shalt  }
0x76: {  	_ =	shalt  }
0x77: {  	_ =	shalt  }
0x78: {  	_ =	shalt  }
0x79: {  	_ =	shalt  }
0x7a: {  	_ =	shalt  }
0x7b: {  	_ =	shalt  }
0x7c: {  	_ =	shalt  }
0x7d: {  	_ =	shalt  }
0x7e: {  	_ =	shalt  }
0x7f: {  	_ =	shalt  }
0x80: {  	_ =	shalt  }
0x81: {  	_ =	shalt  }
0x82: {  	_ =	shalt  }
0x83: {  	_ =	shalt  }
0x84: {  	_ =	shalt  }
0x85: {  	_ =	shalt  }
0x86: {  	_ =	shalt  }
0x87: {  	_ =	shalt  }
.Lfunc_end0:
.L_simem_size_0:
called_computation.2_lowered:
.L_overlay_start_0:
0x88: {  	s2 =	sld [smem:$0x3FD9]  }
0x89: {  	s3 =	sld [smem:$0x3FFE];
	_ =	sdelay $0x1  }
0x8a: {  	s1 =	srdreg.scid  }
0x8b: {  	s0 =	sand.u32 $0x1, s1  }
0x8c: {  	s16 =	sshll.u32 s0, $0xA;
	s2 =	sadd.s32 s3, s2  }
0x8d: {  	s2 =	sadd.s32 s2, s16  }
0x8e: {  	[smem:$0x3FBA] =	sst s2  }
0x8f: {  	_ = 	snop  }
0x90: {  	(tm) =	ssettm $0x1  }
0x91: {  	s17 =	sld [smem:$0x3FFB];
	_ =	sdelay $0x3  }
0x92: {  	_ =	strace s17  }
0x93: {  	s2 =	sld [smem:$0x3FFC];
	_ =	sdelay $0x3  }
0x94: {  	_ =	strace s2  }
0x95: {  	s2 =	sld [smem:$0x3FFD];
	_ =	sdelay $0x3  }
0x96: {  	_ =	strace s2  }
0x97: {  	_ =	strace $0x8FFFFFFF  }
0x98: {  	s18 =	sld [smem:$0x3FDB];
	_ =	sdelay $0x1  }
0x99: {  	s19 =	simm.s32 $_scs_section_size  }
0x9a: {  	s4 =	simm.s32 $_size__tile_overlayer_lowered;
	s5 =	simm.s32 $_tile_overlayer_lowered  }
0x9b: {  	s22 =	simm.s32 $0x1BFF;
	s21 =	sshll.u32 s5, $0x1;
	s2 =	sadd.s32 s19, s18  }
0x9c: {  	s6 =	simm.s32 $0x0;
	s20 =	sshll.u32 s4, $0x1;
	s4 =	sadd.s32 s21, s2  }
0x9d: {  	[timem:s6], [sflag:s22] =	dma.local [hbm:s4], s20  }
0x9e: {  	_ =	swait.ge [sflag:s22], s20  }
0x9f: {  	s3 =	ssub.s32 $0x0, s20;
	[sflag:s22] =	ssyncset.done $0x0  }
0xa0: {  	[sflag:s22] =	ssyncadd.s32 s3;
	_ =	sdelay $0x1  }
0xa1: {  	s23 =	simm.s32 $0x1B8B  }
0xa2: {  	_ =	swait.ge [sflag:s23], $0x1  }
0xa3: {  	[sflag:s23] =	ssyncset.done $0x0  }
0xa4: {  	s25 =	simm.s32 $0x1B8E;
	s24 =	sld [smem:$0x3FFE];
	[sflag:s23] =	ssyncadd.s32 $0xFFFFFFFF  }
0xa5: {  	s26 =	simm.s32 $execute0_lowered;
	[smem:$0x3FD2] =	sst s25  }
0xa6: {  	s4 =	sshll.u32 s26, $0x1;
	_ =	strace $0x8000004C;
	[dreg:$0x1] =	wrdreg $0xFFFFFFFF  }
0xa7: {  	s28 =	simm.s32 $_size_execute0_lowered;
	s2 =	sadd.s32 s2, s4;
	[dreg:$0x0] =	wrdreg $0x0  }
0xa8: {  	s4 =	sshll.u32 s28, $0x1;
	[dreg:$0x2] =	wrdreg s2  }
0xa9: {  	[dreg:$0x3] =	wrdreg s4  }
0xaa: {  	[dreg:$0x4] =	wrdreg $0xC0  }
0xab: {  	_ =	task [dreg:s6], $0x5FFFF  }
0xac: {  	[dreg:$0x1] =	wrdreg $0xFFFFFFFF  }
0xad: {  	[dreg:$0x0] =	wrdreg $0x60  }
0xae: {  	[dreg:$0x2] =	wrdreg s24  }
0xaf: {  	[dreg:$0x3] =	wrdreg $0xCD000  }
0xb0: {  	[dreg:$0x4] =	wrdreg $0x9  }
0xb1: {  	_ =	task.clear_ibuf [dreg:s6], $0x5FFFF;
	_ =	strace $0x9000004C  }
0xb2: {  	s29 =	simm.s32 $0x9;
	_ =	strace $0x8000004E  }
0xb3: {  	_ =	swait.ge [sflag:s29], $0x1  }
0xb4: {  	[sflag:s29] =	ssyncadd.s32 $0xFFFFFFFF  }
0xb5: {  	_ =	strace $0x9000004E  }
0xb6: {  	_ =	sfence  }
0xb7: {  	s30 =	sld [smem:$0x0];
	_ =	sdelay $0x2  }
0xb8: {  	s31 =	sshll.u32 s1, $0xD;
	s1 =	sshrl.u32 s1, $0x2  }
0xb9: {  	s3 =	sand.u32 $0x4000, s31;
	s1 =	sadd.s32 s1, s30  }
0xba: {  	s0 =	sor.u32 s3, s0;
	s1 =	sshll.u32 s1, $0x11  }
0xbb: {  	s0 =	sor.u32 s1, s0  }
0xbc: {  	s0 =	sadd.s32 $0x8F2B, s0  }
0xbd: {  	[sflag:s0] =	ssyncadd.remote.s32 $0x1  }
0xbe: {  	_ =	sfence.sel $0xFFFF  }
0xbf: {  	[dreg:$0x0] =	wrdreg $0xFFFFFFFF;
	(pc) =	sbr.abs _section_cstart, $3  }
0xc0: {  	[dreg:$0x1] =	wrdreg $0xFFFFFFFF  }
0xc1: {  	_ =	task.clear_ibuf [dreg:s6], $0x2FFFF;
	_ =	strace $0x9FFFFFFF  }
0xc2: {  	(tm) =	ssettm $0x7FFFFFFF  }
0xc3: {  	_ =	shalt  }
tec
execute0_lowered:
.L_overlay_start_1:
0x0: {  	(tag) =	ssettag $0x1  }
0x1: {  	s0 =	srdreg.scid  }
0x2: {  	s9 =	stileid.u32;
	s5 =	rddreg [dreg:$0x0]  }
0x3: {  	s2 =	rddreg [dreg:$0x1];
	s3 =	simm.s32 $0x0;
	s13 =	simm.s32 $0x2800  }
0x4: {  	s14 =	simm.s32 $0x9;
	s15 =	simm.s32 $0x7D;
	s16 =	simm.s32 $0x5000  }
0x5: {  	s18 =	simm.s32 $0x6F40;
	s19 =	simm.s32 $0xA;
	s21 =	simm.s32 $0x8E80  }
0x6: {  	s22 =	simm.s32 $0x1;
	s24 =	simm.s32 $0xADC0;
	s25 =	simm.s32 $0x2  }
0x7: {  	s28 =	simm.s32 $0x5;
	s30 =	simm.s32 $0x3;
	s17 =	simm.s32 $0x4  }
0x8: {  	s23 =	simm.s32 $0x7;
	s26 =	simm.s32 $0x8;
	s20 =	simm.s32 $0x0  }
0x9: {  	s0 =	sand.u32 $0x1, s0;
	s6 =	smul.u32 $0xA000, s9;
	[smem:$0x7FF] =	sst s3  }
0xa: {  	s4 =	sadd.s32 $0x16C00, s5;
	s1 =	sshll.u32 s0, $0x4;
	s7 =	smul.u32 $0xA0000, s0  }
0xb: {  	_ =	strace $0x8000004D;
	s0 =	ssub.s32 $0x2, s0;
	s1 =	sor.u32 s9, s1  }
0xc: {  	s8 =	sshrl.u32 s6, $0x3;
	s29 =	sshrl.u32 s0, $0x1;
	s12 =	sadd.s32 s6, s2  }
0xd: {  	s1 =	smul.u32 $0x500, s1;
	s7 =	sadd.s32 s6, s7;
	s8 =	sadd.s32 s8, s5  }
0xe: {  	s0 =	ssub.s32 s0, s29;
	s12 =	sshrl.u32 s12, $0x3;
	s7 =	sshrl.u32 s7, $0x3  }
0xf: {  	s31 =	sadd.s32 $0x2A600, s8;
	s11 =	smax.u32 s0, $0x1;
	s0 =	simm.s32 $0xB  }
0x10: {  	s1 =	sadd.s32 s1, s5;
	s10 =	sadd.s32 s7, s5;
	s5 =	sshll.u32 s9, $0x6  }
0x11: {  	[dreg:$0x3] =	wrdreg s31;
	s7 =	sor.u32 $0x1C0A, s5;
	s8 =	sadd.s32 $0xCC00, s1  }
0x12: {  	s9 =	sadd.s32 $0x2C00, s1;
	s10 =	sadd.s32 $0x3E600, s10;
	s1 =	simm.s32 $0x6  }
.LBB2_1:
0x13: {  	s6 =	rddreg [dreg:$0x3]  }
0x14: {  	[spmem:s12], [sflag:s7] =	dma.local [hbm:s6], $0x1400  }
0x15: {  	[tilespmem:s3], [sflag:$0x9] =	stream.linear.gather [hbm4b:s8+s3], $0x2800, $0x38;
	[tilespmem:$0x16D00] =	vst v63  }
0x16: {  	_ = 	snop  }
0x17: {  	[tilespmem:s13], [sflag:$0x9] =	stream.linear.gather [hbm4b:s9+s3], $0x2800, $0x38;
	[tilespmem:$0x16D00] =	vst v63  }
0x18: {  	_ =	swait.ge [sflag:s14], $0x2800  }
0x19: {  	[sflag:s14] =	ssyncset.done $0x0  }
0x1a: {  	[sflag:s14] =	ssyncadd.s32 $0xFFFFD800  }
0x1b: {  	_ =	swait.ge [sflag:s14], $0x2800  }
0x1c: {  	[sflag:s14] =	ssyncset.done $0x0  }
0x1d: {  	[sflag:s14] =	ssyncadd.s32 $0xFFFFD800  }
0x1e: {  	[tilespmem:s16], [sflag:$0x1] =	stream.indirect.gather [hbm4b:s4+s15], $0x40, s3, s15, $0xb8;
	[tilespmem:$0x16D00] =	vst v63  }
0x1f: {  	s6 =	simm.s32 $0x80  }
0x20: {  	[tilespmem:s18], [sflag:$0x2] =	stream.indirect.gather [hbm4b:s4+s15], $0x40, s6, s15, $0xb8;
	[tilespmem:$0x16D00] =	vst v63  }
0x21: {  	_ =	swait.ge [sflag:s19], $0x1400  }
0x22: {  	[sflag:s19] =	ssyncset.done $0x0  }
0x23: {  	[sflag:s19] =	ssyncadd.s32 $0xFFFFEC00  }
0x24: {  	s6 =	simm.s32 $0x100;
	[bflag:$0x0] =	sbarrier.arrive $0xFFFF  }
0x25: {  	[tilespmem:s21], [sflag:$0x3] =	stream.indirect.gather [hbm4b:s4+s15], $0x40, s6, s15, $0xb8;
	[tilespmem:$0x16D00] =	vst v63  }
0x26: {  	_ =	swait.ge [sflag:s22], $0x1F40  }
0x27: {  	[sflag:s22] =	ssyncset.done $0x0  }
0x28: {  	[sflag:s22] =	ssyncadd.s32 $0xFFFFE0C0  }
0x29: {  	[spmem:s2] =	stream.indirect.scatter.add.f32 [tilespmem:s16], [sflag:$0x5], $0x40, s13, s15, $0xb8;
	[tilespmem:$0x16D00] =	vst v63  }
0x2a: {  	s6 =	simm.s32 $0x180  }
0x2b: {  	[tilespmem:s24], [sflag:$0x4] =	stream.indirect.gather [hbm4b:s4+s15], $0x40, s6, s15, $0xb8;
	[tilespmem:$0x16D00] =	vst v63  }
0x2c: {  	_ =	swait.ge [sflag:s25], $0x1F40  }
0x2d: {  	[sflag:s25] =	ssyncset.done $0x0  }
0x2e: {  	s6 =	simm.s32 $0x2880;
	[sflag:s25] =	ssyncadd.s32 $0xFFFFE0C0  }
0x2f: {  	[spmem:s2] =	stream.indirect.scatter.add.f32 [tilespmem:s18], [sflag:$0x6], $0x40, s6, s15, $0xb8;
	[tilespmem:$0x16D00] =	vst v63  }
0x30: {  	_ =	swait.ge [sflag:s28], $0x1F40  }
0x31: {  	[sflag:s28] =	ssyncset.done $0x0  }
0x32: {  	s6 =	simm.s32 $0x200;
	[sflag:s28] =	ssyncadd.s32 $0xFFFFE0C0  }
0x33: {  	[tilespmem:s16], [sflag:$0x1] =	stream.indirect.gather [hbm4b:s4+s15], $0x40, s6, s15, $0xb8;
	[tilespmem:$0x16D00] =	vst v63  }
0x34: {  	_ =	swait.ge [sflag:s30], $0x1F40  }
0x35: {  	[sflag:s30] =	ssyncset.done $0x0  }
0x36: {  	s6 =	simm.s32 $0x2900;
	[sflag:s30] =	ssyncadd.s32 $0xFFFFE0C0  }
0x37: {  	[spmem:s2] =	stream.indirect.scatter.add.f32 [tilespmem:s21], [sflag:$0x7], $0x40, s6, s15, $0xb8;
	[tilespmem:$0x16D00] =	vst v63  }
0x38: {  	_ =	swait.ge [sflag:s1], $0x1F40  }
0x39: {  	[sflag:s1] =	ssyncset.done $0x0  }
0x3a: {  	s6 =	simm.s32 $0x280;
	[sflag:s1] =	ssyncadd.s32 $0xFFFFE0C0  }
0x3b: {  	[tilespmem:s18], [sflag:$0x2] =	stream.indirect.gather [hbm4b:s4+s15], $0x40, s6, s15, $0xb8;
	[tilespmem:$0x16D00] =	vst v63  }
0x3c: {  	_ =	swait.ge [sflag:s17], $0x1F40  }
0x3d: {  	[sflag:s17] =	ssyncset.done $0x0  }
0x3e: {  	s6 =	simm.s32 $0x2980;
	[sflag:s17] =	ssyncadd.s32 $0xFFFFE0C0  }
0x3f: {  	[spmem:s2] =	stream.indirect.scatter.add.f32 [tilespmem:s24], [sflag:$0x8], $0x40, s6, s15, $0xb8;
	[tilespmem:$0x16D00] =	vst v63  }
0x40: {  	_ =	swait.ge [sflag:s23], $0x1F40  }
0x41: {  	[sflag:s23] =	ssyncset.done $0x0  }
0x42: {  	s29 =	simm.s32 $0x300;
	[sflag:s23] =	ssyncadd.s32 $0xFFFFE0C0  }
0x43: {  	[tilespmem:s21], [sflag:$0x3] =	stream.indirect.gather [hbm4b:s4+s15], $0x40, s29, s15, $0xb8;
	[tilespmem:$0x16D00] =	vst v63  }
0x44: {  	_ =	swait.ge [sflag:s22], $0x1F40  }
0x45: {  	[sflag:s22] =	ssyncset.done $0x0  }
0x46: {  	s29 =	simm.s32 $0x2A00;
	[sflag:s22] =	ssyncadd.s32 $0xFFFFE0C0  }
0x47: {  	[spmem:s2] =	stream.indirect.scatter.add.f32 [tilespmem:s16], [sflag:$0x5], $0x40, s29, s15, $0xb8;
	[tilespmem:$0x16D00] =	vst v63  }
0x48: {  	_ =	swait.ge [sflag:s26], $0x1F40  }
0x49: {  	[sflag:s26] =	ssyncset.done $0x0  }
0x4a: {  	s29 =	simm.s32 $0x380;
	[sflag:s26] =	ssyncadd.s32 $0xFFFFE0C0  }
0x4b: {  	[tilespmem:s24], [sflag:$0x4] =	stream.indirect.gather [hbm4b:s4+s15], $0x40, s29, s15, $0xb8;
	[tilespmem:$0x16D00] =	vst v63  }
0x4c: {  	_ =	swait.ge [sflag:s25], $0x1F40  }
0x4d: {  	[sflag:s25] =	ssyncset.done $0x0  }
0x4e: {  	s29 =	simm.s32 $0x2A80;
	[sflag:s25] =	ssyncadd.s32 $0xFFFFE0C0  }
0x4f: {  	[spmem:s2] =	stream.indirect.scatter.add.f32 [tilespmem:s18], [sflag:$0x6], $0x40, s29, s15, $0xb8;
	[tilespmem:$0x16D00] =	vst v63  }
0x50: {  	_ =	swait.ge [sflag:s28], $0x1F40  }
0x51: {  	[sflag:s28] =	ssyncset.done $0x0  }
0x52: {  	s29 =	simm.s32 $0x400;
	[sflag:s28] =	ssyncadd.s32 $0xFFFFE0C0  }
0x53: {  	[tilespmem:s16], [sflag:$0x1] =	stream.indirect.gather [hbm4b:s4+s15], $0x40, s29, s15, $0xb8;
	[tilespmem:$0x16D00] =	vst v63  }
0x54: {  	_ =	swait.ge [sflag:s30], $0x1F40  }
0x55: {  	[sflag:s30] =	ssyncset.done $0x0  }
0x56: {  	s29 =	simm.s32 $0x2B00;
	[sflag:s30] =	ssyncadd.s32 $0xFFFFE0C0  }
0x57: {  	[spmem:s2] =	stream.indirect.scatter.add.f32 [tilespmem:s21], [sflag:$0x7], $0x40, s29, s15, $0xb8;
	[tilespmem:$0x16D00] =	vst v63  }
0x58: {  	_ =	swait.ge [sflag:s1], $0x1F40  }
0x59: {  	[sflag:s1] =	ssyncset.done $0x0  }
0x5a: {  	s29 =	simm.s32 $0x480;
	[sflag:s1] =	ssyncadd.s32 $0xFFFFE0C0  }
0x5b: {  	[tilespmem:s18], [sflag:$0x2] =	stream.indirect.gather [hbm4b:s4+s15], $0x40, s29, s15, $0xb8;
	[tilespmem:$0x16D00] =	vst v63  }
0x5c: {  	_ =	swait.ge [sflag:s17], $0x1F40  }
0x5d: {  	[sflag:s17] =	ssyncset.done $0x0  }
0x5e: {  	s31 =	simm.s32 $0x2B80;
	s29 =	simm.s32 $0x800;
	[sflag:s17] =	ssyncadd.s32 $0xFFFFE0C0  }
.LBB2_2:
0x5f: {  	[spmem:s2] =	stream.indirect.scatter.add.f32 [tilespmem:s24], [sflag:$0x8], $0x40, s31, s15, $0xb8;
	[tilespmem:$0x16D00] =	vst v63  }
0x60: {  	s31 =	smov.u32 s29  }
0x61: {  	p0 =	sne.s32 s29, $0x8800;
	s29 =	sadd.s32 $0x800, s29;
	_ =	swait.ge [sflag:s23], $0x1F40  }
0x62: {  	s31 =	sshra.s32 s31, $0x2;
	[sflag:s23] =	ssyncset.done $0x0  }
0x63: {  	s6 =	sadd.s32 $0x300, s31;
	[sflag:s23] =	ssyncadd.s32 $0xFFFFE0C0  }
0x64: {  	[tilespmem:s21], [sflag:$0x3] =	stream.indirect.gather [hbm4b:s4+s15], $0x40, s6, s15, $0xb8;
	[tilespmem:$0x16D00] =	vst v63  }
0x65: {  	_ =	swait.ge [sflag:s22], $0x1F40  }
0x66: {  	[sflag:s22] =	ssyncset.done $0x0  }
0x67: {  	s6 =	sadd.s32 $0x2A00, s31;
	[sflag:s22] =	ssyncadd.s32 $0xFFFFE0C0  }
0x68: {  	[spmem:s2] =	stream.indirect.scatter.add.f32 [tilespmem:s16], [sflag:$0x5], $0x40, s6, s15, $0xb8;
	[tilespmem:$0x16D00] =	vst v63  }
0x69: {  	_ =	swait.ge [sflag:s26], $0x1F40  }
0x6a: {  	[sflag:s26] =	ssyncset.done $0x0  }
0x6b: {  	s6 =	sadd.s32 $0x380, s31;
	[sflag:s26] =	ssyncadd.s32 $0xFFFFE0C0  }
0x6c: {  	[tilespmem:s24], [sflag:$0x4] =	stream.indirect.gather [hbm4b:s4+s15], $0x40, s6, s15, $0xb8;
	[tilespmem:$0x16D00] =	vst v63  }
0x6d: {  	_ =	swait.ge [sflag:s25], $0x1F40  }
0x6e: {  	[sflag:s25] =	ssyncset.done $0x0  }
0x6f: {  	s6 =	sadd.s32 $0x2A80, s31;
	[sflag:s25] =	ssyncadd.s32 $0xFFFFE0C0  }
0x70: {  	[spmem:s2] =	stream.indirect.scatter.add.f32 [tilespmem:s18], [sflag:$0x6], $0x40, s6, s15, $0xb8;
	[tilespmem:$0x16D00] =	vst v63  }
0x71: {  	_ =	swait.ge [sflag:s28], $0x1F40  }
0x72: {  	[sflag:s28] =	ssyncset.done $0x0  }
0x73: {  	s6 =	sadd.s32 $0x400, s31;
	[sflag:s28] =	ssyncadd.s32 $0xFFFFE0C0  }
0x74: {  	[tilespmem:s16], [sflag:$0x1] =	stream.indirect.gather [hbm4b:s4+s15], $0x40, s6, s15, $0xb8;
	[tilespmem:$0x16D00] =	vst v63  }
0x75: {  	_ =	swait.ge [sflag:s30], $0x1F40  }
0x76: {  	[sflag:s30] =	ssyncset.done $0x0  }
0x77: {  	s6 =	sadd.s32 $0x2B00, s31;
	[sflag:s30] =	ssyncadd.s32 $0xFFFFE0C0  }
0x78: {  	[spmem:s2] =	stream.indirect.scatter.add.f32 [tilespmem:s21], [sflag:$0x7], $0x40, s6, s15, $0xb8;
	[tilespmem:$0x16D00] =	vst v63  }
0x79: {  	_ =	swait.ge [sflag:s1], $0x1F40  }
0x7a: {  	[sflag:s1] =	ssyncset.done $0x0  }
.Ltmp0:
0x7b: {  	s6 =	sadd.s32 $0x480, s31;
	[sflag:s1] =	ssyncadd.s32 $0xFFFFE0C0;
	(pc) =	sbr.rel @p0 .LBB2_2-.Ltmp0, $4  }
0x7c: {  	[tilespmem:s18], [sflag:$0x2] =	stream.indirect.gather [hbm4b:s4+s15], $0x40, s6, s15, $0xb8;
	[tilespmem:$0x16D00] =	vst v63  }
0x7d: {  	_ =	swait.ge [sflag:s17], $0x1F40  }
0x7e: {  	[sflag:s17] =	ssyncset.done $0x0  }
0x7f: {  	s31 =	sadd.s32 $0x2B80, s31;
	[sflag:s17] =	ssyncadd.s32 $0xFFFFE0C0  }
0x80: {  	[spmem:s2] =	stream.indirect.scatter.add.f32 [tilespmem:s24], [sflag:$0x8], $0x40, s31, s15, $0xb8;
	[tilespmem:$0x16D00] =	vst v63  }
0x81: {  	_ =	swait.ge [sflag:s23], $0x1F40  }
0x82: {  	[sflag:s23] =	ssyncset.done $0x0  }
0x83: {  	s6 =	simm.s32 $0x2700;
	[sflag:s23] =	ssyncadd.s32 $0xFFFFE0C0  }
0x84: {  	[tilespmem:s21], [sflag:$0x3] =	stream.indirect.gather [hbm4b:s4+s15], $0x40, s6, s15, $0xb8;
	[tilespmem:$0x16D00] =	vst v63  }
0x85: {  	_ =	swait.ge [sflag:s22], $0x1F40  }
0x86: {  	[sflag:s22] =	ssyncset.done $0x0  }
0x87: {  	s29 =	simm.s32 $0x4E00;
	[sflag:s22] =	ssyncadd.s32 $0xFFFFE0C0  }
0x88: {  	[spmem:s2] =	stream.indirect.scatter.add.f32 [tilespmem:s16], [sflag:$0x5], $0x40, s29, s15, $0xb8;
	[tilespmem:$0x16D00] =	vst v63  }
0x89: {  	_ =	swait.ge [sflag:s26], $0x1F40  }
0x8a: {  	[sflag:s26] =	ssyncset.done $0x0  }
0x8b: {  	s31 =	simm.s32 $0x2780;
	[sflag:s26] =	ssyncadd.s32 $0xFFFFE0C0  }
0x8c: {  	[tilespmem:s24], [sflag:$0x4] =	stream.indirect.gather [hbm4b:s4+s15], $0x40, s31, s15, $0xb8;
	[tilespmem:$0x16D00] =	vst v63  }
0x8d: {  	_ =	swait.ge [sflag:s25], $0x1F40  }
0x8e: {  	[sflag:s25] =	ssyncset.done $0x0  }
0x8f: {  	s29 =	simm.s32 $0x4E80;
	[sflag:s25] =	ssyncadd.s32 $0xFFFFE0C0  }
0x90: {  	[spmem:s2] =	stream.indirect.scatter.add.f32 [tilespmem:s18], [sflag:$0x6], $0x40, s29, s15, $0xb8;
	[tilespmem:$0x16D00] =	vst v63  }
0x91: {  	_ =	swait.ge [sflag:s30], $0x1F40  }
0x92: {  	[sflag:s30] =	ssyncset.done $0x0  }
0x93: {  	s31 =	simm.s32 $0x4F00;
	[sflag:s30] =	ssyncadd.s32 $0xFFFFE0C0  }
0x94: {  	[spmem:s2] =	stream.indirect.scatter.add.f32 [tilespmem:s21], [sflag:$0x7], $0x40, s31, s15, $0xb8;
	[tilespmem:$0x16D00] =	vst v63  }
0x95: {  	_ =	swait.ge [sflag:s17], $0x1F40  }
0x96: {  	[sflag:s17] =	ssyncset.done $0x0  }
0x97: {  	s29 =	simm.s32 $0x4F80;
	[sflag:s17] =	ssyncadd.s32 $0xFFFFE0C0  }
0x98: {  	[spmem:s2] =	stream.indirect.scatter.add.f32 [tilespmem:s24], [sflag:$0x8], $0x40, s29, s15, $0xb8;
	[tilespmem:$0x16D00] =	vst v63  }
0x99: {  	_ =	swait.ge [sflag:s28], $0x1F40  }
0x9a: {  	[sflag:s28] =	ssyncset.done $0x0  }
0x9b: {  	[sflag:s28] =	ssyncadd.s32 $0xFFFFE0C0  }
0x9c: {  	_ =	swait.ge [sflag:s1], $0x1F40  }
0x9d: {  	[sflag:s1] =	ssyncset.done $0x0  }
0x9e: {  	[sflag:s1] =	ssyncadd.s32 $0xFFFFE0C0  }
0x9f: {  	_ =	swait.ge [sflag:s23], $0x1F40  }
0xa0: {  	[sflag:s23] =	ssyncset.done $0x0  }
0xa1: {  	[sflag:s23] =	ssyncadd.s32 $0xFFFFE0C0  }
0xa2: {  	_ =	swait.ge [sflag:s26], $0x1F40  }
0xa3: {  	s20 =	sadd.s32 $0x1, s20;
	[sflag:s26] =	ssyncset.done $0x0  }
0xa4: {  	p0 =	sne.s32 s20, s11;
	[sflag:s26] =	ssyncadd.s32 $0xFFFFE0C0  }
.Ltmp1:
0xa5: {  	s31 =	sor.u32 $0x1C0B, s5;
	[bflag:$0x0] =	sbarrier.arrive $0xFFFF;
	(pc) =	sbr.rel @p0 .LBB2_1-.Ltmp1, $4  }
0xa6: {  	[hbm:s10], [sflag:s31] =	dma.local [spmem:s12], $0x1400  }
0xa7: {  	_ =	swait.ge [sflag:s0], $0x1400  }
0xa8: {  	[sflag:s0] =	ssyncset.done $0x0  }
0xa9: {  	[sflag:s0] =	ssyncadd.s32 $0xFFFFEC00  }
0xaa: {  	_ =	sfence.sel $0x180000  }
0xab: {  	[bflag:$0x0] =	sbarrier.arrive $0xFFFF  }
0xac: {  	_ =	strace $0x9000004D  }
0xad: {  	s0 =	stileid.u32;
	[bflag:$0x2] =	sbarrier.arrive $0xFFFF  }
0xae: {  	p0 =	sne.s32 s0, $0x0;
	s0 =	rddreg [dreg:$0x2]  }
0xaf: {  	s0 =	sadd.s32 @!p0 $0x100000, s0  }
0xb0: {  	[sflag:s0] =	ssyncadd.tile.s32 @!p0 $0x1;
	_ =	shalt  }
.Lfunc_end2:
_tile_overlayer_lowered:
.L_overlay_start_2:
0xb1: {  	(tag) =	ssettag $0x2  }
0xb2: {  	s0 =	rddreg [dreg:$0x0];
	s2 =	stileid.u32  }
0xb3: {  	s1 =	rddreg [dreg:$0x1];
	p0 =	sne.s32 s2, $0x0  }
0xb4: {  	s3 =	rddreg [dreg:$0x2];
	[bflag:$0x3] =	sbarrier.arrive $0xFFFF;
	s2 =	simm.s32 @!p0 $0x1C0B  }
0xb5: {  	[timem:s3], [sflag:s2] =	dma.local @!p0 [hbm:s0], s1  }
0xb6: {  	s0 =	simm.s32 @!p0 $0xB  }
0xb7: {  	_ =	swait.ge @!p0 [sflag:s0], s1  }
0xb8: {  	s1 =	ssub.s32 @!p0 $0x0, s1;
	[sflag:s0] =	ssyncset.done @!p0 $0x0  }
0xb9: {  	[sflag:s0] =	ssyncadd.s32 @!p0 s1  }
0xba: {  	[bflag:$0x3] =	sbarrier.arrive $0xFFFF  }
0xbb: {  	_ =	shalt  }

// kernel: kernel.20.cloned.1.call-start
scs
__scs_entry_jumppad:
0x0: {  	(pc) =	sbr.rel $0x88, $3  }
0x1: {  	(tag) =	ssettag $0x0;
	lr =	simm.s32 $0x1  }
0x2: {  	[smem:$0x3F93] =	sst lr;
	_ =	strace $0xD0000000  }
0x3: {  	_ = 	snop  }
0x4: {  	_ = 	snop  }
0x5: {  	_ = 	snop  }
0x6: {  	_ = 	snop  }
0x7: {  	_ = 	snop  }
__scs_overlays_trampoline_lowered:
0x8: {  	[smem:$0x3FA2] =	sst s0  }
0x9: {  	[smem:$0x3FA3] =	sst s1  }
0xa: {  	[smem:$0x3FA4] =	sst s2  }
0xb: {  	[smem:$0x3FA5] =	sst s3  }
0xc: {  	[smem:$0x3FA6] =	sst s4  }
0xd: {  	[smem:$0x3FA7] =	sst s5  }
0xe: {  	[smem:$0x3FA8] =	sst s6  }
0xf: {  	[smem:$0x3FA9] =	sst s7  }
0x10: {  	[smem:$0x3FAA] =	sst s8  }
0x11: {  	[smem:$0x3FAB] =	sst s9;
	s0 =	simm.s32 @!p0 $0x0  }
0x12: {  	s1 =	sld [smem:$0x3F91];
	s0 =	simm.s32 @p0 $0x1  }
0x13: {  	[smem:$0x3FAC] =	sst s0;
	s0 =	simm.s32 @!p1 $0x0  }
0x14: {  	s2 =	sld [smem:$0x3F90];
	s0 =	simm.s32 @p1 $0x1  }
0x15: {  	[smem:$0x3FAD] =	sst s0;
	s0 =	simm.s32 @!p2 $0x0  }
0x16: {  	s3 =	sld [smem:$0x3FDB];
	s0 =	simm.s32 @p2 $0x1  }
0x17: {  	s4 =	simm.s32 $0x1BF5;
	[smem:$0x3FAF] =	sst s0  }
0x18: {  	s0 =	sld [smem:$0x3F92];
	_ =	swait.ge [sflag:s4], $0x0  }
0x19: {  	s7 =	sld [smem:$0x3F93]  }
0x1a: {  	s8 =	sadd.s32 $0xFFFFE003, lr  }
0x1b: {  	s9 =	sadd.s32 $0xFFFFFEF7, lr;
	s5 =	simm.s32 $0xFFFFFFFF;
	p2 =	slt.u32 s8, $0xFFFFF086  }
0x1c: {  	p1 =	slt.u32 s9, $0xF7A;
	s5 =	simm.s32 @!p2 $0x0  }
0x1d: {  	s5 =	simm.s32 @p1 $0x1;
	p0 =	seq.s32 s7, s2  }
0x1e: {  	s7 =	smul.u32 @!p0 $0xF7A, s2;
	p2 =	seq.s32 @!p0 s5, $0x0  }
0x1f: {  	s9 =	smul.u32 $0xF7A, s1;
	s8 =	simm.s32 @!p0 $0x1BF5;
	p2 =	por !p2, p0  }
0x20: {  	[sflag:s8] =	ssyncset.s32 @!p0 $0xFFFFF086;
	s6 =	sadd.s32 @!p0 s3, s7;
	s7 =	simm.s32 @!p0 $0x108  }
0x21: {  	s3 =	sadd.s32 s3, s9;
	s6 =	sadd.s32 @!p0 $0x88, s6;
	s7 =	simm.s32 @p2 $0x1082  }
0x22: {  	[simem:s7], [sflag:s8] =	dma.local @!p0 [hbm:s6], $0xF7A  }
0x23: {  	s9 =	sor.u32 $0xD0000000, s2;
	s6 =	simm.s32 $0x108;
	_ =	swait.ge @!p0 [sflag:s8], $0x0  }
0x24: {  	s3 =	sadd.s32 $0x88, s3;
	s6 =	simm.s32 @!p1 $0x1082;
	[sflag:s4] =	ssyncset.s32 $0xFFFFF086  }
0x25: {  	[simem:s6], [sflag:s4] =	dma.local [hbm:s3], $0xF7A  }
0x26: {  	[smem:$0x3F93] =	sst s1;
	(tag) =	ssettag s2;
	_ =	strace s9  }
0x27: {  	s1 =	sld [smem:$0x3FA3]  }
0x28: {  	s2 =	sld [smem:$0x3FA4]  }
0x29: {  	s4 =	sld [smem:$0x3FA6]  }
0x2a: {  	p0 =	seq.s32 s5, $0x0;
	s5 =	sld [smem:$0x3FA7]  }
0x2b: {  	s6 =	sld [smem:$0x3FA8]  }
0x2c: {  	s7 =	sld [smem:$0x3FA9]  }
0x2d: {  	s3 =	simm.s32 $0x108;
	s8 =	sld [smem:$0x3FAA]  }
0x2e: {  	s3 =	simm.s32 @!p0 $0x1082;
	s9 =	sld [smem:$0x3FAB]  }
0x2f: {  	lr =	sadd.s32 s0, s3;
	s0 =	sld [smem:$0x3FA2]  }
0x30: {  	s3 =	sld [smem:$0x3FA5]  }
0x31: {  	[smem:$0x3FAE] =	sst s10  }
0x32: {  	s10 =	sld [smem:$0x3FAC];
	_ =	sdelay $0x3  }
0x33: {  	p0 =	seq.s32 s10, $0x1;
	s10 =	sld [smem:$0x3FAE];
	_ =	sdelay $0x3  }
0x34: {  	[smem:$0x3FAE] =	sst s10  }
0x35: {  	s10 =	sld [smem:$0x3FAD];
	_ =	sdelay $0x3  }
0x36: {  	p1 =	seq.s32 s10, $0x1;
	s10 =	sld [smem:$0x3FAE];
	_ =	sdelay $0x3  }
0x37: {  	[smem:$0x3FAE] =	sst s10  }
0x38: {  	s10 =	sld [smem:$0x3FAF]  }
0x39: {  	_ = 	snop;
	(pc) =	sbr.ind lr, $3  }
0x3a: {  	_ = 	snop  }
0x3b: {  	_ = 	snop  }
0x3c: {  	p2 =	seq.s32 s10, $0x1;
	s10 =	sld [smem:$0x3FAE]  }
0x3d: {  	_ =	shalt  }
0x3e: {  	_ =	shalt  }
0x3f: {  	_ =	shalt  }
0x40: {  	_ =	shalt  }
0x41: {  	_ =	shalt  }
0x42: {  	_ =	shalt  }
0x43: {  	_ =	shalt  }
0x44: {  	_ =	shalt  }
0x45: {  	_ =	shalt  }
0x46: {  	_ =	shalt  }
0x47: {  	_ =	shalt  }
0x48: {  	_ =	shalt  }
0x49: {  	_ =	shalt  }
0x4a: {  	_ =	shalt  }
0x4b: {  	_ =	shalt  }
0x4c: {  	_ =	shalt  }
0x4d: {  	_ =	shalt  }
0x4e: {  	_ =	shalt  }
0x4f: {  	_ =	shalt  }
0x50: {  	_ =	shalt  }
0x51: {  	_ =	shalt  }
0x52: {  	_ =	shalt  }
0x53: {  	_ =	shalt  }
0x54: {  	_ =	shalt  }
0x55: {  	_ =	shalt  }
0x56: {  	_ =	shalt  }
0x57: {  	_ =	shalt  }
0x58: {  	_ =	shalt  }
0x59: {  	_ =	shalt  }
0x5a: {  	_ =	shalt  }
0x5b: {  	_ =	shalt  }
0x5c: {  	_ =	shalt  }
0x5d: {  	_ =	shalt  }
0x5e: {  	_ =	shalt  }
0x5f: {  	_ =	shalt  }
0x60: {  	_ =	shalt  }
0x61: {  	_ =	shalt  }
0x62: {  	_ =	shalt  }
0x63: {  	_ =	shalt  }
0x64: {  	_ =	shalt  }
0x65: {  	_ =	shalt  }
0x66: {  	_ =	shalt  }
0x67: {  	_ =	shalt  }
0x68: {  	_ =	shalt  }
0x69: {  	_ =	shalt  }
0x6a: {  	_ =	shalt  }
0x6b: {  	_ =	shalt  }
0x6c: {  	_ =	shalt  }
0x6d: {  	_ =	shalt  }
0x6e: {  	_ =	shalt  }
0x6f: {  	_ =	shalt  }
0x70: {  	_ =	shalt  }
0x71: {  	_ =	shalt  }
0x72: {  	_ =	shalt  }
0x73: {  	_ =	shalt  }
0x74: {  	_ =	shalt  }
0x75: {  	_ =	shalt  }
0x76: {  	_ =	shalt  }
0x77: {  	_ =	shalt  }
0x78: {  	_ =	shalt  }
0x79: {  	_ =	shalt  }
0x7a: {  	_ =	shalt  }
0x7b: {  	_ =	shalt  }
0x7c: {  	_ =	shalt  }
0x7d: {  	_ =	shalt  }
0x7e: {  	_ =	shalt  }
0x7f: {  	_ =	shalt  }
0x80: {  	_ =	shalt  }
0x81: {  	_ =	shalt  }
0x82: {  	_ =	shalt  }
0x83: {  	_ =	shalt  }
0x84: {  	_ =	shalt  }
0x85: {  	_ =	shalt  }
0x86: {  	_ =	shalt  }
0x87: {  	_ =	shalt  }
.Lfunc_end0:
.L_simem_size_0:
called_computation.3_lowered:
.L_overlay_start_0:
0x88: {  	s2 =	sld [smem:$0x3FD9]  }
0x89: {  	s3 =	sld [smem:$0x3FFE];
	_ =	sdelay $0x1  }
0x8a: {  	s1 =	srdreg.scid  }
0x8b: {  	s0 =	sand.u32 $0x1, s1  }
0x8c: {  	s16 =	sshll.u32 s0, $0xA;
	s2 =	sadd.s32 s3, s2  }
0x8d: {  	s2 =	sadd.s32 s2, s16  }
0x8e: {  	[smem:$0x3FBA] =	sst s2  }
0x8f: {  	_ = 	snop  }
0x90: {  	(tm) =	ssettm $0x1  }
0x91: {  	s17 =	sld [smem:$0x3FFB];
	_ =	sdelay $0x3  }
0x92: {  	_ =	strace s17  }
0x93: {  	s2 =	sld [smem:$0x3FFC];
	_ =	sdelay $0x3  }
0x94: {  	_ =	strace s2  }
0x95: {  	s2 =	sld [smem:$0x3FFD];
	_ =	sdelay $0x3  }
0x96: {  	_ =	strace s2  }
0x97: {  	_ =	strace $0x8FFFFFFF  }
0x98: {  	s18 =	sld [smem:$0x3FDB];
	_ =	sdelay $0x1  }
0x99: {  	s19 =	simm.s32 $_scs_section_size  }
0x9a: {  	s4 =	simm.s32 $_size__tile_overlayer_lowered;
	s5 =	simm.s32 $_tile_overlayer_lowered  }
0x9b: {  	s22 =	simm.s32 $0x1BFF;
	s21 =	sshll.u32 s5, $0x1;
	s2 =	sadd.s32 s19, s18  }
0x9c: {  	s6 =	simm.s32 $0x0;
	s20 =	sshll.u32 s4, $0x1;
	s4 =	sadd.s32 s21, s2  }
0x9d: {  	[timem:s6], [sflag:s22] =	dma.local [hbm:s4], s20  }
0x9e: {  	_ =	swait.ge [sflag:s22], s20  }
0x9f: {  	s3 =	ssub.s32 $0x0, s20;
	[sflag:s22] =	ssyncset.done $0x0  }
0xa0: {  	[sflag:s22] =	ssyncadd.s32 s3;
	_ =	sdelay $0x1  }
0xa1: {  	s23 =	simm.s32 $0x1B8B  }
0xa2: {  	_ =	swait.ge [sflag:s23], $0x1  }
0xa3: {  	[sflag:s23] =	ssyncset.done $0x0  }
0xa4: {  	s25 =	simm.s32 $0x1B8E;
	s24 =	sld [smem:$0x3FFE];
	[sflag:s23] =	ssyncadd.s32 $0xFFFFFFFF  }
0xa5: {  	s26 =	simm.s32 $execute0_lowered;
	[smem:$0x3FD2] =	sst s25  }
0xa6: {  	s4 =	sshll.u32 s26, $0x1;
	_ =	strace $0x8000004F;
	[dreg:$0x1] =	wrdreg $0xFFFFFFFF  }
0xa7: {  	s28 =	simm.s32 $_size_execute0_lowered;
	s2 =	sadd.s32 s2, s4;
	[dreg:$0x0] =	wrdreg $0x0  }
0xa8: {  	s4 =	sshll.u32 s28, $0x1;
	[dreg:$0x2] =	wrdreg s2  }
0xa9: {  	[dreg:$0x3] =	wrdreg s4  }
0xaa: {  	[dreg:$0x4] =	wrdreg $0xC0  }
0xab: {  	_ =	task [dreg:s6], $0x5FFFF  }
0xac: {  	[dreg:$0x1] =	wrdreg $0xFFFFFFFF  }
0xad: {  	[dreg:$0x0] =	wrdreg $0x60  }
0xae: {  	[dreg:$0x2] =	wrdreg s24  }
0xaf: {  	[dreg:$0x3] =	wrdreg $0x5FA00  }
0xb0: {  	[dreg:$0x4] =	wrdreg $0x9  }
0xb1: {  	_ =	task.clear_ibuf [dreg:s6], $0x5FFFF;
	_ =	strace $0x9000004F  }
0xb2: {  	s29 =	simm.s32 $0x9;
	_ =	strace $0x80000051  }
0xb3: {  	_ =	swait.ge [sflag:s29], $0x1  }
0xb4: {  	[sflag:s29] =	ssyncadd.s32 $0xFFFFFFFF  }
0xb5: {  	_ =	strace $0x90000051  }
0xb6: {  	_ =	sfence  }
0xb7: {  	s30 =	sld [smem:$0x0];
	_ =	sdelay $0x2  }
0xb8: {  	s31 =	sshll.u32 s1, $0xD;
	s1 =	sshrl.u32 s1, $0x2  }
0xb9: {  	s3 =	sand.u32 $0x4000, s31;
	s1 =	sadd.s32 s1, s30  }
0xba: {  	s0 =	sor.u32 s3, s0;
	s1 =	sshll.u32 s1, $0x11  }
0xbb: {  	s0 =	sor.u32 s1, s0  }
0xbc: {  	s0 =	sadd.s32 $0x8F2B, s0  }
0xbd: {  	[sflag:s0] =	ssyncadd.remote.s32 $0x1  }
0xbe: {  	_ =	sfence.sel $0xFFFF  }
0xbf: {  	[dreg:$0x0] =	wrdreg $0xFFFFFFFF;
	(pc) =	sbr.abs _section_cstart, $3  }
0xc0: {  	[dreg:$0x1] =	wrdreg $0xFFFFFFFF  }
0xc1: {  	_ =	task.clear_ibuf [dreg:s6], $0x2FFFF;
	_ =	strace $0x9FFFFFFF  }
0xc2: {  	(tm) =	ssettm $0x7FFFFFFF  }
0xc3: {  	_ =	shalt  }
tec
execute0_lowered:
.L_overlay_start_1:
0x0: {  	(tag) =	ssettag $0x1  }
0x1: {  	s0 =	srdreg.scid  }
0x2: {  	s9 =	stileid.u32;
	s5 =	rddreg [dreg:$0x0]  }
0x3: {  	s2 =	rddreg [dreg:$0x1];
	s3 =	simm.s32 $0x0;
	s13 =	simm.s32 $0x2800  }
0x4: {  	s14 =	simm.s32 $0x9;
	s15 =	simm.s32 $0x7D;
	s16 =	simm.s32 $0x5000  }
0x5: {  	s18 =	simm.s32 $0x53E8;
	s20 =	simm.s32 $0x57D0;
	s21 =	simm.s32 $0xA  }
0x6: {  	s23 =	simm.s32 $0x5BB8;
	s24 =	simm.s32 $0x1;
	s25 =	simm.s32 $0x5  }
0x7: {  	s28 =	simm.s32 $0x2;
	s30 =	simm.s32 $0x6;
	s17 =	simm.s32 $0x7  }
0x8: {  	s22 =	simm.s32 $0x4;
	s29 =	simm.s32 $0x8;
	s19 =	simm.s32 $0x0  }
0x9: {  	s0 =	sand.u32 $0x1, s0;
	s6 =	smul.u32 $0x1400, s9;
	[smem:$0x7FF] =	sst s3  }
0xa: {  	s4 =	sadd.s32 $0x16C00, s5;
	s1 =	sshll.u32 s0, $0x4;
	s7 =	smul.u32 $0x14000, s0  }
0xb: {  	_ =	strace $0x80000050;
	s0 =	ssub.s32 $0x2, s0;
	s1 =	sor.u32 s9, s1  }
0xc: {  	s8 =	sshrl.u32 s6, $0x3;
	s26 =	sshrl.u32 s0, $0x1;
	s12 =	sadd.s32 s6, s2  }
0xd: {  	s1 =	smul.u32 $0x500, s1;
	s7 =	sadd.s32 s6, s7;
	s8 =	sadd.s32 s8, s5  }
0xe: {  	s0 =	ssub.s32 s0, s26;
	s12 =	sshrl.u32 s12, $0x3;
	s7 =	sshrl.u32 s7, $0x3  }
0xf: {  	s31 =	sadd.s32 $0x19400, s8;
	s11 =	smax.u32 s0, $0x1;
	s0 =	simm.s32 $0xB  }
0x10: {  	s1 =	sadd.s32 s1, s5;
	s10 =	sadd.s32 s7, s5;
	s5 =	sshll.u32 s9, $0x6  }
0x11: {  	[dreg:$0x3] =	wrdreg s31;
	s7 =	sor.u32 $0x1C0A, s5;
	s8 =	sadd.s32 $0xCC00, s1  }
0x12: {  	s9 =	sadd.s32 $0x2C00, s1;
	s10 =	sadd.s32 $0x1BC00, s10;
	s1 =	simm.s32 $0x3  }
.LBB2_1:
0x13: {  	s6 =	rddreg [dreg:$0x3]  }
0x14: {  	[spmem:s12], [sflag:s7] =	dma.local [hbm:s6], $0x280  }
0x15: {  	[tilespmem:s3], [sflag:$0x9] =	stream.linear.gather [hbm4b:s8+s3], $0x2800, $0x38;
	[tilespmem:$0x73A0] =	vst v63  }
0x16: {  	_ = 	snop  }
0x17: {  	[tilespmem:s13], [sflag:$0x9] =	stream.linear.gather [hbm4b:s9+s3], $0x2800, $0x38;
	[tilespmem:$0x73A0] =	vst v63  }
0x18: {  	_ =	swait.ge [sflag:s14], $0x2800  }
0x19: {  	[sflag:s14] =	ssyncset.done $0x0  }
0x1a: {  	[sflag:s14] =	ssyncadd.s32 $0xFFFFD800  }
0x1b: {  	_ =	swait.ge [sflag:s14], $0x2800  }
0x1c: {  	[sflag:s14] =	ssyncset.done $0x0  }
0x1d: {  	[sflag:s14] =	ssyncadd.s32 $0xFFFFD800  }
0x1e: {  	[tilespmem:s16], [sflag:$0x1] =	stream.indirect.gather [hbm4b:s4+s15], $0x8, s3, s15, $0xb8;
	[tilespmem:$0x73A0] =	vst v63  }
0x1f: {  	s26 =	simm.s32 $0x80  }
0x20: {  	[tilespmem:s18], [sflag:$0x2] =	stream.indirect.gather [hbm4b:s4+s15], $0x8, s26, s15, $0xb8;
	[tilespmem:$0x73A0] =	vst v63  }
0x21: {  	s26 =	simm.s32 $0x100  }
0x22: {  	[tilespmem:s20], [sflag:$0x3] =	stream.indirect.gather [hbm4b:s4+s15], $0x8, s26, s15, $0xb8;
	[tilespmem:$0x73A0] =	vst v63  }
0x23: {  	_ =	swait.ge [sflag:s21], $0x280  }
0x24: {  	[sflag:s21] =	ssyncset.done $0x0  }
0x25: {  	[sflag:s21] =	ssyncadd.s32 $0xFFFFFD80  }
0x26: {  	s26 =	simm.s32 $0x180;
	[bflag:$0x0] =	sbarrier.arrive $0xFFFF  }
0x27: {  	[tilespmem:s23], [sflag:$0x4] =	stream.indirect.gather [hbm4b:s4+s15], $0x8, s26, s15, $0xb8;
	[tilespmem:$0x73A0] =	vst v63  }
0x28: {  	_ =	swait.ge [sflag:s24], $0x3E8  }
0x29: {  	[sflag:s24] =	ssyncset.done $0x0  }
0x2a: {  	[sflag:s24] =	ssyncadd.s32 $0xFFFFFC18  }
0x2b: {  	[spmem:s2] =	stream.indirect.scatter.add.f32 [tilespmem:s16], [sflag:$0x5], $0x8, s13, s15, $0xb8;
	[tilespmem:$0x73A0] =	vst v63  }
0x2c: {  	_ =	swait.ge [sflag:s25], $0x3E8  }
0x2d: {  	[sflag:s25] =	ssyncset.done $0x0  }
0x2e: {  	s26 =	simm.s32 $0x200;
	[sflag:s25] =	ssyncadd.s32 $0xFFFFFC18  }
0x2f: {  	[tilespmem:s16], [sflag:$0x1] =	stream.indirect.gather [hbm4b:s4+s15], $0x8, s26, s15, $0xb8;
	[tilespmem:$0x73A0] =	vst v63  }
0x30: {  	_ =	swait.ge [sflag:s28], $0x3E8  }
0x31: {  	[sflag:s28] =	ssyncset.done $0x0  }
0x32: {  	s26 =	simm.s32 $0x2880;
	[sflag:s28] =	ssyncadd.s32 $0xFFFFFC18  }
0x33: {  	[spmem:s2] =	stream.indirect.scatter.add.f32 [tilespmem:s18], [sflag:$0x6], $0x8, s26, s15, $0xb8;
	[tilespmem:$0x73A0] =	vst v63  }
0x34: {  	_ =	swait.ge [sflag:s30], $0x3E8  }
0x35: {  	[sflag:s30] =	ssyncset.done $0x0  }
0x36: {  	s26 =	simm.s32 $0x280;
	[sflag:s30] =	ssyncadd.s32 $0xFFFFFC18  }
0x37: {  	[tilespmem:s18], [sflag:$0x2] =	stream.indirect.gather [hbm4b:s4+s15], $0x8, s26, s15, $0xb8;
	[tilespmem:$0x73A0] =	vst v63  }
0x38: {  	_ =	swait.ge [sflag:s1], $0x3E8  }
0x39: {  	[sflag:s1] =	ssyncset.done $0x0  }
0x3a: {  	s26 =	simm.s32 $0x2900;
	[sflag:s1] =	ssyncadd.s32 $0xFFFFFC18  }
0x3b: {  	[spmem:s2] =	stream.indirect.scatter.add.f32 [tilespmem:s20], [sflag:$0x7], $0x8, s26, s15, $0xb8;
	[tilespmem:$0x73A0] =	vst v63  }
0x3c: {  	_ =	swait.ge [sflag:s17], $0x3E8  }
0x3d: {  	[sflag:s17] =	ssyncset.done $0x0  }
0x3e: {  	s26 =	simm.s32 $0x300;
	[sflag:s17] =	ssyncadd.s32 $0xFFFFFC18  }
0x3f: {  	[tilespmem:s20], [sflag:$0x3] =	stream.indirect.gather [hbm4b:s4+s15], $0x8, s26, s15, $0xb8;
	[tilespmem:$0x73A0] =	vst v63  }
0x40: {  	_ =	swait.ge [sflag:s22], $0x3E8  }
0x41: {  	[sflag:s22] =	ssyncset.done $0x0  }
0x42: {  	s26 =	simm.s32 $0x2980;
	[sflag:s22] =	ssyncadd.s32 $0xFFFFFC18  }
0x43: {  	[spmem:s2] =	stream.indirect.scatter.add.f32 [tilespmem:s23], [sflag:$0x8], $0x8, s26, s15, $0xb8;
	[tilespmem:$0x73A0] =	vst v63  }
0x44: {  	_ =	swait.ge [sflag:s29], $0x3E8  }
0x45: {  	[sflag:s29] =	ssyncset.done $0x0  }
0x46: {  	s26 =	simm.s32 $0x380;
	[sflag:s29] =	ssyncadd.s32 $0xFFFFFC18  }
0x47: {  	[tilespmem:s23], [sflag:$0x4] =	stream.indirect.gather [hbm4b:s4+s15], $0x8, s26, s15, $0xb8;
	[tilespmem:$0x73A0] =	vst v63  }
0x48: {  	_ =	swait.ge [sflag:s24], $0x3E8  }
0x49: {  	[sflag:s24] =	ssyncset.done $0x0  }
0x4a: {  	s6 =	simm.s32 $0x2A00;
	[sflag:s24] =	ssyncadd.s32 $0xFFFFFC18  }
0x4b: {  	[spmem:s2] =	stream.indirect.scatter.add.f32 [tilespmem:s16], [sflag:$0x5], $0x8, s6, s15, $0xb8;
	[tilespmem:$0x73A0] =	vst v63  }
0x4c: {  	_ =	swait.ge [sflag:s25], $0x3E8  }
0x4d: {  	[sflag:s25] =	ssyncset.done $0x0  }
0x4e: {  	s6 =	simm.s32 $0x400;
	[sflag:s25] =	ssyncadd.s32 $0xFFFFFC18  }
0x4f: {  	[tilespmem:s16], [sflag:$0x1] =	stream.indirect.gather [hbm4b:s4+s15], $0x8, s6, s15, $0xb8;
	[tilespmem:$0x73A0] =	vst v63  }
0x50: {  	_ =	swait.ge [sflag:s28], $0x3E8  }
0x51: {  	[sflag:s28] =	ssyncset.done $0x0  }
0x52: {  	s6 =	simm.s32 $0x2A80;
	[sflag:s28] =	ssyncadd.s32 $0xFFFFFC18  }
0x53: {  	[spmem:s2] =	stream.indirect.scatter.add.f32 [tilespmem:s18], [sflag:$0x6], $0x8, s6, s15, $0xb8;
	[tilespmem:$0x73A0] =	vst v63  }
0x54: {  	_ =	swait.ge [sflag:s30], $0x3E8  }
0x55: {  	[sflag:s30] =	ssyncset.done $0x0  }
0x56: {  	s6 =	simm.s32 $0x480;
	[sflag:s30] =	ssyncadd.s32 $0xFFFFFC18  }
0x57: {  	[tilespmem:s18], [sflag:$0x2] =	stream.indirect.gather [hbm4b:s4+s15], $0x8, s6, s15, $0xb8;
	[tilespmem:$0x73A0] =	vst v63  }
0x58: {  	_ =	swait.ge [sflag:s1], $0x3E8  }
0x59: {  	[sflag:s1] =	ssyncset.done $0x0  }
0x5a: {  	s6 =	simm.s32 $0x2B00;
	[sflag:s1] =	ssyncadd.s32 $0xFFFFFC18  }
0x5b: {  	[spmem:s2] =	stream.indirect.scatter.add.f32 [tilespmem:s20], [sflag:$0x7], $0x8, s6, s15, $0xb8;
	[tilespmem:$0x73A0] =	vst v63  }
0x5c: {  	_ =	swait.ge [sflag:s17], $0x3E8  }
0x5d: {  	[sflag:s17] =	ssyncset.done $0x0  }
0x5e: {  	s6 =	simm.s32 $0x500;
	[sflag:s17] =	ssyncadd.s32 $0xFFFFFC18  }
0x5f: {  	[tilespmem:s20], [sflag:$0x3] =	stream.indirect.gather [hbm4b:s4+s15], $0x8, s6, s15, $0xb8;
	[tilespmem:$0x73A0] =	vst v63  }
0x60: {  	_ =	swait.ge [sflag:s22], $0x3E8  }
0x61: {  	[sflag:s22] =	ssyncset.done $0x0  }
0x62: {  	s31 =	simm.s32 $0x2B80;
	s26 =	simm.s32 $0x800;
	[sflag:s22] =	ssyncadd.s32 $0xFFFFFC18  }
.LBB2_2:
0x63: {  	[spmem:s2] =	stream.indirect.scatter.add.f32 [tilespmem:s23], [sflag:$0x8], $0x8, s31, s15, $0xb8;
	[tilespmem:$0x73A0] =	vst v63  }
0x64: {  	s31 =	smov.u32 s26  }
0x65: {  	p0 =	sne.s32 s26, $0x8800;
	s26 =	sadd.s32 $0x800, s26;
	_ =	swait.ge [sflag:s29], $0x3E8  }
0x66: {  	s31 =	sshra.s32 s31, $0x2;
	[sflag:s29] =	ssyncset.done $0x0  }
0x67: {  	s6 =	sadd.s32 $0x380, s31;
	[sflag:s29] =	ssyncadd.s32 $0xFFFFFC18  }
0x68: {  	[tilespmem:s23], [sflag:$0x4] =	stream.indirect.gather [hbm4b:s4+s15], $0x8, s6, s15, $0xb8;
	[tilespmem:$0x73A0] =	vst v63  }
0x69: {  	_ =	swait.ge [sflag:s24], $0x3E8  }
0x6a: {  	[sflag:s24] =	ssyncset.done $0x0  }
0x6b: {  	s6 =	sadd.s32 $0x2A00, s31;
	[sflag:s24] =	ssyncadd.s32 $0xFFFFFC18  }
0x6c: {  	[spmem:s2] =	stream.indirect.scatter.add.f32 [tilespmem:s16], [sflag:$0x5], $0x8, s6, s15, $0xb8;
	[tilespmem:$0x73A0] =	vst v63  }
0x6d: {  	_ =	swait.ge [sflag:s25], $0x3E8  }
0x6e: {  	[sflag:s25] =	ssyncset.done $0x0  }
0x6f: {  	s6 =	sadd.s32 $0x400, s31;
	[sflag:s25] =	ssyncadd.s32 $0xFFFFFC18  }
0x70: {  	[tilespmem:s16], [sflag:$0x1] =	stream.indirect.gather [hbm4b:s4+s15], $0x8, s6, s15, $0xb8;
	[tilespmem:$0x73A0] =	vst v63  }
0x71: {  	_ =	swait.ge [sflag:s28], $0x3E8  }
0x72: {  	[sflag:s28] =	ssyncset.done $0x0  }
0x73: {  	s6 =	sadd.s32 $0x2A80, s31;
	[sflag:s28] =	ssyncadd.s32 $0xFFFFFC18  }
0x74: {  	[spmem:s2] =	stream.indirect.scatter.add.f32 [tilespmem:s18], [sflag:$0x6], $0x8, s6, s15, $0xb8;
	[tilespmem:$0x73A0] =	vst v63  }
0x75: {  	_ =	swait.ge [sflag:s30], $0x3E8  }
0x76: {  	[sflag:s30] =	ssyncset.done $0x0  }
0x77: {  	s6 =	sadd.s32 $0x480, s31;
	[sflag:s30] =	ssyncadd.s32 $0xFFFFFC18  }
0x78: {  	[tilespmem:s18], [sflag:$0x2] =	stream.indirect.gather [hbm4b:s4+s15], $0x8, s6, s15, $0xb8;
	[tilespmem:$0x73A0] =	vst v63  }
0x79: {  	_ =	swait.ge [sflag:s1], $0x3E8  }
0x7a: {  	[sflag:s1] =	ssyncset.done $0x0  }
0x7b: {  	s6 =	sadd.s32 $0x2B00, s31;
	[sflag:s1] =	ssyncadd.s32 $0xFFFFFC18  }
0x7c: {  	[spmem:s2] =	stream.indirect.scatter.add.f32 [tilespmem:s20], [sflag:$0x7], $0x8, s6, s15, $0xb8;
	[tilespmem:$0x73A0] =	vst v63  }
0x7d: {  	_ =	swait.ge [sflag:s17], $0x3E8  }
0x7e: {  	[sflag:s17] =	ssyncset.done $0x0  }
.Ltmp0:
0x7f: {  	s6 =	sadd.s32 $0x500, s31;
	[sflag:s17] =	ssyncadd.s32 $0xFFFFFC18;
	(pc) =	sbr.rel @p0 .LBB2_2-.Ltmp0, $4  }
0x80: {  	[tilespmem:s20], [sflag:$0x3] =	stream.indirect.gather [hbm4b:s4+s15], $0x8, s6, s15, $0xb8;
	[tilespmem:$0x73A0] =	vst v63  }
0x81: {  	_ =	swait.ge [sflag:s22], $0x3E8  }
0x82: {  	[sflag:s22] =	ssyncset.done $0x0  }
0x83: {  	s31 =	sadd.s32 $0x2B80, s31;
	[sflag:s22] =	ssyncadd.s32 $0xFFFFFC18  }
0x84: {  	[spmem:s2] =	stream.indirect.scatter.add.f32 [tilespmem:s23], [sflag:$0x8], $0x8, s31, s15, $0xb8;
	[tilespmem:$0x73A0] =	vst v63  }
0x85: {  	_ =	swait.ge [sflag:s29], $0x3E8  }
0x86: {  	[sflag:s29] =	ssyncset.done $0x0  }
0x87: {  	s6 =	simm.s32 $0x2780;
	[sflag:s29] =	ssyncadd.s32 $0xFFFFFC18  }
0x88: {  	[tilespmem:s23], [sflag:$0x4] =	stream.indirect.gather [hbm4b:s4+s15], $0x8, s6, s15, $0xb8;
	[tilespmem:$0x73A0] =	vst v63  }
0x89: {  	_ =	swait.ge [sflag:s24], $0x3E8  }
0x8a: {  	[sflag:s24] =	ssyncset.done $0x0  }
0x8b: {  	s31 =	simm.s32 $0x4E00;
	[sflag:s24] =	ssyncadd.s32 $0xFFFFFC18  }
0x8c: {  	[spmem:s2] =	stream.indirect.scatter.add.f32 [tilespmem:s16], [sflag:$0x5], $0x8, s31, s15, $0xb8;
	[tilespmem:$0x73A0] =	vst v63  }
0x8d: {  	_ =	swait.ge [sflag:s28], $0x3E8  }
0x8e: {  	[sflag:s28] =	ssyncset.done $0x0  }
0x8f: {  	s26 =	simm.s32 $0x4E80;
	[sflag:s28] =	ssyncadd.s32 $0xFFFFFC18  }
0x90: {  	[spmem:s2] =	stream.indirect.scatter.add.f32 [tilespmem:s18], [sflag:$0x6], $0x8, s26, s15, $0xb8;
	[tilespmem:$0x73A0] =	vst v63  }
0x91: {  	_ =	swait.ge [sflag:s1], $0x3E8  }
0x92: {  	[sflag:s1] =	ssyncset.done $0x0  }
0x93: {  	s31 =	simm.s32 $0x4F00;
	[sflag:s1] =	ssyncadd.s32 $0xFFFFFC18  }
0x94: {  	[spmem:s2] =	stream.indirect.scatter.add.f32 [tilespmem:s20], [sflag:$0x7], $0x8, s31, s15, $0xb8;
	[tilespmem:$0x73A0] =	vst v63  }
0x95: {  	_ =	swait.ge [sflag:s22], $0x3E8  }
0x96: {  	[sflag:s22] =	ssyncset.done $0x0  }
0x97: {  	s26 =	simm.s32 $0x4F80;
	[sflag:s22] =	ssyncadd.s32 $0xFFFFFC18  }
0x98: {  	[spmem:s2] =	stream.indirect.scatter.add.f32 [tilespmem:s23], [sflag:$0x8], $0x8, s26, s15, $0xb8;
	[tilespmem:$0x73A0] =	vst v63  }
0x99: {  	_ =	swait.ge [sflag:s25], $0x3E8  }
0x9a: {  	[sflag:s25] =	ssyncset.done $0x0  }
0x9b: {  	[sflag:s25] =	ssyncadd.s32 $0xFFFFFC18  }
0x9c: {  	_ =	swait.ge [sflag:s30], $0x3E8  }
0x9d: {  	[sflag:s30] =	ssyncset.done $0x0  }
0x9e: {  	[sflag:s30] =	ssyncadd.s32 $0xFFFFFC18  }
0x9f: {  	_ =	swait.ge [sflag:s17], $0x3E8  }
0xa0: {  	[sflag:s17] =	ssyncset.done $0x0  }
0xa1: {  	[sflag:s17] =	ssyncadd.s32 $0xFFFFFC18  }
0xa2: {  	_ =	swait.ge [sflag:s29], $0x3E8  }
0xa3: {  	s19 =	sadd.s32 $0x1, s19;
	[sflag:s29] =	ssyncset.done $0x0  }
0xa4: {  	p0 =	sne.s32 s19, s11;
	[sflag:s29] =	ssyncadd.s32 $0xFFFFFC18  }
.Ltmp1:
0xa5: {  	s31 =	sor.u32 $0x1C0B, s5;
	[bflag:$0x0] =	sbarrier.arrive $0xFFFF;
	(pc) =	sbr.rel @p0 .LBB2_1-.Ltmp1, $4  }
0xa6: {  	[hbm:s10], [sflag:s31] =	dma.local [spmem:s12], $0x280  }
0xa7: {  	_ =	swait.ge [sflag:s0], $0x280  }
0xa8: {  	[sflag:s0] =	ssyncset.done $0x0  }
0xa9: {  	[sflag:s0] =	ssyncadd.s32 $0xFFFFFD80  }
0xaa: {  	_ =	sfence.sel $0x180000  }
0xab: {  	[bflag:$0x0] =	sbarrier.arrive $0xFFFF  }
0xac: {  	_ =	strace $0x90000050  }
0xad: {  	s0 =	stileid.u32;
	[bflag:$0x2] =	sbarrier.arrive $0xFFFF  }
0xae: {  	p0 =	sne.s32 s0, $0x0;
	s0 =	rddreg [dreg:$0x2]  }
0xaf: {  	s0 =	sadd.s32 @!p0 $0x100000, s0  }
0xb0: {  	[sflag:s0] =	ssyncadd.tile.s32 @!p0 $0x1;
	_ =	shalt  }
.Lfunc_end2:
_tile_overlayer_lowered:
.L_overlay_start_2:
0xb1: {  	(tag) =	ssettag $0x2  }
0xb2: {  	s0 =	rddreg [dreg:$0x0];
	s2 =	stileid.u32  }
0xb3: {  	s1 =	rddreg [dreg:$0x1];
	p0 =	sne.s32 s2, $0x0  }
0xb4: {  	s3 =	rddreg [dreg:$0x2];
	[bflag:$0x3] =	sbarrier.arrive $0xFFFF;
	s2 =	simm.s32 @!p0 $0x1C0B  }
0xb5: {  	[timem:s3], [sflag:s2] =	dma.local @!p0 [hbm:s0], s1  }
0xb6: {  	s0 =	simm.s32 @!p0 $0xB  }
0xb7: {  	_ =	swait.ge @!p0 [sflag:s0], s1  }
0xb8: {  	s1 =	ssub.s32 @!p0 $0x0, s1;
	[sflag:s0] =	ssyncset.done @!p0 $0x0  }
0xb9: {  	[sflag:s0] =	ssyncadd.s32 @!p0 s1  }
0xba: {  	[bflag:$0x3] =	sbarrier.arrive $0xFFFF  }
0xbb: {  	_ =	shalt  }

</sc_bundles>
